<compile_context>
chip_gen: v7x
topology: tpu7x:2x2x1
jax: 0.10.2.dev20260603
libtpu: 0.0.44.dev20260713+nightly
codegen_flags: <defaults>
</compile_context>

<pallas_src>
import functools

import jax
import jax.numpy as jnp
from jax import lax
from jax.experimental import pallas as pl
from jax.experimental.pallas import tpu as pltpu
from jax.experimental.pallas import tpu_sc as plsc

_LANES = 16
_BLK = 128
_SUB = 8


def _flatten_table(table):
    v, k = table.shape
    padc = (-v) % _BLK
    nt = (v + padc) // _BLK
    tp = jnp.pad(table.T, ((0, 0), (0, padc)))
    flat = tp.reshape(k // _SUB, _SUB, nt, _BLK)
    flat = flat.transpose(0, 2, 1, 3).reshape(-1)
    return flat, nt


def _flat_indices(ids, nt, k, gidx):
    def calc_idx(t, carry):
        tsl = pl.ds(t * _LANES, _LANES)
        vec = ids[tsl]
        base = ((vec >> 7) << 10) + (vec & 127)
        for kk in range(k):
            off = ((kk // _SUB) * nt << 10) + (kk % _SUB) * _BLK
            gidx[kk, tsl] = base + off
        return carry

    lax.fori_loop(0, ids.shape[0] // _LANES, calc_idx, 0)


def _gather_table(hbm, gidx, vals, sem, k, b_per_w):
    def fire(kk, carry):
        pltpu.async_copy(hbm.at[gidx.at[kk]], vals.at[kk], sem)
        return carry

    lax.fori_loop(0, k, fire, 0)

    def drain(d, carry):
        pltpu.make_async_copy(hbm.at[pl.ds(0, b_per_w)],
                              vals.at[0], sem).wait()
        return carry

    lax.fori_loop(0, k, drain, 0)


def _mesh():
    return plsc.VectorSubcoreMesh(core_axis_name="c", subcore_axis_name="s")


def _compiler_params():
    return pltpu.CompilerParams(
        needs_layout_passes=False, use_tc_tiling_on_sc=False)


def _make_prep_kernel(num_workers, nc, b_per_w, k_dim, nt_i):
    @functools.partial(
        pl.kernel,
        mesh=_mesh(),
        out_type=(
            jax.ShapeDtypeStruct((num_workers, b_per_w), jnp.float32),
            jax.ShapeDtypeStruct((num_workers, b_per_w), jnp.float32),
            jax.ShapeDtypeStruct((num_workers, k_dim, b_per_w), jnp.float32),
        ),
        compiler_params=_compiler_params(),
        scratch_types=[
            pltpu.VMEM((b_per_w,), jnp.int32),
            pltpu.VMEM((b_per_w,), jnp.int32),
            pltpu.VMEM((b_per_w,), jnp.float32),
            pltpu.VMEM((b_per_w,), jnp.float32),
            pltpu.VMEM((k_dim, b_per_w), jnp.int32),
            pltpu.VMEM((k_dim, b_per_w), jnp.float32),
            pltpu.SemaphoreType.DMA,
            pltpu.SemaphoreType.DMA,
        ],
    )
    def prep_kernel(su_hbm, si_hbm, bU_hbm, bI_hbm, gI_hbm, bu_out, bi_out,
                    giv_out, idx_u, idx_i, bu_v, bi_v, gidx_i, gi_v, sem,
                    gsem):
        wid = lax.axis_index("s") * nc + lax.axis_index("c")
        pltpu.sync_copy(su_hbm.at[wid], idx_u)
        pltpu.sync_copy(si_hbm.at[wid], idx_i)
        bu_copy = pltpu.async_copy(bU_hbm.at[idx_u], bu_v, sem)
        bi_copy = pltpu.async_copy(bI_hbm.at[idx_i], bi_v, sem)
        _flat_indices(idx_i, nt_i, k_dim, gidx_i)
        _gather_table(gI_hbm, gidx_i, gi_v, gsem, k_dim, b_per_w)
        bu_copy.wait()
        bi_copy.wait()
        pltpu.sync_copy(bu_v, bu_out.at[wid])
        pltpu.sync_copy(bi_v, bi_out.at[wid])
        pltpu.sync_copy(gi_v, giv_out.at[wid])

    return prep_kernel


def _make_lo_kernel(num_workers, nc, b_per_w, k_lo, nt_u):
    @functools.partial(
        pl.kernel,
        mesh=_mesh(),
        out_type=jax.ShapeDtypeStruct((num_workers, k_lo, b_per_w),
                                      jnp.float32),
        compiler_params=_compiler_params(),
        scratch_types=[
            pltpu.VMEM((b_per_w,), jnp.int32),
            pltpu.VMEM((k_lo, b_per_w), jnp.int32),
            pltpu.VMEM((k_lo, b_per_w), jnp.float32),
            pltpu.SemaphoreType.DMA,
        ],
    )
    def lo_kernel(su_hbm, gUlo_hbm, gul_out, idx_u, gidx_u, gu_v, gsem):
        wid = lax.axis_index("s") * nc + lax.axis_index("c")
        pltpu.sync_copy(su_hbm.at[wid], idx_u)
        _flat_indices(idx_u, nt_u, k_lo, gidx_u)
        _gather_table(gUlo_hbm, gidx_u, gu_v, gsem, k_lo, b_per_w)
        pltpu.sync_copy(gu_v, gul_out.at[wid])

    return lo_kernel


def _make_main_kernel(num_workers, nc, b_per_w, k_dim, k_lo, nt_u):
    n_groups = b_per_w // _LANES
    k_hi = k_dim - k_lo

    @functools.partial(
        pl.kernel,
        mesh=_mesh(),
        out_type=jax.ShapeDtypeStruct((num_workers, _LANES), jnp.float32),
        compiler_params=_compiler_params(),
        scratch_types=[
            pltpu.VMEM((b_per_w,), jnp.int32),
            pltpu.VMEM((b_per_w,), jnp.float32),
            pltpu.VMEM((_LANES,), jnp.float32),
            pltpu.VMEM((b_per_w,), jnp.float32),
            pltpu.VMEM((b_per_w,), jnp.float32),
            pltpu.VMEM((k_hi, b_per_w), jnp.int32),
            pltpu.VMEM((k_lo, b_per_w), jnp.float32),
            pltpu.VMEM((k_hi, b_per_w), jnp.float32),
            pltpu.VMEM((k_dim, b_per_w), jnp.float32),
            pltpu.VMEM((_LANES,), jnp.float32),
            pltpu.SemaphoreType.DMA,
        ],
    )
    def main_kernel(su_hbm, r_hbm, av_hbm, gUhi_hbm, bu_hbm, bi_hbm,
                    gul_hbm, giv_hbm, out_hbm, idx_u, r_v, a_v, bu_v, bi_v,
                    gidx_u, gul_v, guh_v, gi_v, loss_v, gsem):
        wid = lax.axis_index("s") * nc + lax.axis_index("c")
        pltpu.sync_copy(su_hbm.at[wid], idx_u)
        _flat_indices(idx_u, nt_u, k_hi, gidx_u)

        def fire(k, carry):
            pltpu.async_copy(gUhi_hbm.at[gidx_u.at[k]], guh_v.at[k], gsem)
            return carry

        lax.fori_loop(0, k_hi, fire, 0)
        pltpu.sync_copy(r_hbm.at[wid], r_v)
        pltpu.sync_copy(av_hbm, a_v)
        pltpu.sync_copy(bu_hbm.at[wid], bu_v)
        pltpu.sync_copy(bi_hbm.at[wid], bi_v)
        pltpu.sync_copy(gul_hbm.at[wid], gul_v)
        pltpu.sync_copy(giv_hbm.at[wid], gi_v)

        def drain(d, carry):
            pltpu.make_async_copy(gUhi_hbm.at[pl.ds(0, b_per_w)],
                                  guh_v.at[0], gsem).wait()
            return carry

        lax.fori_loop(0, k_hi, drain, 0)
        alpha = a_v[...]

        def group(g, acc_loss):
            sl = pl.ds(g * _LANES, _LANES)
            dot = gul_v[0, sl] * gi_v[0, sl]
            for k in range(1, k_lo):
                dot = dot + gul_v[k, sl] * gi_v[k, sl]
            for k in range(k_hi):
                dot = dot + guh_v[k, sl] * gi_v[k_lo + k, sl]
            pred = alpha + bu_v[sl] + bi_v[sl] + dot
            sig = 5.0 / (1.0 + jnp.exp(-pred))
            diff = sig - r_v[sl]
            return acc_loss + diff * diff

        acc = lax.fori_loop(0, n_groups, group,
                            jnp.zeros((_LANES,), jnp.float32))
        loss_v[...] = acc
        pltpu.sync_copy(loss_v, out_hbm.at[wid])

    return main_kernel


def kernel(sampleU, sampleI, sampleR, alpha, betaU, betaI, gammaU, gammaI):
    info = plsc.get_sparse_core_info()
    nc, ns = info.num_cores, info.num_subcores
    nw = nc * ns
    b = sampleU.shape[0]
    k_dim = gammaU.shape[1]
    k_lo = k_dim // 2
    b_per_w = b // nw
    su = sampleU.astype(jnp.int32).reshape(nw, b_per_w)
    si = sampleI.astype(jnp.int32).reshape(nw, b_per_w)
    r = sampleR.astype(jnp.float32).reshape(nw, b_per_w)
    av = jnp.broadcast_to(jnp.asarray(alpha, jnp.float32), (_LANES,))
    gU_lo, nt_u = _flatten_table(gammaU[:, :k_lo])
    gU_hi, _ = _flatten_table(gammaU[:, k_lo:])
    gI_flat, nt_i = _flatten_table(gammaI)
    prep = _make_prep_kernel(nw, nc, b_per_w, k_dim, nt_i)
    bu, bi, giv = prep(su, si, betaU, betaI, gI_flat)
    lo = _make_lo_kernel(nw, nc, b_per_w, k_lo, nt_u)
    gul = lo(su, gU_lo)
    main = _make_main_kernel(nw, nc, b_per_w, k_dim, k_lo, nt_u)
    out = main(su, r, av, gU_hi, bu, bi, gul, giv)
    return jnp.sum(out) / b

# --- scband reference (transcript-rebuilt; emitter-appended) ---
"""Pipeline reference for scband-rating-model-67018669687095 (READ-ONLY COPY).

The authoritative reference and input builder live on the scoring server;
editing this copy changes nothing except your own understanding.
"""

import jax, jax.numpy as jnp
import numpy as np

NUM_USERS = 1000000
NUM_ITEMS = 100000
K = 32
B = 16384
MEAN_RATING = 3.5


def setup_inputs(seed: int = 0) -> dict:
    key = jax.random.key(seed)
    k1, k2, k3, k4, k5, k6, k7 = jax.random.split(key, 7)
    sampleU = jax.random.randint(k1, (B,), 0, NUM_USERS)
    sampleI = jax.random.randint(k2, (B,), 0, NUM_ITEMS)
    sampleR = jax.random.uniform(k3, (B,), dtype=jnp.float32) * 5.0
    alpha = jnp.asarray(MEAN_RATING, dtype=jnp.float32)
    betaU = jax.random.normal(k4, (NUM_USERS,), dtype=jnp.float32) * 1e-05
    betaI = jax.random.normal(k5, (NUM_ITEMS,), dtype=jnp.float32) * 0.01
    gammaU = jax.random.normal(k6, (NUM_USERS, K), dtype=jnp.float32) * 1e-05
    gammaI = jax.random.normal(k7, (NUM_ITEMS, K), dtype=jnp.float32) * 0.01
    return {
        "sampleU": sampleU,
        "sampleI": sampleI,
        "sampleR": sampleR,
        "alpha": alpha,
        "betaU": betaU,
        "betaI": betaI,
        "gammaU": gammaU,
        "gammaI": gammaI,
    }


def reference(sampleU, sampleI, sampleR, alpha, betaU, betaI, gammaU, gammaI):
    # embedding lookups (tf.nn.embedding_lookup -> jnp.take)
    beta_u = jnp.take(betaU, sampleU, axis=0)
    beta_i = jnp.take(betaI, sampleI, axis=0)
    gamma_u = jnp.take(gammaU, sampleU, axis=0)
    gamma_i = jnp.take(gammaI, sampleI, axis=0)
    pred = alpha + beta_u + beta_i + jnp.sum(gamma_u * gamma_i, axis=1)
    pred = 5.0 * jax.nn.sigmoid(pred)
    # 2 * tf.nn.l2_loss(pred - r) / len(sampleR) == sum((pred - r)**2) / B
    diff = pred - sampleR
    loss = 2.0 * (0.5 * jnp.sum(diff ** 2)) / sampleR.shape[0]
    return loss

if __name__ == "__main__":
    import jax
    _d = setup_inputs()
    print(jax.jit(kernel)(*tuple(_d.values())))

</pallas_src>

<mosaic_0001>
#map = affine_map<(d0, d1) -> (0, 0)>
#map1 = affine_map<(d0, d1) -> (0)>
#map2 = affine_map<(d0, d1) -> (0, 0, 0)>
module attributes {stable_mosaic.version = 14 : i64} {
  func.func @lo_kernel(%arg0: i32, %arg1: i32, %arg2: memref<32x512xi32, #tpu.memory_space<hbm>>, %arg3: memref<16001024xf32, #tpu.memory_space<hbm>>, %arg4: memref<32x16x512xf32, #tpu.memory_space<hbm>>, %arg5: memref<512xi32, #tpu.memory_space<vmem>>, %arg6: memref<16x512xi32, #tpu.memory_space<vmem>>, %arg7: memref<16x512xf32, #tpu.memory_space<vmem>>, %arg8: memref<!tpu.dma_semaphore, #tpu.memory_space<semaphore_mem>>) attributes {dimension_semantics = [#tpu.dimension_semantics<core_parallel>, #tpu.dimension_semantics<subcore_parallel>], iteration_bounds = array<i64: 2, 16>, scalar_prefetch = 0 : i64, scratch_operands = 4 : i64, tpu.core_type = #tpu.core_type<sc_vector_subcore>, window_params = [{transform_indices = #map}, {transform_indices = #map1}, {transform_indices = #map2}]} {
    %mul3A = arith.constant 2 : i32
    %mul3A_0 = arith.muli %arg1, %mul3A : i32
    %add3A = arith.addi %mul3A_0, %arg0 : i32
    "tpu.region"() ({
      %run_scoped3A = tpu.sem_alloc : memref<!tpu.dma_semaphore, #tpu.memory_space<semaphore_mem>>
      %dma_start3A = arith.constant 0 : i32
      %dma_start3A_18 = tpu.memref_slice %arg2[%add3A, %dma_start3A] : memref<32x512xi32, #tpu.memory_space<hbm>> -> memref<1x512xi32, #tpu.memory_space<hbm>>
      %dma_start3A_19 = tpu.memref_squeeze %dma_start3A_18 : memref<1x512xi32, #tpu.memory_space<hbm>> -> memref<512xi32, #tpu.memory_space<hbm>>
      %dma_start3A_20 = arith.constant 0 : i32
      %dma_start3A_21 = tpu.memref_slice %arg2[%add3A, %dma_start3A_20] : memref<32x512xi32, #tpu.memory_space<hbm>> -> memref<1x512xi32, #tpu.memory_space<hbm>>
      %dma_start3A_22 = tpu.memref_squeeze %dma_start3A_21 : memref<1x512xi32, #tpu.memory_space<hbm>> -> memref<512xi32, #tpu.memory_space<hbm>>
      tpu.enqueue_dma source(%dma_start3A_22 : memref<512xi32, #tpu.memory_space<hbm>>) target(%arg5 : memref<512xi32, #tpu.memory_space<vmem>>) target_semaphore(%run_scoped3A : memref<!tpu.dma_semaphore, #tpu.memory_space<semaphore_mem>>)
      %dma_wait3A = arith.constant 0 : i32
      %dma_wait3A_23 = tpu.memref_slice %arg2[%add3A, %dma_wait3A] : memref<32x512xi32, #tpu.memory_space<hbm>> -> memref<1x512xi32, #tpu.memory_space<hbm>>
      %dma_wait3A_24 = tpu.memref_squeeze %dma_wait3A_23 : memref<1x512xi32, #tpu.memory_space<hbm>> -> memref<512xi32, #tpu.memory_space<hbm>>
      %dma_wait3A_25 = arith.constant 0 : i32
      %dma_wait3A_26 = tpu.memref_slice %arg2[%add3A, %dma_wait3A_25] : memref<32x512xi32, #tpu.memory_space<hbm>> -> memref<1x512xi32, #tpu.memory_space<hbm>>
      %dma_wait3A_27 = tpu.memref_squeeze %dma_wait3A_26 : memref<1x512xi32, #tpu.memory_space<hbm>> -> memref<512xi32, #tpu.memory_space<hbm>>
      tpu.wait_dma2 semaphore(%run_scoped3A : memref<!tpu.dma_semaphore, #tpu.memory_space<semaphore_mem>>) src(%dma_wait3A_27 : memref<512xi32, #tpu.memory_space<hbm>>) dst(%arg5 : memref<512xi32, #tpu.memory_space<vmem>>)
      tpu.yield
    }) : () -> ()
    %scan3A = arith.constant 0 : i32
    %scan3A_1 = arith.constant 0 : i32
    %scan3A_2 = arith.constant 32 : i32
    %scan3A_3 = arith.addi %scan3A_1, %scan3A_2 : i32
    %scan3A_4 = arith.constant 1 : i32
    scf.for %scan3A_18 = %scan3A_1 to %scan3A_3 step %scan3A_4  : i32 {
      %mul3A_19 = arith.constant 16 : i32
      %mul3A_20 = arith.muli %scan3A_18, %mul3A_19 : i32
      %get3A = arith.index_cast %mul3A_20 : i32 to index
      %get3A_21 = tpu.vector_load %arg5[%get3A] {strides = array<i32>} : memref<512xi32, #tpu.memory_space<vmem>>, vector<16xi32>,
      %shift_right_arithmetic3A = arith.constant 7 : i32
      %shift_right_arithmetic3A_22 = vector.broadcast %shift_right_arithmetic3A : i32 to vector<16xi32>
      %shift_right_arithmetic3A_23 = arith.shrsi %get3A_21, %shift_right_arithmetic3A_22 : vector<16xi32>
      %shift_left3A = arith.constant 10 : i32
      %shift_left3A_24 = vector.broadcast %shift_left3A : i32 to vector<16xi32>
      %shift_left3A_25 = arith.shli %shift_right_arithmetic3A_23, %shift_left3A_24 : vector<16xi32>
      %and3A = arith.constant 127 : i32
      %and3A_26 = vector.broadcast %and3A : i32 to vector<16xi32>
      %and3A_27 = arith.andi %get3A_21, %and3A_26 : vector<16xi32>
      %add3A_28 = arith.addi %shift_left3A_25, %and3A_27 : vector<16xi32>
      %add3A_29 = arith.constant 0 : i32
      %add3A_30 = vector.broadcast %add3A_29 : i32 to vector<16xi32>
      %add3A_31 = arith.addi %add3A_28, %add3A_30 : vector<16xi32>
      %swap3A = arith.constant 0 : i32
      %swap3A_32 = arith.index_cast %swap3A : i32 to index
      %swap3A_33 = arith.index_cast %mul3A_20 : i32 to index
      %swap3A_34 = tpu.vector_load %arg6[%swap3A_32, %swap3A_33] {strides = array<i32>} : memref<16x512xi32, #tpu.memory_space<vmem>>, vector<16xi32>,
      tpu.vector_store %arg6[%swap3A_32, %swap3A_33], %add3A_31 {strides = array<i32>} : memref<16x512xi32, #tpu.memory_space<vmem>>, vector<16xi32>,
      %add3A_35 = arith.constant 128 : i32
      %add3A_36 = vector.broadcast %add3A_35 : i32 to vector<16xi32>
      %add3A_37 = arith.addi %add3A_28, %add3A_36 : vector<16xi32>
      %swap3A_38 = arith.constant 1 : i32
      %swap3A_39 = arith.index_cast %swap3A_38 : i32 to index
      %swap3A_40 = arith.index_cast %mul3A_20 : i32 to index
      %swap3A_41 = tpu.vector_load %arg6[%swap3A_39, %swap3A_40] {strides = array<i32>} : memref<16x512xi32, #tpu.memory_space<vmem>>, vector<16xi32>,
      tpu.vector_store %arg6[%swap3A_39, %swap3A_40], %add3A_37 {strides = array<i32>} : memref<16x512xi32, #tpu.memory_space<vmem>>, vector<16xi32>,
      %add3A_42 = arith.constant 256 : i32
      %add3A_43 = vector.broadcast %add3A_42 : i32 to vector<16xi32>
      %add3A_44 = arith.addi %add3A_28, %add3A_43 : vector<16xi32>
      %swap3A_45 = arith.constant 2 : i32
      %swap3A_46 = arith.index_cast %swap3A_45 : i32 to index
      %swap3A_47 = arith.index_cast %mul3A_20 : i32 to index
      %swap3A_48 = tpu.vector_load %arg6[%swap3A_46, %swap3A_47] {strides = array<i32>} : memref<16x512xi32, #tpu.memory_space<vmem>>, vector<16xi32>,
      tpu.vector_store %arg6[%swap3A_46, %swap3A_47], %add3A_44 {strides = array<i32>} : memref<16x512xi32, #tpu.memory_space<vmem>>, vector<16xi32>,
      %add3A_49 = arith.constant 384 : i32
      %add3A_50 = vector.broadcast %add3A_49 : i32 to vector<16xi32>
      %add3A_51 = arith.addi %add3A_28, %add3A_50 : vector<16xi32>
      %swap3A_52 = arith.constant 3 : i32
      %swap3A_53 = arith.index_cast %swap3A_52 : i32 to index
      %swap3A_54 = arith.index_cast %mul3A_20 : i32 to index
      %swap3A_55 = tpu.vector_load %arg6[%swap3A_53, %swap3A_54] {strides = array<i32>} : memref<16x512xi32, #tpu.memory_space<vmem>>, vector<16xi32>,
      tpu.vector_store %arg6[%swap3A_53, %swap3A_54], %add3A_51 {strides = array<i32>} : memref<16x512xi32, #tpu.memory_space<vmem>>, vector<16xi32>,
      %add3A_56 = arith.constant 512 : i32
      %add3A_57 = vector.broadcast %add3A_56 : i32 to vector<16xi32>
      %add3A_58 = arith.addi %add3A_28, %add3A_57 : vector<16xi32>
      %swap3A_59 = arith.constant 4 : i32
      %swap3A_60 = arith.index_cast %swap3A_59 : i32 to index
      %swap3A_61 = arith.index_cast %mul3A_20 : i32 to index
      %swap3A_62 = tpu.vector_load %arg6[%swap3A_60, %swap3A_61] {strides = array<i32>} : memref<16x512xi32, #tpu.memory_space<vmem>>, vector<16xi32>,
      tpu.vector_store %arg6[%swap3A_60, %swap3A_61], %add3A_58 {strides = array<i32>} : memref<16x512xi32, #tpu.memory_space<vmem>>, vector<16xi32>,
      %add3A_63 = arith.constant 640 : i32
      %add3A_64 = vector.broadcast %add3A_63 : i32 to vector<16xi32>
      %add3A_65 = arith.addi %add3A_28, %add3A_64 : vector<16xi32>
      %swap3A_66 = arith.constant 5 : i32
      %swap3A_67 = arith.index_cast %swap3A_66 : i32 to index
      %swap3A_68 = arith.index_cast %mul3A_20 : i32 to index
      %swap3A_69 = tpu.vector_load %arg6[%swap3A_67, %swap3A_68] {strides = array<i32>} : memref<16x512xi32, #tpu.memory_space<vmem>>, vector<16xi32>,
      tpu.vector_store %arg6[%swap3A_67, %swap3A_68], %add3A_65 {strides = array<i32>} : memref<16x512xi32, #tpu.memory_space<vmem>>, vector<16xi32>,
      %add3A_70 = arith.constant 768 : i32
      %add3A_71 = vector.broadcast %add3A_70 : i32 to vector<16xi32>
      %add3A_72 = arith.addi %add3A_28, %add3A_71 : vector<16xi32>
      %swap3A_73 = arith.constant 6 : i32
      %swap3A_74 = arith.index_cast %swap3A_73 : i32 to index
      %swap3A_75 = arith.index_cast %mul3A_20 : i32 to index
      %swap3A_76 = tpu.vector_load %arg6[%swap3A_74, %swap3A_75] {strides = array<i32>} : memref<16x512xi32, #tpu.memory_space<vmem>>, vector<16xi32>,
      tpu.vector_store %arg6[%swap3A_74, %swap3A_75], %add3A_72 {strides = array<i32>} : memref<16x512xi32, #tpu.memory_space<vmem>>, vector<16xi32>,
      %add3A_77 = arith.constant 896 : i32
      %add3A_78 = vector.broadcast %add3A_77 : i32 to vector<16xi32>
      %add3A_79 = arith.addi %add3A_28, %add3A_78 : vector<16xi32>
      %swap3A_80 = arith.constant 7 : i32
      %swap3A_81 = arith.index_cast %swap3A_80 : i32 to index
      %swap3A_82 = arith.index_cast %mul3A_20 : i32 to index
      %swap3A_83 = tpu.vector_load %arg6[%swap3A_81, %swap3A_82] {strides = array<i32>} : memref<16x512xi32, #tpu.memory_space<vmem>>, vector<16xi32>,
      tpu.vector_store %arg6[%swap3A_81, %swap3A_82], %add3A_79 {strides = array<i32>} : memref<16x512xi32, #tpu.memory_space<vmem>>, vector<16xi32>,
      %add3A_84 = arith.constant 8000512 : i32
      %add3A_85 = vector.broadcast %add3A_84 : i32 to vector<16xi32>
      %add3A_86 = arith.addi %add3A_28, %add3A_85 : vector<16xi32>
      %swap3A_87 = arith.constant 8 : i32
      %swap3A_88 = arith.index_cast %swap3A_87 : i32 to index
      %swap3A_89 = arith.index_cast %mul3A_20 : i32 to index
      %swap3A_90 = tpu.vector_load %arg6[%swap3A_88, %swap3A_89] {strides = array<i32>} : memref<16x512xi32, #tpu.memory_space<vmem>>, vector<16xi32>,
      tpu.vector_store %arg6[%swap3A_88, %swap3A_89], %add3A_86 {strides = array<i32>} : memref<16x512xi32, #tpu.memory_space<vmem>>, vector<16xi32>,
      %add3A_91 = arith.constant 8000640 : i32
      %add3A_92 = vector.broadcast %add3A_91 : i32 to vector<16xi32>
      %add3A_93 = arith.addi %add3A_28, %add3A_92 : vector<16xi32>
      %swap3A_94 = arith.constant 9 : i32
      %swap3A_95 = arith.index_cast %swap3A_94 : i32 to index
      %swap3A_96 = arith.index_cast %mul3A_20 : i32 to index
      %swap3A_97 = tpu.vector_load %arg6[%swap3A_95, %swap3A_96] {strides = array<i32>} : memref<16x512xi32, #tpu.memory_space<vmem>>, vector<16xi32>,
      tpu.vector_store %arg6[%swap3A_95, %swap3A_96], %add3A_93 {strides = array<i32>} : memref<16x512xi32, #tpu.memory_space<vmem>>, vector<16xi32>,
      %add3A_98 = arith.constant 8000768 : i32
      %add3A_99 = vector.broadcast %add3A_98 : i32 to vector<16xi32>
      %add3A_100 = arith.addi %add3A_28, %add3A_99 : vector<16xi32>
      %swap3A_101 = arith.constant 10 : i32
      %swap3A_102 = arith.index_cast %swap3A_101 : i32 to index
      %swap3A_103 = arith.index_cast %mul3A_20 : i32 to index
      %swap3A_104 = tpu.vector_load %arg6[%swap3A_102, %swap3A_103] {strides = array<i32>} : memref<16x512xi32, #tpu.memory_space<vmem>>, vector<16xi32>,
      tpu.vector_store %arg6[%swap3A_102, %swap3A_103], %add3A_100 {strides = array<i32>} : memref<16x512xi32, #tpu.memory_space<vmem>>, vector<16xi32>,
      %add3A_105 = arith.constant 8000896 : i32
      %add3A_106 = vector.broadcast %add3A_105 : i32 to vector<16xi32>
      %add3A_107 = arith.addi %add3A_28, %add3A_106 : vector<16xi32>
      %swap3A_108 = arith.constant 11 : i32
      %swap3A_109 = arith.index_cast %swap3A_108 : i32 to index
      %swap3A_110 = arith.index_cast %mul3A_20 : i32 to index
      %swap3A_111 = tpu.vector_load %arg6[%swap3A_109, %swap3A_110] {strides = array<i32>} : memref<16x512xi32, #tpu.memory_space<vmem>>, vector<16xi32>,
      tpu.vector_store %arg6[%swap3A_109, %swap3A_110], %add3A_107 {strides = array<i32>} : memref<16x512xi32, #tpu.memory_space<vmem>>, vector<16xi32>,
      %add3A_112 = arith.constant 8001024 : i32
      %add3A_113 = vector.broadcast %add3A_112 : i32 to vector<16xi32>
      %add3A_114 = arith.addi %add3A_28, %add3A_113 : vector<16xi32>
      %swap3A_115 = arith.constant 12 : i32
      %swap3A_116 = arith.index_cast %swap3A_115 : i32 to index
      %swap3A_117 = arith.index_cast %mul3A_20 : i32 to index
      %swap3A_118 = tpu.vector_load %arg6[%swap3A_116, %swap3A_117] {strides = array<i32>} : memref<16x512xi32, #tpu.memory_space<vmem>>, vector<16xi32>,
      tpu.vector_store %arg6[%swap3A_116, %swap3A_117], %add3A_114 {strides = array<i32>} : memref<16x512xi32, #tpu.memory_space<vmem>>, vector<16xi32>,
      %add3A_119 = arith.constant 8001152 : i32
      %add3A_120 = vector.broadcast %add3A_119 : i32 to vector<16xi32>
      %add3A_121 = arith.addi %add3A_28, %add3A_120 : vector<16xi32>
      %swap3A_122 = arith.constant 13 : i32
      %swap3A_123 = arith.index_cast %swap3A_122 : i32 to index
      %swap3A_124 = arith.index_cast %mul3A_20 : i32 to index
      %swap3A_125 = tpu.vector_load %arg6[%swap3A_123, %swap3A_124] {strides = array<i32>} : memref<16x512xi32, #tpu.memory_space<vmem>>, vector<16xi32>,
      tpu.vector_store %arg6[%swap3A_123, %swap3A_124], %add3A_121 {strides = array<i32>} : memref<16x512xi32, #tpu.memory_space<vmem>>, vector<16xi32>,
      %add3A_126 = arith.constant 8001280 : i32
      %add3A_127 = vector.broadcast %add3A_126 : i32 to vector<16xi32>
      %add3A_128 = arith.addi %add3A_28, %add3A_127 : vector<16xi32>
      %swap3A_129 = arith.constant 14 : i32
      %swap3A_130 = arith.index_cast %swap3A_129 : i32 to index
      %swap3A_131 = arith.index_cast %mul3A_20 : i32 to index
      %swap3A_132 = tpu.vector_load %arg6[%swap3A_130, %swap3A_131] {strides = array<i32>} : memref<16x512xi32, #tpu.memory_space<vmem>>, vector<16xi32>,
      tpu.vector_store %arg6[%swap3A_130, %swap3A_131], %add3A_128 {strides = array<i32>} : memref<16x512xi32, #tpu.memory_space<vmem>>, vector<16xi32>,
      %add3A_133 = arith.constant 8001408 : i32
      %add3A_134 = vector.broadcast %add3A_133 : i32 to vector<16xi32>
      %add3A_135 = arith.addi %add3A_28, %add3A_134 : vector<16xi32>
      %swap3A_136 = arith.constant 15 : i32
      %swap3A_137 = arith.index_cast %swap3A_136 : i32 to index
      %swap3A_138 = arith.index_cast %mul3A_20 : i32 to index
      %swap3A_139 = tpu.vector_load %arg6[%swap3A_137, %swap3A_138] {strides = array<i32>} : memref<16x512xi32, #tpu.memory_space<vmem>>, vector<16xi32>,
      tpu.vector_store %arg6[%swap3A_137, %swap3A_138], %add3A_135 {strides = array<i32>} : memref<16x512xi32, #tpu.memory_space<vmem>>, vector<16xi32>,
    }
    %scan3A_5 = arith.constant 32 : i32
    %scan3A_6 = arith.constant 0 : i32
    %scan3A_7 = arith.constant 0 : i32
    %scan3A_8 = arith.constant 16 : i32
    %scan3A_9 = arith.addi %scan3A_7, %scan3A_8 : i32
    %scan3A_10 = arith.constant 1 : i32
    scf.for %scan3A_18 = %scan3A_7 to %scan3A_9 step %scan3A_10  : i32 {
      %dma_start3A = arith.constant 0 : i32
      %dma_start3A_19 = tpu.memref_slice %arg7[%scan3A_18, %dma_start3A] : memref<16x512xf32, #tpu.memory_space<vmem>> -> memref<1x512xf32, #tpu.memory_space<vmem>>
      %dma_start3A_20 = tpu.memref_squeeze %dma_start3A_19 : memref<1x512xf32, #tpu.memory_space<vmem>> -> memref<512xf32, #tpu.memory_space<vmem>>
      %dma_start3A_21 = arith.constant 0 : i32
      %dma_start3A_22 = tpu.memref_slice %arg6[%scan3A_18, %dma_start3A_21] : memref<16x512xi32, #tpu.memory_space<vmem>> -> memref<1x512xi32, #tpu.memory_space<vmem>>
      %dma_start3A_23 = tpu.memref_squeeze %dma_start3A_22 : memref<1x512xi32, #tpu.memory_space<vmem>> -> memref<512xi32, #tpu.memory_space<vmem>>
      %dma_start3A_24 = arith.constant 0 : i32
      %dma_start3A_25 = tpu.memref_slice %arg3[%dma_start3A_24] : memref<16001024xf32, #tpu.memory_space<hbm>> -> memref<16001024xf32, #tpu.memory_space<hbm>>
      tpu.enqueue_indirect_dma source(%dma_start3A_25 : memref<16001024xf32, #tpu.memory_space<hbm>>) target(%dma_start3A_20 : memref<512xf32, #tpu.memory_space<vmem>>) offsets(%dma_start3A_23 : memref<512xi32, #tpu.memory_space<vmem>>) semaphore(%arg8 : memref<!tpu.dma_semaphore, #tpu.memory_space<semaphore_mem>>)
    }
    %scan3A_11 = arith.constant 16 : i32
    %scan3A_12 = arith.constant 0 : i32
    %scan3A_13 = arith.constant 0 : i32
    %scan3A_14 = arith.constant 16 : i32
    %scan3A_15 = arith.addi %scan3A_13, %scan3A_14 : i32
    %scan3A_16 = arith.constant 1 : i32
    scf.for %scan3A_18 = %scan3A_13 to %scan3A_15 step %scan3A_16  : i32 {
      %dma_wait3A = arith.constant 0 : i32
      %dma_wait3A_19 = arith.constant 0 : i32
      %dma_wait3A_20 = tpu.memref_slice %arg7[%dma_wait3A, %dma_wait3A_19] : memref<16x512xf32, #tpu.memory_space<vmem>> -> memref<1x512xf32, #tpu.memory_space<vmem>>
      %dma_wait3A_21 = tpu.memref_squeeze %dma_wait3A_20 : memref<1x512xf32, #tpu.memory_space<vmem>> -> memref<512xf32, #tpu.memory_space<vmem>>
      %dma_wait3A_22 = arith.constant 0 : i32
      %dma_wait3A_23 = tpu.memref_slice %arg3[%dma_wait3A_22] : memref<16001024xf32, #tpu.memory_space<hbm>> -> memref<512xf32, #tpu.memory_space<hbm>>
      %dma_wait3A_24 = arith.constant 0 : i32
      %dma_wait3A_25 = tpu.memref_slice %arg7[%dma_wait3A, %dma_wait3A_24] : memref<16x512xf32, #tpu.memory_space<vmem>> -> memref<1x512xf32, #tpu.memory_space<vmem>>
      %dma_wait3A_26 = tpu.memref_squeeze %dma_wait3A_25 : memref<1x512xf32, #tpu.memory_space<vmem>> -> memref<512xf32, #tpu.memory_space<vmem>>
      %dma_wait3A_27 = arith.constant 0 : i32
      %dma_wait3A_28 = tpu.memref_slice %arg3[%dma_wait3A_27] : memref<16001024xf32, #tpu.memory_space<hbm>> -> memref<512xf32, #tpu.memory_space<hbm>>
      tpu.wait_dma2 semaphore(%arg8 : memref<!tpu.dma_semaphore, #tpu.memory_space<semaphore_mem>>) src(%dma_wait3A_28 : memref<512xf32, #tpu.memory_space<hbm>>) dst(%dma_wait3A_26 : memref<512xf32, #tpu.memory_space<vmem>>)
    }
    %scan3A_17 = arith.constant 16 : i32
    "tpu.region"() ({
      %run_scoped3A = tpu.sem_alloc : memref<!tpu.dma_semaphore, #tpu.memory_space<semaphore_mem>>
      %dma_start3A = arith.constant 0 : i32
      %dma_start3A_18 = arith.constant 0 : i32
      %dma_start3A_19 = tpu.memref_slice %arg4[%add3A, %dma_start3A, %dma_start3A_18] : memref<32x16x512xf32, #tpu.memory_space<hbm>> -> memref<1x16x512xf32, #tpu.memory_space<hbm>>
      %dma_start3A_20 = tpu.memref_squeeze %dma_start3A_19 : memref<1x16x512xf32, #tpu.memory_space<hbm>> -> memref<16x512xf32, #tpu.memory_space<hbm>>
      %dma_start3A_21 = arith.constant 0 : i32
      %dma_start3A_22 = arith.constant 0 : i32
      %dma_start3A_23 = tpu.memref_slice %arg4[%add3A, %dma_start3A_21, %dma_start3A_22] : memref<32x16x512xf32, #tpu.memory_space<hbm>> -> memref<1x16x512xf32, #tpu.memory_space<hbm>>
      %dma_start3A_24 = tpu.memref_squeeze %dma_start3A_23 : memref<1x16x512xf32, #tpu.memory_space<hbm>> -> memref<16x512xf32, #tpu.memory_space<hbm>>
      tpu.enqueue_dma source(%arg7 : memref<16x512xf32, #tpu.memory_space<vmem>>) target(%dma_start3A_24 : memref<16x512xf32, #tpu.memory_space<hbm>>) target_semaphore(%run_scoped3A : memref<!tpu.dma_semaphore, #tpu.memory_space<semaphore_mem>>)
      %dma_wait3A = arith.constant 0 : i32
      %dma_wait3A_25 = arith.constant 0 : i32
      %dma_wait3A_26 = tpu.memref_slice %arg4[%add3A, %dma_wait3A, %dma_wait3A_25] : memref<32x16x512xf32, #tpu.memory_space<hbm>> -> memref<1x16x512xf32, #tpu.memory_space<hbm>>
      %dma_wait3A_27 = tpu.memref_squeeze %dma_wait3A_26 : memref<1x16x512xf32, #tpu.memory_space<hbm>> -> memref<16x512xf32, #tpu.memory_space<hbm>>
      %dma_wait3A_28 = arith.constant 0 : i32
      %dma_wait3A_29 = arith.constant 0 : i32
      %dma_wait3A_30 = tpu.memref_slice %arg4[%add3A, %dma_wait3A_28, %dma_wait3A_29] : memref<32x16x512xf32, #tpu.memory_space<hbm>> -> memref<1x16x512xf32, #tpu.memory_space<hbm>>
      %dma_wait3A_31 = tpu.memref_squeeze %dma_wait3A_30 : memref<1x16x512xf32, #tpu.memory_space<hbm>> -> memref<16x512xf32, #tpu.memory_space<hbm>>
      tpu.wait_dma2 semaphore(%run_scoped3A : memref<!tpu.dma_semaphore, #tpu.memory_space<semaphore_mem>>) src(%arg7 : memref<16x512xf32, #tpu.memory_space<vmem>>) dst(%dma_wait3A_31 : memref<16x512xf32, #tpu.memory_space<hbm>>)
      tpu.yield
    }) : () -> ()
    return
  }
}

#map = affine_map<(d0, d1) -> (0, 0)>
#map1 = affine_map<(d0, d1) -> (0)>
#map2 = affine_map<(d0, d1) -> (0, 0, 0)>
module attributes {stable_mosaic.version = 14 : i64} {
  func.func @prep_kernel(%arg0: i32, %arg1: i32, %arg2: memref<32x512xi32, #tpu.memory_space<hbm>>, %arg3: memref<32x512xi32, #tpu.memory_space<hbm>>, %arg4: memref<1000000xf32, #tpu.memory_space<hbm>>, %arg5: memref<100000xf32, #tpu.memory_space<hbm>>, %arg6: memref<3203072xf32, #tpu.memory_space<hbm>>, %arg7: memref<32x512xf32, #tpu.memory_space<hbm>>, %arg8: memref<32x512xf32, #tpu.memory_space<hbm>>, %arg9: memref<32x32x512xf32, #tpu.memory_space<hbm>>, %arg10: memref<512xi32, #tpu.memory_space<vmem>>, %arg11: memref<512xi32, #tpu.memory_space<vmem>>, %arg12: memref<512xf32, #tpu.memory_space<vmem>>, %arg13: memref<512xf32, #tpu.memory_space<vmem>>, %arg14: memref<32x512xi32, #tpu.memory_space<vmem>>, %arg15: memref<32x512xf32, #tpu.memory_space<vmem>>, %arg16: memref<!tpu.dma_semaphore, #tpu.memory_space<semaphore_mem>>, %arg17: memref<!tpu.dma_semaphore, #tpu.memory_space<semaphore_mem>>) attributes {dimension_semantics = [#tpu.dimension_semantics<core_parallel>, #tpu.dimension_semantics<subcore_parallel>], iteration_bounds = array<i64: 2, 16>, scalar_prefetch = 0 : i64, scratch_operands = 8 : i64, tpu.core_type = #tpu.core_type<sc_vector_subcore>, window_params = [{transform_indices = #map}, {transform_indices = #map}, {transform_indices = #map1}, {transform_indices = #map1}, {transform_indices = #map1}, {transform_indices = #map}, {transform_indices = #map}, {transform_indices = #map2}]} {
    %mul3A = arith.constant 2 : i32
    %mul3A_0 = arith.muli %arg1, %mul3A : i32
    %add3A = arith.addi %mul3A_0, %arg0 : i32
    "tpu.region"() ({
      %run_scoped3A = tpu.sem_alloc : memref<!tpu.dma_semaphore, #tpu.memory_space<semaphore_mem>>
      %dma_start3A_24 = arith.constant 0 : i32
      %dma_start3A_25 = tpu.memref_slice %arg2[%add3A, %dma_start3A_24] : memref<32x512xi32, #tpu.memory_space<hbm>> -> memref<1x512xi32, #tpu.memory_space<hbm>>
      %dma_start3A_26 = tpu.memref_squeeze %dma_start3A_25 : memref<1x512xi32, #tpu.memory_space<hbm>> -> memref<512xi32, #tpu.memory_space<hbm>>
      %dma_start3A_27 = arith.constant 0 : i32
      %dma_start3A_28 = tpu.memref_slice %arg2[%add3A, %dma_start3A_27] : memref<32x512xi32, #tpu.memory_space<hbm>> -> memref<1x512xi32, #tpu.memory_space<hbm>>
      %dma_start3A_29 = tpu.memref_squeeze %dma_start3A_28 : memref<1x512xi32, #tpu.memory_space<hbm>> -> memref<512xi32, #tpu.memory_space<hbm>>
      tpu.enqueue_dma source(%dma_start3A_29 : memref<512xi32, #tpu.memory_space<hbm>>) target(%arg10 : memref<512xi32, #tpu.memory_space<vmem>>) target_semaphore(%run_scoped3A : memref<!tpu.dma_semaphore, #tpu.memory_space<semaphore_mem>>)
      %dma_wait3A_30 = arith.constant 0 : i32
      %dma_wait3A_31 = tpu.memref_slice %arg2[%add3A, %dma_wait3A_30] : memref<32x512xi32, #tpu.memory_space<hbm>> -> memref<1x512xi32, #tpu.memory_space<hbm>>
      %dma_wait3A_32 = tpu.memref_squeeze %dma_wait3A_31 : memref<1x512xi32, #tpu.memory_space<hbm>> -> memref<512xi32, #tpu.memory_space<hbm>>
      %dma_wait3A_33 = arith.constant 0 : i32
      %dma_wait3A_34 = tpu.memref_slice %arg2[%add3A, %dma_wait3A_33] : memref<32x512xi32, #tpu.memory_space<hbm>> -> memref<1x512xi32, #tpu.memory_space<hbm>>
      %dma_wait3A_35 = tpu.memref_squeeze %dma_wait3A_34 : memref<1x512xi32, #tpu.memory_space<hbm>> -> memref<512xi32, #tpu.memory_space<hbm>>
      tpu.wait_dma2 semaphore(%run_scoped3A : memref<!tpu.dma_semaphore, #tpu.memory_space<semaphore_mem>>) src(%dma_wait3A_35 : memref<512xi32, #tpu.memory_space<hbm>>) dst(%arg10 : memref<512xi32, #tpu.memory_space<vmem>>)
      tpu.yield
    }) : () -> ()
    "tpu.region"() ({
      %run_scoped3A = tpu.sem_alloc : memref<!tpu.dma_semaphore, #tpu.memory_space<semaphore_mem>>
      %dma_start3A_24 = arith.constant 0 : i32
      %dma_start3A_25 = tpu.memref_slice %arg3[%add3A, %dma_start3A_24] : memref<32x512xi32, #tpu.memory_space<hbm>> -> memref<1x512xi32, #tpu.memory_space<hbm>>
      %dma_start3A_26 = tpu.memref_squeeze %dma_start3A_25 : memref<1x512xi32, #tpu.memory_space<hbm>> -> memref<512xi32, #tpu.memory_space<hbm>>
      %dma_start3A_27 = arith.constant 0 : i32
      %dma_start3A_28 = tpu.memref_slice %arg3[%add3A, %dma_start3A_27] : memref<32x512xi32, #tpu.memory_space<hbm>> -> memref<1x512xi32, #tpu.memory_space<hbm>>
      %dma_start3A_29 = tpu.memref_squeeze %dma_start3A_28 : memref<1x512xi32, #tpu.memory_space<hbm>> -> memref<512xi32, #tpu.memory_space<hbm>>
      tpu.enqueue_dma source(%dma_start3A_29 : memref<512xi32, #tpu.memory_space<hbm>>) target(%arg11 : memref<512xi32, #tpu.memory_space<vmem>>) target_semaphore(%run_scoped3A : memref<!tpu.dma_semaphore, #tpu.memory_space<semaphore_mem>>)
      %dma_wait3A_30 = arith.constant 0 : i32
      %dma_wait3A_31 = tpu.memref_slice %arg3[%add3A, %dma_wait3A_30] : memref<32x512xi32, #tpu.memory_space<hbm>> -> memref<1x512xi32, #tpu.memory_space<hbm>>
      %dma_wait3A_32 = tpu.memref_squeeze %dma_wait3A_31 : memref<1x512xi32, #tpu.memory_space<hbm>> -> memref<512xi32, #tpu.memory_space<hbm>>
      %dma_wait3A_33 = arith.constant 0 : i32
      %dma_wait3A_34 = tpu.memref_slice %arg3[%add3A, %dma_wait3A_33] : memref<32x512xi32, #tpu.memory_space<hbm>> -> memref<1x512xi32, #tpu.memory_space<hbm>>
      %dma_wait3A_35 = tpu.memref_squeeze %dma_wait3A_34 : memref<1x512xi32, #tpu.memory_space<hbm>> -> memref<512xi32, #tpu.memory_space<hbm>>
      tpu.wait_dma2 semaphore(%run_scoped3A : memref<!tpu.dma_semaphore, #tpu.memory_space<semaphore_mem>>) src(%dma_wait3A_35 : memref<512xi32, #tpu.memory_space<hbm>>) dst(%arg11 : memref<512xi32, #tpu.memory_space<vmem>>)
      tpu.yield
    }) : () -> ()
    %dma_start3A = arith.constant 0 : i32
    %dma_start3A_1 = tpu.memref_slice %arg4[%dma_start3A] : memref<1000000xf32, #tpu.memory_space<hbm>> -> memref<1000000xf32, #tpu.memory_space<hbm>>
    tpu.enqueue_indirect_dma source(%dma_start3A_1 : memref<1000000xf32, #tpu.memory_space<hbm>>) target(%arg12 : memref<512xf32, #tpu.memory_space<vmem>>) offsets(%arg10 : memref<512xi32, #tpu.memory_space<vmem>>) semaphore(%arg16 : memref<!tpu.dma_semaphore, #tpu.memory_space<semaphore_mem>>)
    %dma_start3A_2 = arith.constant 0 : i32
    %dma_start3A_3 = tpu.memref_slice %arg5[%dma_start3A_2] : memref<100000xf32, #tpu.memory_space<hbm>> -> memref<100000xf32, #tpu.memory_space<hbm>>
    tpu.enqueue_indirect_dma source(%dma_start3A_3 : memref<100000xf32, #tpu.memory_space<hbm>>) target(%arg13 : memref<512xf32, #tpu.memory_space<vmem>>) offsets(%arg11 : memref<512xi32, #tpu.memory_space<vmem>>) semaphore(%arg16 : memref<!tpu.dma_semaphore, #tpu.memory_space<semaphore_mem>>)
    %scan3A = arith.constant 0 : i32
    %scan3A_4 = arith.constant 0 : i32
    %scan3A_5 = arith.constant 32 : i32
    %scan3A_6 = arith.addi %scan3A_4, %scan3A_5 : i32
    %scan3A_7 = arith.constant 1 : i32
    scf.for %scan3A_24 = %scan3A_4 to %scan3A_6 step %scan3A_7  : i32 {
      %mul3A_25 = arith.constant 16 : i32
      %mul3A_26 = arith.muli %scan3A_24, %mul3A_25 : i32
      %get3A = arith.index_cast %mul3A_26 : i32 to index
      %get3A_27 = tpu.vector_load %arg11[%get3A] {strides = array<i32>} : memref<512xi32, #tpu.memory_space<vmem>>, vector<16xi32>,
      %shift_right_arithmetic3A = arith.constant 7 : i32
      %shift_right_arithmetic3A_28 = vector.broadcast %shift_right_arithmetic3A : i32 to vector<16xi32>
      %shift_right_arithmetic3A_29 = arith.shrsi %get3A_27, %shift_right_arithmetic3A_28 : vector<16xi32>
      %shift_left3A = arith.constant 10 : i32
      %shift_left3A_30 = vector.broadcast %shift_left3A : i32 to vector<16xi32>
      %shift_left3A_31 = arith.shli %shift_right_arithmetic3A_29, %shift_left3A_30 : vector<16xi32>
      %and3A = arith.constant 127 : i32
      %and3A_32 = vector.broadcast %and3A : i32 to vector<16xi32>
      %and3A_33 = arith.andi %get3A_27, %and3A_32 : vector<16xi32>
      %add3A_34 = arith.addi %shift_left3A_31, %and3A_33 : vector<16xi32>
      %add3A_35 = arith.constant 0 : i32
      %add3A_36 = vector.broadcast %add3A_35 : i32 to vector<16xi32>
      %add3A_37 = arith.addi %add3A_34, %add3A_36 : vector<16xi32>
      %swap3A = arith.constant 0 : i32
      %swap3A_38 = arith.index_cast %swap3A : i32 to index
      %swap3A_39 = arith.index_cast %mul3A_26 : i32 to index
      %swap3A_40 = tpu.vector_load %arg14[%swap3A_38, %swap3A_39] {strides = array<i32>} : memref<32x512xi32, #tpu.memory_space<vmem>>, vector<16xi32>,
      tpu.vector_store %arg14[%swap3A_38, %swap3A_39], %add3A_37 {strides = array<i32>} : memref<32x512xi32, #tpu.memory_space<vmem>>, vector<16xi32>,
      %add3A_41 = arith.constant 128 : i32
      %add3A_42 = vector.broadcast %add3A_41 : i32 to vector<16xi32>
      %add3A_43 = arith.addi %add3A_34, %add3A_42 : vector<16xi32>
      %swap3A_44 = arith.constant 1 : i32
      %swap3A_45 = arith.index_cast %swap3A_44 : i32 to index
      %swap3A_46 = arith.index_cast %mul3A_26 : i32 to index
      %swap3A_47 = tpu.vector_load %arg14[%swap3A_45, %swap3A_46] {strides = array<i32>} : memref<32x512xi32, #tpu.memory_space<vmem>>, vector<16xi32>,
      tpu.vector_store %arg14[%swap3A_45, %swap3A_46], %add3A_43 {strides = array<i32>} : memref<32x512xi32, #tpu.memory_space<vmem>>, vector<16xi32>,
      %add3A_48 = arith.constant 256 : i32
      %add3A_49 = vector.broadcast %add3A_48 : i32 to vector<16xi32>
      %add3A_50 = arith.addi %add3A_34, %add3A_49 : vector<16xi32>
      %swap3A_51 = arith.constant 2 : i32
      %swap3A_52 = arith.index_cast %swap3A_51 : i32 to index
      %swap3A_53 = arith.index_cast %mul3A_26 : i32 to index
      %swap3A_54 = tpu.vector_load %arg14[%swap3A_52, %swap3A_53] {strides = array<i32>} : memref<32x512xi32, #tpu.memory_space<vmem>>, vector<16xi32>,
      tpu.vector_store %arg14[%swap3A_52, %swap3A_53], %add3A_50 {strides = array<i32>} : memref<32x512xi32, #tpu.memory_space<vmem>>, vector<16xi32>,
      %add3A_55 = arith.constant 384 : i32
      %add3A_56 = vector.broadcast %add3A_55 : i32 to vector<16xi32>
      %add3A_57 = arith.addi %add3A_34, %add3A_56 : vector<16xi32>
      %swap3A_58 = arith.constant 3 : i32
      %swap3A_59 = arith.index_cast %swap3A_58 : i32 to index
      %swap3A_60 = arith.index_cast %mul3A_26 : i32 to index
      %swap3A_61 = tpu.vector_load %arg14[%swap3A_59, %swap3A_60] {strides = array<i32>} : memref<32x512xi32, #tpu.memory_space<vmem>>, vector<16xi32>,
      tpu.vector_store %arg14[%swap3A_59, %swap3A_60], %add3A_57 {strides = array<i32>} : memref<32x512xi32, #tpu.memory_space<vmem>>, vector<16xi32>,
      %add3A_62 = arith.constant 512 : i32
      %add3A_63 = vector.broadcast %add3A_62 : i32 to vector<16xi32>
      %add3A_64 = arith.addi %add3A_34, %add3A_63 : vector<16xi32>
      %swap3A_65 = arith.constant 4 : i32
      %swap3A_66 = arith.index_cast %swap3A_65 : i32 to index
      %swap3A_67 = arith.index_cast %mul3A_26 : i32 to index
      %swap3A_68 = tpu.vector_load %arg14[%swap3A_66, %swap3A_67] {strides = array<i32>} : memref<32x512xi32, #tpu.memory_space<vmem>>, vector<16xi32>,
      tpu.vector_store %arg14[%swap3A_66, %swap3A_67], %add3A_64 {strides = array<i32>} : memref<32x512xi32, #tpu.memory_space<vmem>>, vector<16xi32>,
      %add3A_69 = arith.constant 640 : i32
      %add3A_70 = vector.broadcast %add3A_69 : i32 to vector<16xi32>
      %add3A_71 = arith.addi %add3A_34, %add3A_70 : vector<16xi32>
      %swap3A_72 = arith.constant 5 : i32
      %swap3A_73 = arith.index_cast %swap3A_72 : i32 to index
      %swap3A_74 = arith.index_cast %mul3A_26 : i32 to index
      %swap3A_75 = tpu.vector_load %arg14[%swap3A_73, %swap3A_74] {strides = array<i32>} : memref<32x512xi32, #tpu.memory_space<vmem>>, vector<16xi32>,
      tpu.vector_store %arg14[%swap3A_73, %swap3A_74], %add3A_71 {strides = array<i32>} : memref<32x512xi32, #tpu.memory_space<vmem>>, vector<16xi32>,
      %add3A_76 = arith.constant 768 : i32
      %add3A_77 = vector.broadcast %add3A_76 : i32 to vector<16xi32>
      %add3A_78 = arith.addi %add3A_34, %add3A_77 : vector<16xi32>
      %swap3A_79 = arith.constant 6 : i32
      %swap3A_80 = arith.index_cast %swap3A_79 : i32 to index
      %swap3A_81 = arith.index_cast %mul3A_26 : i32 to index
      %swap3A_82 = tpu.vector_load %arg14[%swap3A_80, %swap3A_81] {strides = array<i32>} : memref<32x512xi32, #tpu.memory_space<vmem>>, vector<16xi32>,
      tpu.vector_store %arg14[%swap3A_80, %swap3A_81], %add3A_78 {strides = array<i32>} : memref<32x512xi32, #tpu.memory_space<vmem>>, vector<16xi32>,
      %add3A_83 = arith.constant 896 : i32
      %add3A_84 = vector.broadcast %add3A_83 : i32 to vector<16xi32>
      %add3A_85 = arith.addi %add3A_34, %add3A_84 : vector<16xi32>
      %swap3A_86 = arith.constant 7 : i32
      %swap3A_87 = arith.index_cast %swap3A_86 : i32 to index
      %swap3A_88 = arith.index_cast %mul3A_26 : i32 to index
      %swap3A_89 = tpu.vector_load %arg14[%swap3A_87, %swap3A_88] {strides = array<i32>} : memref<32x512xi32, #tpu.memory_space<vmem>>, vector<16xi32>,
      tpu.vector_store %arg14[%swap3A_87, %swap3A_88], %add3A_85 {strides = array<i32>} : memref<32x512xi32, #tpu.memory_space<vmem>>, vector<16xi32>,
      %add3A_90 = arith.constant 800768 : i32
      %add3A_91 = vector.broadcast %add3A_90 : i32 to vector<16xi32>
      %add3A_92 = arith.addi %add3A_34, %add3A_91 : vector<16xi32>
      %swap3A_93 = arith.constant 8 : i32
      %swap3A_94 = arith.index_cast %swap3A_93 : i32 to index
      %swap3A_95 = arith.index_cast %mul3A_26 : i32 to index
      %swap3A_96 = tpu.vector_load %arg14[%swap3A_94, %swap3A_95] {strides = array<i32>} : memref<32x512xi32, #tpu.memory_space<vmem>>, vector<16xi32>,
      tpu.vector_store %arg14[%swap3A_94, %swap3A_95], %add3A_92 {strides = array<i32>} : memref<32x512xi32, #tpu.memory_space<vmem>>, vector<16xi32>,
      %add3A_97 = arith.constant 800896 : i32
      %add3A_98 = vector.broadcast %add3A_97 : i32 to vector<16xi32>
      %add3A_99 = arith.addi %add3A_34, %add3A_98 : vector<16xi32>
      %swap3A_100 = arith.constant 9 : i32
      %swap3A_101 = arith.index_cast %swap3A_100 : i32 to index
      %swap3A_102 = arith.index_cast %mul3A_26 : i32 to index
      %swap3A_103 = tpu.vector_load %arg14[%swap3A_101, %swap3A_102] {strides = array<i32>} : memref<32x512xi32, #tpu.memory_space<vmem>>, vector<16xi32>,
      tpu.vector_store %arg14[%swap3A_101, %swap3A_102], %add3A_99 {strides = array<i32>} : memref<32x512xi32, #tpu.memory_space<vmem>>, vector<16xi32>,
      %add3A_104 = arith.constant 801024 : i32
      %add3A_105 = vector.broadcast %add3A_104 : i32 to vector<16xi32>
      %add3A_106 = arith.addi %add3A_34, %add3A_105 : vector<16xi32>
      %swap3A_107 = arith.constant 10 : i32
      %swap3A_108 = arith.index_cast %swap3A_107 : i32 to index
      %swap3A_109 = arith.index_cast %mul3A_26 : i32 to index
      %swap3A_110 = tpu.vector_load %arg14[%swap3A_108, %swap3A_109] {strides = array<i32>} : memref<32x512xi32, #tpu.memory_space<vmem>>, vector<16xi32>,
      tpu.vector_store %arg14[%swap3A_108, %swap3A_109], %add3A_106 {strides = array<i32>} : memref<32x512xi32, #tpu.memory_space<vmem>>, vector<16xi32>,
      %add3A_111 = arith.constant 801152 : i32
      %add3A_112 = vector.broadcast %add3A_111 : i32 to vector<16xi32>
      %add3A_113 = arith.addi %add3A_34, %add3A_112 : vector<16xi32>
      %swap3A_114 = arith.constant 11 : i32
      %swap3A_115 = arith.index_cast %swap3A_114 : i32 to index
      %swap3A_116 = arith.index_cast %mul3A_26 : i32 to index
      %swap3A_117 = tpu.vector_load %arg14[%swap3A_115, %swap3A_116] {strides = array<i32>} : memref<32x512xi32, #tpu.memory_space<vmem>>, vector<16xi32>,
      tpu.vector_store %arg14[%swap3A_115, %swap3A_116], %add3A_113 {strides = array<i32>} : memref<32x512xi32, #tpu.memory_space<vmem>>, vector<16xi32>,
      %add3A_118 = arith.constant 801280 : i32
      %add3A_119 = vector.broadcast %add3A_118 : i32 to vector<16xi32>
      %add3A_120 = arith.addi %add3A_34, %add3A_119 : vector<16xi32>
      %swap3A_121 = arith.constant 12 : i32
      %swap3A_122 = arith.index_cast %swap3A_121 : i32 to index
      %swap3A_123 = arith.index_cast %mul3A_26 : i32 to index
      %swap3A_124 = tpu.vector_load %arg14[%swap3A_122, %swap3A_123] {strides = array<i32>} : memref<32x512xi32, #tpu.memory_space<vmem>>, vector<16xi32>,
      tpu.vector_store %arg14[%swap3A_122, %swap3A_123], %add3A_120 {strides = array<i32>} : memref<32x512xi32, #tpu.memory_space<vmem>>, vector<16xi32>,
      %add3A_125 = arith.constant 801408 : i32
      %add3A_126 = vector.broadcast %add3A_125 : i32 to vector<16xi32>
      %add3A_127 = arith.addi %add3A_34, %add3A_126 : vector<16xi32>
      %swap3A_128 = arith.constant 13 : i32
      %swap3A_129 = arith.index_cast %swap3A_128 : i32 to index
      %swap3A_130 = arith.index_cast %mul3A_26 : i32 to index
      %swap3A_131 = tpu.vector_load %arg14[%swap3A_129, %swap3A_130] {strides = array<i32>} : memref<32x512xi32, #tpu.memory_space<vmem>>, vector<16xi32>,
      tpu.vector_store %arg14[%swap3A_129, %swap3A_130], %add3A_127 {strides = array<i32>} : memref<32x512xi32, #tpu.memory_space<vmem>>, vector<16xi32>,
      %add3A_132 = arith.constant 801536 : i32
      %add3A_133 = vector.broadcast %add3A_132 : i32 to vector<16xi32>
      %add3A_134 = arith.addi %add3A_34, %add3A_133 : vector<16xi32>
      %swap3A_135 = arith.constant 14 : i32
      %swap3A_136 = arith.index_cast %swap3A_135 : i32 to index
      %swap3A_137 = arith.index_cast %mul3A_26 : i32 to index
      %swap3A_138 = tpu.vector_load %arg14[%swap3A_136, %swap3A_137] {strides = array<i32>} : memref<32x512xi32, #tpu.memory_space<vmem>>, vector<16xi32>,
      tpu.vector_store %arg14[%swap3A_136, %swap3A_137], %add3A_134 {strides = array<i32>} : memref<32x512xi32, #tpu.memory_space<vmem>>, vector<16xi32>,
      %add3A_139 = arith.constant 801664 : i32
      %add3A_140 = vector.broadcast %add3A_139 : i32 to vector<16xi32>
      %add3A_141 = arith.addi %add3A_34, %add3A_140 : vector<16xi32>
      %swap3A_142 = arith.constant 15 : i32
      %swap3A_143 = arith.index_cast %swap3A_142 : i32 to index
      %swap3A_144 = arith.index_cast %mul3A_26 : i32 to index
      %swap3A_145 = tpu.vector_load %arg14[%swap3A_143, %swap3A_144] {strides = array<i32>} : memref<32x512xi32, #tpu.memory_space<vmem>>, vector<16xi32>,
      tpu.vector_store %arg14[%swap3A_143, %swap3A_144], %add3A_141 {strides = array<i32>} : memref<32x512xi32, #tpu.memory_space<vmem>>, vector<16xi32>,
      %add3A_146 = arith.constant 1601536 : i32
      %add3A_147 = vector.broadcast %add3A_146 : i32 to vector<16xi32>
      %add3A_148 = arith.addi %add3A_34, %add3A_147 : vector<16xi32>
      %swap3A_149 = arith.constant 16 : i32
      %swap3A_150 = arith.index_cast %swap3A_149 : i32 to index
      %swap3A_151 = arith.index_cast %mul3A_26 : i32 to index
      %swap3A_152 = tpu.vector_load %arg14[%swap3A_150, %swap3A_151] {strides = array<i32>} : memref<32x512xi32, #tpu.memory_space<vmem>>, vector<16xi32>,
      tpu.vector_store %arg14[%swap3A_150, %swap3A_151], %add3A_148 {strides = array<i32>} : memref<32x512xi32, #tpu.memory_space<vmem>>, vector<16xi32>,
      %add3A_153 = arith.constant 1601664 : i32
      %add3A_154 = vector.broadcast %add3A_153 : i32 to vector<16xi32>
      %add3A_155 = arith.addi %add3A_34, %add3A_154 : vector<16xi32>
      %swap3A_156 = arith.constant 17 : i32
      %swap3A_157 = arith.index_cast %swap3A_156 : i32 to index
      %swap3A_158 = arith.index_cast %mul3A_26 : i32 to index
      %swap3A_159 = tpu.vector_load %arg14[%swap3A_157, %swap3A_158] {strides = array<i32>} : memref<32x512xi32, #tpu.memory_space<vmem>>, vector<16xi32>,
      tpu.vector_store %arg14[%swap3A_157, %swap3A_158], %add3A_155 {strides = array<i32>} : memref<32x512xi32, #tpu.memory_space<vmem>>, vector<16xi32>,
      %add3A_160 = arith.constant 1601792 : i32
      %add3A_161 = vector.broadcast %add3A_160 : i32 to vector<16xi32>
      %add3A_162 = arith.addi %add3A_34, %add3A_161 : vector<16xi32>
      %swap3A_163 = arith.constant 18 : i32
      %swap3A_164 = arith.index_cast %swap3A_163 : i32 to index
      %swap3A_165 = arith.index_cast %mul3A_26 : i32 to index
      %swap3A_166 = tpu.vector_load %arg14[%swap3A_164, %swap3A_165] {strides = array<i32>} : memref<32x512xi32, #tpu.memory_space<vmem>>, vector<16xi32>,
      tpu.vector_store %arg14[%swap3A_164, %swap3A_165], %add3A_162 {strides = array<i32>} : memref<32x512xi32, #tpu.memory_space<vmem>>, vector<16xi32>,
      %add3A_167 = arith.constant 1601920 : i32
      %add3A_168 = vector.broadcast %add3A_167 : i32 to vector<16xi32>
      %add3A_169 = arith.addi %add3A_34, %add3A_168 : vector<16xi32>
      %swap3A_170 = arith.constant 19 : i32
      %swap3A_171 = arith.index_cast %swap3A_170 : i32 to index
      %swap3A_172 = arith.index_cast %mul3A_26 : i32 to index
      %swap3A_173 = tpu.vector_load %arg14[%swap3A_171, %swap3A_172] {strides = array<i32>} : memref<32x512xi32, #tpu.memory_space<vmem>>, vector<16xi32>,
      tpu.vector_store %arg14[%swap3A_171, %swap3A_172], %add3A_169 {strides = array<i32>} : memref<32x512xi32, #tpu.memory_space<vmem>>, vector<16xi32>,
      %add3A_174 = arith.constant 1602048 : i32
      %add3A_175 = vector.broadcast %add3A_174 : i32 to vector<16xi32>
      %add3A_176 = arith.addi %add3A_34, %add3A_175 : vector<16xi32>
      %swap3A_177 = arith.constant 20 : i32
      %swap3A_178 = arith.index_cast %swap3A_177 : i32 to index
      %swap3A_179 = arith.index_cast %mul3A_26 : i32 to index
      %swap3A_180 = tpu.vector_load %arg14[%swap3A_178, %swap3A_179] {strides = array<i32>} : memref<32x512xi32, #tpu.memory_space<vmem>>, vector<16xi32>,
      tpu.vector_store %arg14[%swap3A_178, %swap3A_179], %add3A_176 {strides = array<i32>} : memref<32x512xi32, #tpu.memory_space<vmem>>, vector<16xi32>,
      %add3A_181 = arith.constant 1602176 : i32
      %add3A_182 = vector.broadcast %add3A_181 : i32 to vector<16xi32>
      %add3A_183 = arith.addi %add3A_34, %add3A_182 : vector<16xi32>
      %swap3A_184 = arith.constant 21 : i32
      %swap3A_185 = arith.index_cast %swap3A_184 : i32 to index
      %swap3A_186 = arith.index_cast %mul3A_26 : i32 to index
      %swap3A_187 = tpu.vector_load %arg14[%swap3A_185, %swap3A_186] {strides = array<i32>} : memref<32x512xi32, #tpu.memory_space<vmem>>, vector<16xi32>,
      tpu.vector_store %arg14[%swap3A_185, %swap3A_186], %add3A_183 {strides = array<i32>} : memref<32x512xi32, #tpu.memory_space<vmem>>, vector<16xi32>,
      %add3A_188 = arith.constant 1602304 : i32
      %add3A_189 = vector.broadcast %add3A_188 : i32 to vector<16xi32>
      %add3A_190 = arith.addi %add3A_34, %add3A_189 : vector<16xi32>
      %swap3A_191 = arith.constant 22 : i32
      %swap3A_192 = arith.index_cast %swap3A_191 : i32 to index
      %swap3A_193 = arith.index_cast %mul3A_26 : i32 to index
      %swap3A_194 = tpu.vector_load %arg14[%swap3A_192, %swap3A_193] {strides = array<i32>} : memref<32x512xi32, #tpu.memory_space<vmem>>, vector<16xi32>,
      tpu.vector_store %arg14[%swap3A_192, %swap3A_193], %add3A_190 {strides = array<i32>} : memref<32x512xi32, #tpu.memory_space<vmem>>, vector<16xi32>,
      %add3A_195 = arith.constant 1602432 : i32
      %add3A_196 = vector.broadcast %add3A_195 : i32 to vector<16xi32>
      %add3A_197 = arith.addi %add3A_34, %add3A_196 : vector<16xi32>
      %swap3A_198 = arith.constant 23 : i32
      %swap3A_199 = arith.index_cast %swap3A_198 : i32 to index
      %swap3A_200 = arith.index_cast %mul3A_26 : i32 to index
      %swap3A_201 = tpu.vector_load %arg14[%swap3A_199, %swap3A_200] {strides = array<i32>} : memref<32x512xi32, #tpu.memory_space<vmem>>, vector<16xi32>,
      tpu.vector_store %arg14[%swap3A_199, %swap3A_200], %add3A_197 {strides = array<i32>} : memref<32x512xi32, #tpu.memory_space<vmem>>, vector<16xi32>,
      %add3A_202 = arith.constant 2402304 : i32
      %add3A_203 = vector.broadcast %add3A_202 : i32 to vector<16xi32>
      %add3A_204 = arith.addi %add3A_34, %add3A_203 : vector<16xi32>
      %swap3A_205 = arith.constant 24 : i32
      %swap3A_206 = arith.index_cast %swap3A_205 : i32 to index
      %swap3A_207 = arith.index_cast %mul3A_26 : i32 to index
      %swap3A_208 = tpu.vector_load %arg14[%swap3A_206, %swap3A_207] {strides = array<i32>} : memref<32x512xi32, #tpu.memory_space<vmem>>, vector<16xi32>,
      tpu.vector_store %arg14[%swap3A_206, %swap3A_207], %add3A_204 {strides = array<i32>} : memref<32x512xi32, #tpu.memory_space<vmem>>, vector<16xi32>,
      %add3A_209 = arith.constant 2402432 : i32
      %add3A_210 = vector.broadcast %add3A_209 : i32 to vector<16xi32>
      %add3A_211 = arith.addi %add3A_34, %add3A_210 : vector<16xi32>
      %swap3A_212 = arith.constant 25 : i32
      %swap3A_213 = arith.index_cast %swap3A_212 : i32 to index
      %swap3A_214 = arith.index_cast %mul3A_26 : i32 to index
      %swap3A_215 = tpu.vector_load %arg14[%swap3A_213, %swap3A_214] {strides = array<i32>} : memref<32x512xi32, #tpu.memory_space<vmem>>, vector<16xi32>,
      tpu.vector_store %arg14[%swap3A_213, %swap3A_214], %add3A_211 {strides = array<i32>} : memref<32x512xi32, #tpu.memory_space<vmem>>, vector<16xi32>,
      %add3A_216 = arith.constant 2402560 : i32
      %add3A_217 = vector.broadcast %add3A_216 : i32 to vector<16xi32>
      %add3A_218 = arith.addi %add3A_34, %add3A_217 : vector<16xi32>
      %swap3A_219 = arith.constant 26 : i32
      %swap3A_220 = arith.index_cast %swap3A_219 : i32 to index
      %swap3A_221 = arith.index_cast %mul3A_26 : i32 to index
      %swap3A_222 = tpu.vector_load %arg14[%swap3A_220, %swap3A_221] {strides = array<i32>} : memref<32x512xi32, #tpu.memory_space<vmem>>, vector<16xi32>,
      tpu.vector_store %arg14[%swap3A_220, %swap3A_221], %add3A_218 {strides = array<i32>} : memref<32x512xi32, #tpu.memory_space<vmem>>, vector<16xi32>,
      %add3A_223 = arith.constant 2402688 : i32
      %add3A_224 = vector.broadcast %add3A_223 : i32 to vector<16xi32>
      %add3A_225 = arith.addi %add3A_34, %add3A_224 : vector<16xi32>
      %swap3A_226 = arith.constant 27 : i32
      %swap3A_227 = arith.index_cast %swap3A_226 : i32 to index
      %swap3A_228 = arith.index_cast %mul3A_26 : i32 to index
      %swap3A_229 = tpu.vector_load %arg14[%swap3A_227, %swap3A_228] {strides = array<i32>} : memref<32x512xi32, #tpu.memory_space<vmem>>, vector<16xi32>,
      tpu.vector_store %arg14[%swap3A_227, %swap3A_228], %add3A_225 {strides = array<i32>} : memref<32x512xi32, #tpu.memory_space<vmem>>, vector<16xi32>,
      %add3A_230 = arith.constant 2402816 : i32
      %add3A_231 = vector.broadcast %add3A_230 : i32 to vector<16xi32>
      %add3A_232 = arith.addi %add3A_34, %add3A_231 : vector<16xi32>
      %swap3A_233 = arith.constant 28 : i32
      %swap3A_234 = arith.index_cast %swap3A_233 : i32 to index
      %swap3A_235 = arith.index_cast %mul3A_26 : i32 to index
      %swap3A_236 = tpu.vector_load %arg14[%swap3A_234, %swap3A_235] {strides = array<i32>} : memref<32x512xi32, #tpu.memory_space<vmem>>, vector<16xi32>,
      tpu.vector_store %arg14[%swap3A_234, %swap3A_235], %add3A_232 {strides = array<i32>} : memref<32x512xi32, #tpu.memory_space<vmem>>, vector<16xi32>,
      %add3A_237 = arith.constant 2402944 : i32
      %add3A_238 = vector.broadcast %add3A_237 : i32 to vector<16xi32>
      %add3A_239 = arith.addi %add3A_34, %add3A_238 : vector<16xi32>
      %swap3A_240 = arith.constant 29 : i32
      %swap3A_241 = arith.index_cast %swap3A_240 : i32 to index
      %swap3A_242 = arith.index_cast %mul3A_26 : i32 to index
      %swap3A_243 = tpu.vector_load %arg14[%swap3A_241, %swap3A_242] {strides = array<i32>} : memref<32x512xi32, #tpu.memory_space<vmem>>, vector<16xi32>,
      tpu.vector_store %arg14[%swap3A_241, %swap3A_242], %add3A_239 {strides = array<i32>} : memref<32x512xi32, #tpu.memory_space<vmem>>, vector<16xi32>,
      %add3A_244 = arith.constant 2403072 : i32
      %add3A_245 = vector.broadcast %add3A_244 : i32 to vector<16xi32>
      %add3A_246 = arith.addi %add3A_34, %add3A_245 : vector<16xi32>
      %swap3A_247 = arith.constant 30 : i32
      %swap3A_248 = arith.index_cast %swap3A_247 : i32 to index
      %swap3A_249 = arith.index_cast %mul3A_26 : i32 to index
      %swap3A_250 = tpu.vector_load %arg14[%swap3A_248, %swap3A_249] {strides = array<i32>} : memref<32x512xi32, #tpu.memory_space<vmem>>, vector<16xi32>,
      tpu.vector_store %arg14[%swap3A_248, %swap3A_249], %add3A_246 {strides = array<i32>} : memref<32x512xi32, #tpu.memory_space<vmem>>, vector<16xi32>,
      %add3A_251 = arith.constant 2403200 : i32
      %add3A_252 = vector.broadcast %add3A_251 : i32 to vector<16xi32>
      %add3A_253 = arith.addi %add3A_34, %add3A_252 : vector<16xi32>
      %swap3A_254 = arith.constant 31 : i32
      %swap3A_255 = arith.index_cast %swap3A_254 : i32 to index
      %swap3A_256 = arith.index_cast %mul3A_26 : i32 to index
      %swap3A_257 = tpu.vector_load %arg14[%swap3A_255, %swap3A_256] {strides = array<i32>} : memref<32x512xi32, #tpu.memory_space<vmem>>, vector<16xi32>,
      tpu.vector_store %arg14[%swap3A_255, %swap3A_256], %add3A_253 {strides = array<i32>} : memref<32x512xi32, #tpu.memory_space<vmem>>, vector<16xi32>,
    }
    %scan3A_8 = arith.constant 32 : i32
    %scan3A_9 = arith.constant 0 : i32
    %scan3A_10 = arith.constant 0 : i32
    %scan3A_11 = arith.constant 32 : i32
    %scan3A_12 = arith.addi %scan3A_10, %scan3A_11 : i32
    %scan3A_13 = arith.constant 1 : i32
    scf.for %scan3A_24 = %scan3A_10 to %scan3A_12 step %scan3A_13  : i32 {
      %dma_start3A_25 = arith.constant 0 : i32
      %dma_start3A_26 = tpu.memref_slice %arg15[%scan3A_24, %dma_start3A_25] : memref<32x512xf32, #tpu.memory_space<vmem>> -> memref<1x512xf32, #tpu.memory_space<vmem>>
      %dma_start3A_27 = tpu.memref_squeeze %dma_start3A_26 : memref<1x512xf32, #tpu.memory_space<vmem>> -> memref<512xf32, #tpu.memory_space<vmem>>
      %dma_start3A_28 = arith.constant 0 : i32
      %dma_start3A_29 = tpu.memref_slice %arg14[%scan3A_24, %dma_start3A_28] : memref<32x512xi32, #tpu.memory_space<vmem>> -> memref<1x512xi32, #tpu.memory_space<vmem>>
      %dma_start3A_30 = tpu.memref_squeeze %dma_start3A_29 : memref<1x512xi32, #tpu.memory_space<vmem>> -> memref<512xi32, #tpu.memory_space<vmem>>
      %dma_start3A_31 = arith.constant 0 : i32
      %dma_start3A_32 = tpu.memref_slice %arg6[%dma_start3A_31] : memref<3203072xf32, #tpu.memory_space<hbm>> -> memref<3203072xf32, #tpu.memory_space<hbm>>
      tpu.enqueue_indirect_dma source(%dma_start3A_32 : memref<3203072xf32, #tpu.memory_space<hbm>>) target(%dma_start3A_27 : memref<512xf32, #tpu.memory_space<vmem>>) offsets(%dma_start3A_30 : memref<512xi32, #tpu.memory_space<vmem>>) semaphore(%arg17 : memref<!tpu.dma_semaphore, #tpu.memory_space<semaphore_mem>>)
    }
    %scan3A_14 = arith.constant 32 : i32
    %scan3A_15 = arith.constant 0 : i32
    %scan3A_16 = arith.constant 0 : i32
    %scan3A_17 = arith.constant 32 : i32
    %scan3A_18 = arith.addi %scan3A_16, %scan3A_17 : i32
    %scan3A_19 = arith.constant 1 : i32
    scf.for %scan3A_24 = %scan3A_16 to %scan3A_18 step %scan3A_19  : i32 {
      %dma_wait3A_25 = arith.constant 0 : i32
      %dma_wait3A_26 = arith.constant 0 : i32
      %dma_wait3A_27 = tpu.memref_slice %arg15[%dma_wait3A_25, %dma_wait3A_26] : memref<32x512xf32, #tpu.memory_space<vmem>> -> memref<1x512xf32, #tpu.memory_space<vmem>>
      %dma_wait3A_28 = tpu.memref_squeeze %dma_wait3A_27 : memref<1x512xf32, #tpu.memory_space<vmem>> -> memref<512xf32, #tpu.memory_space<vmem>>
      %dma_wait3A_29 = arith.constant 0 : i32
      %dma_wait3A_30 = tpu.memref_slice %arg6[%dma_wait3A_29] : memref<3203072xf32, #tpu.memory_space<hbm>> -> memref<512xf32, #tpu.memory_space<hbm>>
      %dma_wait3A_31 = arith.constant 0 : i32
      %dma_wait3A_32 = tpu.memref_slice %arg15[%dma_wait3A_25, %dma_wait3A_31] : memref<32x512xf32, #tpu.memory_space<vmem>> -> memref<1x512xf32, #tpu.memory_space<vmem>>
      %dma_wait3A_33 = tpu.memref_squeeze %dma_wait3A_32 : memref<1x512xf32, #tpu.memory_space<vmem>> -> memref<512xf32, #tpu.memory_space<vmem>>
      %dma_wait3A_34 = arith.constant 0 : i32
      %dma_wait3A_35 = tpu.memref_slice %arg6[%dma_wait3A_34] : memref<3203072xf32, #tpu.memory_space<hbm>> -> memref<512xf32, #tpu.memory_space<hbm>>
      tpu.wait_dma2 semaphore(%arg17 : memref<!tpu.dma_semaphore, #tpu.memory_space<semaphore_mem>>) src(%dma_wait3A_35 : memref<512xf32, #tpu.memory_space<hbm>>) dst(%dma_wait3A_33 : memref<512xf32, #tpu.memory_space<vmem>>)
    }
    %scan3A_20 = arith.constant 32 : i32
    %dma_wait3A = arith.constant 0 : i32
    %dma_wait3A_21 = tpu.memref_slice %arg4[%dma_wait3A] : memref<1000000xf32, #tpu.memory_space<hbm>> -> memref<1000000xf32, #tpu.memory_space<hbm>>
    tpu.wait_indirect_dma semaphore(%arg16 : memref<!tpu.dma_semaphore, #tpu.memory_space<semaphore_mem>>) src(%dma_wait3A_21 : memref<1000000xf32, #tpu.memory_space<hbm>>) dst(%arg12 : memref<512xf32, #tpu.memory_space<vmem>>)
    %dma_wait3A_22 = arith.constant 0 : i32
    %dma_wait3A_23 = tpu.memref_slice %arg5[%dma_wait3A_22] : memref<100000xf32, #tpu.memory_space<hbm>> -> memref<100000xf32, #tpu.memory_space<hbm>>
    tpu.wait_indirect_dma semaphore(%arg16 : memref<!tpu.dma_semaphore, #tpu.memory_space<semaphore_mem>>) src(%dma_wait3A_23 : memref<100000xf32, #tpu.memory_space<hbm>>) dst(%arg13 : memref<512xf32, #tpu.memory_space<vmem>>)
    "tpu.region"() ({
      %run_scoped3A = tpu.sem_alloc : memref<!tpu.dma_semaphore, #tpu.memory_space<semaphore_mem>>
      %dma_start3A_24 = arith.constant 0 : i32
      %dma_start3A_25 = tpu.memref_slice %arg7[%add3A, %dma_start3A_24] : memref<32x512xf32, #tpu.memory_space<hbm>> -> memref<1x512xf32, #tpu.memory_space<hbm>>
      %dma_start3A_26 = tpu.memref_squeeze %dma_start3A_25 : memref<1x512xf32, #tpu.memory_space<hbm>> -> memref<512xf32, #tpu.memory_space<hbm>>
      %dma_start3A_27 = arith.constant 0 : i32
      %dma_start3A_28 = tpu.memref_slice %arg7[%add3A, %dma_start3A_27] : memref<32x512xf32, #tpu.memory_space<hbm>> -> memref<1x512xf32, #tpu.memory_space<hbm>>
      %dma_start3A_29 = tpu.memref_squeeze %dma_start3A_28 : memref<1x512xf32, #tpu.memory_space<hbm>> -> memref<512xf32, #tpu.memory_space<hbm>>
      tpu.enqueue_dma source(%arg12 : memref<512xf32, #tpu.memory_space<vmem>>) target(%dma_start3A_29 : memref<512xf32, #tpu.memory_space<hbm>>) target_semaphore(%run_scoped3A : memref<!tpu.dma_semaphore, #tpu.memory_space<semaphore_mem>>)
      %dma_wait3A_30 = arith.constant 0 : i32
      %dma_wait3A_31 = tpu.memref_slice %arg7[%add3A, %dma_wait3A_30] : memref<32x512xf32, #tpu.memory_space<hbm>> -> memref<1x512xf32, #tpu.memory_space<hbm>>
      %dma_wait3A_32 = tpu.memref_squeeze %dma_wait3A_31 : memref<1x512xf32, #tpu.memory_space<hbm>> -> memref<512xf32, #tpu.memory_space<hbm>>
      %dma_wait3A_33 = arith.constant 0 : i32
      %dma_wait3A_34 = tpu.memref_slice %arg7[%add3A, %dma_wait3A_33] : memref<32x512xf32, #tpu.memory_space<hbm>> -> memref<1x512xf32, #tpu.memory_space<hbm>>
      %dma_wait3A_35 = tpu.memref_squeeze %dma_wait3A_34 : memref<1x512xf32, #tpu.memory_space<hbm>> -> memref<512xf32, #tpu.memory_space<hbm>>
      tpu.wait_dma2 semaphore(%run_scoped3A : memref<!tpu.dma_semaphore, #tpu.memory_space<semaphore_mem>>) src(%arg12 : memref<512xf32, #tpu.memory_space<vmem>>) dst(%dma_wait3A_35 : memref<512xf32, #tpu.memory_space<hbm>>)
      tpu.yield
    }) : () -> ()
    "tpu.region"() ({
      %run_scoped3A = tpu.sem_alloc : memref<!tpu.dma_semaphore, #tpu.memory_space<semaphore_mem>>
      %dma_start3A_24 = arith.constant 0 : i32
      %dma_start3A_25 = tpu.memref_slice %arg8[%add3A, %dma_start3A_24] : memref<32x512xf32, #tpu.memory_space<hbm>> -> memref<1x512xf32, #tpu.memory_space<hbm>>
      %dma_start3A_26 = tpu.memref_squeeze %dma_start3A_25 : memref<1x512xf32, #tpu.memory_space<hbm>> -> memref<512xf32, #tpu.memory_space<hbm>>
      %dma_start3A_27 = arith.constant 0 : i32
      %dma_start3A_28 = tpu.memref_slice %arg8[%add3A, %dma_start3A_27] : memref<32x512xf32, #tpu.memory_space<hbm>> -> memref<1x512xf32, #tpu.memory_space<hbm>>
      %dma_start3A_29 = tpu.memref_squeeze %dma_start3A_28 : memref<1x512xf32, #tpu.memory_space<hbm>> -> memref<512xf32, #tpu.memory_space<hbm>>
      tpu.enqueue_dma source(%arg13 : memref<512xf32, #tpu.memory_space<vmem>>) target(%dma_start3A_29 : memref<512xf32, #tpu.memory_space<hbm>>) target_semaphore(%run_scoped3A : memref<!tpu.dma_semaphore, #tpu.memory_space<semaphore_mem>>)
      %dma_wait3A_30 = arith.constant 0 : i32
      %dma_wait3A_31 = tpu.memref_slice %arg8[%add3A, %dma_wait3A_30] : memref<32x512xf32, #tpu.memory_space<hbm>> -> memref<1x512xf32, #tpu.memory_space<hbm>>
      %dma_wait3A_32 = tpu.memref_squeeze %dma_wait3A_31 : memref<1x512xf32, #tpu.memory_space<hbm>> -> memref<512xf32, #tpu.memory_space<hbm>>
      %dma_wait3A_33 = arith.constant 0 : i32
      %dma_wait3A_34 = tpu.memref_slice %arg8[%add3A, %dma_wait3A_33] : memref<32x512xf32, #tpu.memory_space<hbm>> -> memref<1x512xf32, #tpu.memory_space<hbm>>
      %dma_wait3A_35 = tpu.memref_squeeze %dma_wait3A_34 : memref<1x512xf32, #tpu.memory_space<hbm>> -> memref<512xf32, #tpu.memory_space<hbm>>
      tpu.wait_dma2 semaphore(%run_scoped3A : memref<!tpu.dma_semaphore, #tpu.memory_space<semaphore_mem>>) src(%arg13 : memref<512xf32, #tpu.memory_space<vmem>>) dst(%dma_wait3A_35 : memref<512xf32, #tpu.memory_space<hbm>>)
      tpu.yield
    }) : () -> ()
    "tpu.region"() ({
      %run_scoped3A = tpu.sem_alloc : memref<!tpu.dma_semaphore, #tpu.memory_space<semaphore_mem>>
      %dma_start3A_24 = arith.constant 0 : i32
      %dma_start3A_25 = arith.constant 0 : i32
      %dma_start3A_26 = tpu.memref_slice %arg9[%add3A, %dma_start3A_24, %dma_start3A_25] : memref<32x32x512xf32, #tpu.memory_space<hbm>> -> memref<1x32x512xf32, #tpu.memory_space<hbm>>
      %dma_start3A_27 = tpu.memref_squeeze %dma_start3A_26 : memref<1x32x512xf32, #tpu.memory_space<hbm>> -> memref<32x512xf32, #tpu.memory_space<hbm>>
      %dma_start3A_28 = arith.constant 0 : i32
      %dma_start3A_29 = arith.constant 0 : i32
      %dma_start3A_30 = tpu.memref_slice %arg9[%add3A, %dma_start3A_28, %dma_start3A_29] : memref<32x32x512xf32, #tpu.memory_space<hbm>> -> memref<1x32x512xf32, #tpu.memory_space<hbm>>
      %dma_start3A_31 = tpu.memref_squeeze %dma_start3A_30 : memref<1x32x512xf32, #tpu.memory_space<hbm>> -> memref<32x512xf32, #tpu.memory_space<hbm>>
      tpu.enqueue_dma source(%arg15 : memref<32x512xf32, #tpu.memory_space<vmem>>) target(%dma_start3A_31 : memref<32x512xf32, #tpu.memory_space<hbm>>) target_semaphore(%run_scoped3A : memref<!tpu.dma_semaphore, #tpu.memory_space<semaphore_mem>>)
      %dma_wait3A_32 = arith.constant 0 : i32
      %dma_wait3A_33 = arith.constant 0 : i32
      %dma_wait3A_34 = tpu.memref_slice %arg9[%add3A, %dma_wait3A_32, %dma_wait3A_33] : memref<32x32x512xf32, #tpu.memory_space<hbm>> -> memref<1x32x512xf32, #tpu.memory_space<hbm>>
      %dma_wait3A_35 = tpu.memref_squeeze %dma_wait3A_34 : memref<1x32x512xf32, #tpu.memory_space<hbm>> -> memref<32x512xf32, #tpu.memory_space<hbm>>
      %dma_wait3A_36 = arith.constant 0 : i32
      %dma_wait3A_37 = arith.constant 0 : i32
      %dma_wait3A_38 = tpu.memref_slice %arg9[%add3A, %dma_wait3A_36, %dma_wait3A_37] : memref<32x32x512xf32, #tpu.memory_space<hbm>> -> memref<1x32x512xf32, #tpu.memory_space<hbm>>
      %dma_wait3A_39 = tpu.memref_squeeze %dma_wait3A_38 : memref<1x32x512xf32, #tpu.memory_space<hbm>> -> memref<32x512xf32, #tpu.memory_space<hbm>>
      tpu.wait_dma2 semaphore(%run_scoped3A : memref<!tpu.dma_semaphore, #tpu.memory_space<semaphore_mem>>) src(%arg15 : memref<32x512xf32, #tpu.memory_space<vmem>>) dst(%dma_wait3A_39 : memref<32x512xf32, #tpu.memory_space<hbm>>)
      tpu.yield
    }) : () -> ()
    return
  }
}

#map = affine_map<(d0, d1) -> (0, 0)>
#map1 = affine_map<(d0, d1) -> (0)>
#map2 = affine_map<(d0, d1) -> (0, 0, 0)>
module attributes {stable_mosaic.version = 14 : i64} {
  func.func @main_kernel(%arg0: i32, %arg1: i32, %arg2: memref<32x512xi32, #tpu.memory_space<hbm>>, %arg3: memref<32x512xf32, #tpu.memory_space<hbm>>, %arg4: memref<16xf32, #tpu.memory_space<hbm>>, %arg5: memref<16001024xf32, #tpu.memory_space<hbm>>, %arg6: memref<32x512xf32, #tpu.memory_space<hbm>>, %arg7: memref<32x512xf32, #tpu.memory_space<hbm>>, %arg8: memref<32x16x512xf32, #tpu.memory_space<hbm>>, %arg9: memref<32x32x512xf32, #tpu.memory_space<hbm>>, %arg10: memref<32x16xf32, #tpu.memory_space<hbm>>, %arg11: memref<512xi32, #tpu.memory_space<vmem>>, %arg12: memref<512xf32, #tpu.memory_space<vmem>>, %arg13: memref<16xf32, #tpu.memory_space<vmem>>, %arg14: memref<512xf32, #tpu.memory_space<vmem>>, %arg15: memref<512xf32, #tpu.memory_space<vmem>>, %arg16: memref<16x512xi32, #tpu.memory_space<vmem>>, %arg17: memref<16x512xf32, #tpu.memory_space<vmem>>, %arg18: memref<16x512xf32, #tpu.memory_space<vmem>>, %arg19: memref<32x512xf32, #tpu.memory_space<vmem>>, %arg20: memref<16xf32, #tpu.memory_space<vmem>>, %arg21: memref<!tpu.dma_semaphore, #tpu.memory_space<semaphore_mem>>) attributes {dimension_semantics = [#tpu.dimension_semantics<core_parallel>, #tpu.dimension_semantics<subcore_parallel>], iteration_bounds = array<i64: 2, 16>, scalar_prefetch = 0 : i64, scratch_operands = 11 : i64, tpu.core_type = #tpu.core_type<sc_vector_subcore>, window_params = [{transform_indices = #map}, {transform_indices = #map}, {transform_indices = #map1}, {transform_indices = #map1}, {transform_indices = #map}, {transform_indices = #map}, {transform_indices = #map2}, {transform_indices = #map2}, {transform_indices = #map}]} {
    %mul3A = arith.constant 2 : i32
    %mul3A_0 = arith.muli %arg1, %mul3A : i32
    %add3A = arith.addi %mul3A_0, %arg0 : i32
    "tpu.region"() ({
      %run_scoped3A = tpu.sem_alloc : memref<!tpu.dma_semaphore, #tpu.memory_space<semaphore_mem>>
      %dma_start3A = arith.constant 0 : i32
      %dma_start3A_27 = tpu.memref_slice %arg2[%add3A, %dma_start3A] : memref<32x512xi32, #tpu.memory_space<hbm>> -> memref<1x512xi32, #tpu.memory_space<hbm>>
      %dma_start3A_28 = tpu.memref_squeeze %dma_start3A_27 : memref<1x512xi32, #tpu.memory_space<hbm>> -> memref<512xi32, #tpu.memory_space<hbm>>
      %dma_start3A_29 = arith.constant 0 : i32
      %dma_start3A_30 = tpu.memref_slice %arg2[%add3A, %dma_start3A_29] : memref<32x512xi32, #tpu.memory_space<hbm>> -> memref<1x512xi32, #tpu.memory_space<hbm>>
      %dma_start3A_31 = tpu.memref_squeeze %dma_start3A_30 : memref<1x512xi32, #tpu.memory_space<hbm>> -> memref<512xi32, #tpu.memory_space<hbm>>
      tpu.enqueue_dma source(%dma_start3A_31 : memref<512xi32, #tpu.memory_space<hbm>>) target(%arg11 : memref<512xi32, #tpu.memory_space<vmem>>) target_semaphore(%run_scoped3A : memref<!tpu.dma_semaphore, #tpu.memory_space<semaphore_mem>>)
      %dma_wait3A = arith.constant 0 : i32
      %dma_wait3A_32 = tpu.memref_slice %arg2[%add3A, %dma_wait3A] : memref<32x512xi32, #tpu.memory_space<hbm>> -> memref<1x512xi32, #tpu.memory_space<hbm>>
      %dma_wait3A_33 = tpu.memref_squeeze %dma_wait3A_32 : memref<1x512xi32, #tpu.memory_space<hbm>> -> memref<512xi32, #tpu.memory_space<hbm>>
      %dma_wait3A_34 = arith.constant 0 : i32
      %dma_wait3A_35 = tpu.memref_slice %arg2[%add3A, %dma_wait3A_34] : memref<32x512xi32, #tpu.memory_space<hbm>> -> memref<1x512xi32, #tpu.memory_space<hbm>>
      %dma_wait3A_36 = tpu.memref_squeeze %dma_wait3A_35 : memref<1x512xi32, #tpu.memory_space<hbm>> -> memref<512xi32, #tpu.memory_space<hbm>>
      tpu.wait_dma2 semaphore(%run_scoped3A : memref<!tpu.dma_semaphore, #tpu.memory_space<semaphore_mem>>) src(%dma_wait3A_36 : memref<512xi32, #tpu.memory_space<hbm>>) dst(%arg11 : memref<512xi32, #tpu.memory_space<vmem>>)
      tpu.yield
    }) : () -> ()
    %scan3A = arith.constant 0 : i32
    %scan3A_1 = arith.constant 0 : i32
    %scan3A_2 = arith.constant 32 : i32
    %scan3A_3 = arith.addi %scan3A_1, %scan3A_2 : i32
    %scan3A_4 = arith.constant 1 : i32
    scf.for %scan3A_27 = %scan3A_1 to %scan3A_3 step %scan3A_4  : i32 {
      %mul3A_28 = arith.constant 16 : i32
      %mul3A_29 = arith.muli %scan3A_27, %mul3A_28 : i32
      %get3A_30 = arith.index_cast %mul3A_29 : i32 to index
      %get3A_31 = tpu.vector_load %arg11[%get3A_30] {strides = array<i32>} : memref<512xi32, #tpu.memory_space<vmem>>, vector<16xi32>,
      %shift_right_arithmetic3A = arith.constant 7 : i32
      %shift_right_arithmetic3A_32 = vector.broadcast %shift_right_arithmetic3A : i32 to vector<16xi32>
      %shift_right_arithmetic3A_33 = arith.shrsi %get3A_31, %shift_right_arithmetic3A_32 : vector<16xi32>
      %shift_left3A = arith.constant 10 : i32
      %shift_left3A_34 = vector.broadcast %shift_left3A : i32 to vector<16xi32>
      %shift_left3A_35 = arith.shli %shift_right_arithmetic3A_33, %shift_left3A_34 : vector<16xi32>
      %and3A = arith.constant 127 : i32
      %and3A_36 = vector.broadcast %and3A : i32 to vector<16xi32>
      %and3A_37 = arith.andi %get3A_31, %and3A_36 : vector<16xi32>
      %add3A_38 = arith.addi %shift_left3A_35, %and3A_37 : vector<16xi32>
      %add3A_39 = arith.constant 0 : i32
      %add3A_40 = vector.broadcast %add3A_39 : i32 to vector<16xi32>
      %add3A_41 = arith.addi %add3A_38, %add3A_40 : vector<16xi32>
      %swap3A_42 = arith.constant 0 : i32
      %swap3A_43 = arith.index_cast %swap3A_42 : i32 to index
      %swap3A_44 = arith.index_cast %mul3A_29 : i32 to index
      %swap3A_45 = tpu.vector_load %arg16[%swap3A_43, %swap3A_44] {strides = array<i32>} : memref<16x512xi32, #tpu.memory_space<vmem>>, vector<16xi32>,
      tpu.vector_store %arg16[%swap3A_43, %swap3A_44], %add3A_41 {strides = array<i32>} : memref<16x512xi32, #tpu.memory_space<vmem>>, vector<16xi32>,
      %add3A_46 = arith.constant 128 : i32
      %add3A_47 = vector.broadcast %add3A_46 : i32 to vector<16xi32>
      %add3A_48 = arith.addi %add3A_38, %add3A_47 : vector<16xi32>
      %swap3A_49 = arith.constant 1 : i32
      %swap3A_50 = arith.index_cast %swap3A_49 : i32 to index
      %swap3A_51 = arith.index_cast %mul3A_29 : i32 to index
      %swap3A_52 = tpu.vector_load %arg16[%swap3A_50, %swap3A_51] {strides = array<i32>} : memref<16x512xi32, #tpu.memory_space<vmem>>, vector<16xi32>,
      tpu.vector_store %arg16[%swap3A_50, %swap3A_51], %add3A_48 {strides = array<i32>} : memref<16x512xi32, #tpu.memory_space<vmem>>, vector<16xi32>,
      %add3A_53 = arith.constant 256 : i32
      %add3A_54 = vector.broadcast %add3A_53 : i32 to vector<16xi32>
      %add3A_55 = arith.addi %add3A_38, %add3A_54 : vector<16xi32>
      %swap3A_56 = arith.constant 2 : i32
      %swap3A_57 = arith.index_cast %swap3A_56 : i32 to index
      %swap3A_58 = arith.index_cast %mul3A_29 : i32 to index
      %swap3A_59 = tpu.vector_load %arg16[%swap3A_57, %swap3A_58] {strides = array<i32>} : memref<16x512xi32, #tpu.memory_space<vmem>>, vector<16xi32>,
      tpu.vector_store %arg16[%swap3A_57, %swap3A_58], %add3A_55 {strides = array<i32>} : memref<16x512xi32, #tpu.memory_space<vmem>>, vector<16xi32>,
      %add3A_60 = arith.constant 384 : i32
      %add3A_61 = vector.broadcast %add3A_60 : i32 to vector<16xi32>
      %add3A_62 = arith.addi %add3A_38, %add3A_61 : vector<16xi32>
      %swap3A_63 = arith.constant 3 : i32
      %swap3A_64 = arith.index_cast %swap3A_63 : i32 to index
      %swap3A_65 = arith.index_cast %mul3A_29 : i32 to index
      %swap3A_66 = tpu.vector_load %arg16[%swap3A_64, %swap3A_65] {strides = array<i32>} : memref<16x512xi32, #tpu.memory_space<vmem>>, vector<16xi32>,
      tpu.vector_store %arg16[%swap3A_64, %swap3A_65], %add3A_62 {strides = array<i32>} : memref<16x512xi32, #tpu.memory_space<vmem>>, vector<16xi32>,
      %add3A_67 = arith.constant 512 : i32
      %add3A_68 = vector.broadcast %add3A_67 : i32 to vector<16xi32>
      %add3A_69 = arith.addi %add3A_38, %add3A_68 : vector<16xi32>
      %swap3A_70 = arith.constant 4 : i32
      %swap3A_71 = arith.index_cast %swap3A_70 : i32 to index
      %swap3A_72 = arith.index_cast %mul3A_29 : i32 to index
      %swap3A_73 = tpu.vector_load %arg16[%swap3A_71, %swap3A_72] {strides = array<i32>} : memref<16x512xi32, #tpu.memory_space<vmem>>, vector<16xi32>,
      tpu.vector_store %arg16[%swap3A_71, %swap3A_72], %add3A_69 {strides = array<i32>} : memref<16x512xi32, #tpu.memory_space<vmem>>, vector<16xi32>,
      %add3A_74 = arith.constant 640 : i32
      %add3A_75 = vector.broadcast %add3A_74 : i32 to vector<16xi32>
      %add3A_76 = arith.addi %add3A_38, %add3A_75 : vector<16xi32>
      %swap3A_77 = arith.constant 5 : i32
      %swap3A_78 = arith.index_cast %swap3A_77 : i32 to index
      %swap3A_79 = arith.index_cast %mul3A_29 : i32 to index
      %swap3A_80 = tpu.vector_load %arg16[%swap3A_78, %swap3A_79] {strides = array<i32>} : memref<16x512xi32, #tpu.memory_space<vmem>>, vector<16xi32>,
      tpu.vector_store %arg16[%swap3A_78, %swap3A_79], %add3A_76 {strides = array<i32>} : memref<16x512xi32, #tpu.memory_space<vmem>>, vector<16xi32>,
      %add3A_81 = arith.constant 768 : i32
      %add3A_82 = vector.broadcast %add3A_81 : i32 to vector<16xi32>
      %add3A_83 = arith.addi %add3A_38, %add3A_82 : vector<16xi32>
      %swap3A_84 = arith.constant 6 : i32
      %swap3A_85 = arith.index_cast %swap3A_84 : i32 to index
      %swap3A_86 = arith.index_cast %mul3A_29 : i32 to index
      %swap3A_87 = tpu.vector_load %arg16[%swap3A_85, %swap3A_86] {strides = array<i32>} : memref<16x512xi32, #tpu.memory_space<vmem>>, vector<16xi32>,
      tpu.vector_store %arg16[%swap3A_85, %swap3A_86], %add3A_83 {strides = array<i32>} : memref<16x512xi32, #tpu.memory_space<vmem>>, vector<16xi32>,
      %add3A_88 = arith.constant 896 : i32
      %add3A_89 = vector.broadcast %add3A_88 : i32 to vector<16xi32>
      %add3A_90 = arith.addi %add3A_38, %add3A_89 : vector<16xi32>
      %swap3A_91 = arith.constant 7 : i32
      %swap3A_92 = arith.index_cast %swap3A_91 : i32 to index
      %swap3A_93 = arith.index_cast %mul3A_29 : i32 to index
      %swap3A_94 = tpu.vector_load %arg16[%swap3A_92, %swap3A_93] {strides = array<i32>} : memref<16x512xi32, #tpu.memory_space<vmem>>, vector<16xi32>,
      tpu.vector_store %arg16[%swap3A_92, %swap3A_93], %add3A_90 {strides = array<i32>} : memref<16x512xi32, #tpu.memory_space<vmem>>, vector<16xi32>,
      %add3A_95 = arith.constant 8000512 : i32
      %add3A_96 = vector.broadcast %add3A_95 : i32 to vector<16xi32>
      %add3A_97 = arith.addi %add3A_38, %add3A_96 : vector<16xi32>
      %swap3A_98 = arith.constant 8 : i32
      %swap3A_99 = arith.index_cast %swap3A_98 : i32 to index
      %swap3A_100 = arith.index_cast %mul3A_29 : i32 to index
      %swap3A_101 = tpu.vector_load %arg16[%swap3A_99, %swap3A_100] {strides = array<i32>} : memref<16x512xi32, #tpu.memory_space<vmem>>, vector<16xi32>,
      tpu.vector_store %arg16[%swap3A_99, %swap3A_100], %add3A_97 {strides = array<i32>} : memref<16x512xi32, #tpu.memory_space<vmem>>, vector<16xi32>,
      %add3A_102 = arith.constant 8000640 : i32
      %add3A_103 = vector.broadcast %add3A_102 : i32 to vector<16xi32>
      %add3A_104 = arith.addi %add3A_38, %add3A_103 : vector<16xi32>
      %swap3A_105 = arith.constant 9 : i32
      %swap3A_106 = arith.index_cast %swap3A_105 : i32 to index
      %swap3A_107 = arith.index_cast %mul3A_29 : i32 to index
      %swap3A_108 = tpu.vector_load %arg16[%swap3A_106, %swap3A_107] {strides = array<i32>} : memref<16x512xi32, #tpu.memory_space<vmem>>, vector<16xi32>,
      tpu.vector_store %arg16[%swap3A_106, %swap3A_107], %add3A_104 {strides = array<i32>} : memref<16x512xi32, #tpu.memory_space<vmem>>, vector<16xi32>,
      %add3A_109 = arith.constant 8000768 : i32
      %add3A_110 = vector.broadcast %add3A_109 : i32 to vector<16xi32>
      %add3A_111 = arith.addi %add3A_38, %add3A_110 : vector<16xi32>
      %swap3A_112 = arith.constant 10 : i32
      %swap3A_113 = arith.index_cast %swap3A_112 : i32 to index
      %swap3A_114 = arith.index_cast %mul3A_29 : i32 to index
      %swap3A_115 = tpu.vector_load %arg16[%swap3A_113, %swap3A_114] {strides = array<i32>} : memref<16x512xi32, #tpu.memory_space<vmem>>, vector<16xi32>,
      tpu.vector_store %arg16[%swap3A_113, %swap3A_114], %add3A_111 {strides = array<i32>} : memref<16x512xi32, #tpu.memory_space<vmem>>, vector<16xi32>,
      %add3A_116 = arith.constant 8000896 : i32
      %add3A_117 = vector.broadcast %add3A_116 : i32 to vector<16xi32>
      %add3A_118 = arith.addi %add3A_38, %add3A_117 : vector<16xi32>
      %swap3A_119 = arith.constant 11 : i32
      %swap3A_120 = arith.index_cast %swap3A_119 : i32 to index
      %swap3A_121 = arith.index_cast %mul3A_29 : i32 to index
      %swap3A_122 = tpu.vector_load %arg16[%swap3A_120, %swap3A_121] {strides = array<i32>} : memref<16x512xi32, #tpu.memory_space<vmem>>, vector<16xi32>,
      tpu.vector_store %arg16[%swap3A_120, %swap3A_121], %add3A_118 {strides = array<i32>} : memref<16x512xi32, #tpu.memory_space<vmem>>, vector<16xi32>,
      %add3A_123 = arith.constant 8001024 : i32
      %add3A_124 = vector.broadcast %add3A_123 : i32 to vector<16xi32>
      %add3A_125 = arith.addi %add3A_38, %add3A_124 : vector<16xi32>
      %swap3A_126 = arith.constant 12 : i32
      %swap3A_127 = arith.index_cast %swap3A_126 : i32 to index
      %swap3A_128 = arith.index_cast %mul3A_29 : i32 to index
      %swap3A_129 = tpu.vector_load %arg16[%swap3A_127, %swap3A_128] {strides = array<i32>} : memref<16x512xi32, #tpu.memory_space<vmem>>, vector<16xi32>,
      tpu.vector_store %arg16[%swap3A_127, %swap3A_128], %add3A_125 {strides = array<i32>} : memref<16x512xi32, #tpu.memory_space<vmem>>, vector<16xi32>,
      %add3A_130 = arith.constant 8001152 : i32
      %add3A_131 = vector.broadcast %add3A_130 : i32 to vector<16xi32>
      %add3A_132 = arith.addi %add3A_38, %add3A_131 : vector<16xi32>
      %swap3A_133 = arith.constant 13 : i32
      %swap3A_134 = arith.index_cast %swap3A_133 : i32 to index
      %swap3A_135 = arith.index_cast %mul3A_29 : i32 to index
      %swap3A_136 = tpu.vector_load %arg16[%swap3A_134, %swap3A_135] {strides = array<i32>} : memref<16x512xi32, #tpu.memory_space<vmem>>, vector<16xi32>,
      tpu.vector_store %arg16[%swap3A_134, %swap3A_135], %add3A_132 {strides = array<i32>} : memref<16x512xi32, #tpu.memory_space<vmem>>, vector<16xi32>,
      %add3A_137 = arith.constant 8001280 : i32
      %add3A_138 = vector.broadcast %add3A_137 : i32 to vector<16xi32>
      %add3A_139 = arith.addi %add3A_38, %add3A_138 : vector<16xi32>
      %swap3A_140 = arith.constant 14 : i32
      %swap3A_141 = arith.index_cast %swap3A_140 : i32 to index
      %swap3A_142 = arith.index_cast %mul3A_29 : i32 to index
      %swap3A_143 = tpu.vector_load %arg16[%swap3A_141, %swap3A_142] {strides = array<i32>} : memref<16x512xi32, #tpu.memory_space<vmem>>, vector<16xi32>,
      tpu.vector_store %arg16[%swap3A_141, %swap3A_142], %add3A_139 {strides = array<i32>} : memref<16x512xi32, #tpu.memory_space<vmem>>, vector<16xi32>,
      %add3A_144 = arith.constant 8001408 : i32
      %add3A_145 = vector.broadcast %add3A_144 : i32 to vector<16xi32>
      %add3A_146 = arith.addi %add3A_38, %add3A_145 : vector<16xi32>
      %swap3A_147 = arith.constant 15 : i32
      %swap3A_148 = arith.index_cast %swap3A_147 : i32 to index
      %swap3A_149 = arith.index_cast %mul3A_29 : i32 to index
      %swap3A_150 = tpu.vector_load %arg16[%swap3A_148, %swap3A_149] {strides = array<i32>} : memref<16x512xi32, #tpu.memory_space<vmem>>, vector<16xi32>,
      tpu.vector_store %arg16[%swap3A_148, %swap3A_149], %add3A_146 {strides = array<i32>} : memref<16x512xi32, #tpu.memory_space<vmem>>, vector<16xi32>,
    }
    %scan3A_5 = arith.constant 32 : i32
    %scan3A_6 = arith.constant 0 : i32
    %scan3A_7 = arith.constant 0 : i32
    %scan3A_8 = arith.constant 16 : i32
    %scan3A_9 = arith.addi %scan3A_7, %scan3A_8 : i32
    %scan3A_10 = arith.constant 1 : i32
    scf.for %scan3A_27 = %scan3A_7 to %scan3A_9 step %scan3A_10  : i32 {
      %dma_start3A = arith.constant 0 : i32
      %dma_start3A_28 = tpu.memref_slice %arg18[%scan3A_27, %dma_start3A] : memref<16x512xf32, #tpu.memory_space<vmem>> -> memref<1x512xf32, #tpu.memory_space<vmem>>
      %dma_start3A_29 = tpu.memref_squeeze %dma_start3A_28 : memref<1x512xf32, #tpu.memory_space<vmem>> -> memref<512xf32, #tpu.memory_space<vmem>>
      %dma_start3A_30 = arith.constant 0 : i32
      %dma_start3A_31 = tpu.memref_slice %arg16[%scan3A_27, %dma_start3A_30] : memref<16x512xi32, #tpu.memory_space<vmem>> -> memref<1x512xi32, #tpu.memory_space<vmem>>
      %dma_start3A_32 = tpu.memref_squeeze %dma_start3A_31 : memref<1x512xi32, #tpu.memory_space<vmem>> -> memref<512xi32, #tpu.memory_space<vmem>>
      %dma_start3A_33 = arith.constant 0 : i32
      %dma_start3A_34 = tpu.memref_slice %arg5[%dma_start3A_33] : memref<16001024xf32, #tpu.memory_space<hbm>> -> memref<16001024xf32, #tpu.memory_space<hbm>>
      tpu.enqueue_indirect_dma source(%dma_start3A_34 : memref<16001024xf32, #tpu.memory_space<hbm>>) target(%dma_start3A_29 : memref<512xf32, #tpu.memory_space<vmem>>) offsets(%dma_start3A_32 : memref<512xi32, #tpu.memory_space<vmem>>) semaphore(%arg21 : memref<!tpu.dma_semaphore, #tpu.memory_space<semaphore_mem>>)
    }
    %scan3A_11 = arith.constant 16 : i32
    "tpu.region"() ({
      %run_scoped3A = tpu.sem_alloc : memref<!tpu.dma_semaphore, #tpu.memory_space<semaphore_mem>>
      %dma_start3A = arith.constant 0 : i32
      %dma_start3A_27 = tpu.memref_slice %arg3[%add3A, %dma_start3A] : memref<32x512xf32, #tpu.memory_space<hbm>> -> memref<1x512xf32, #tpu.memory_space<hbm>>
      %dma_start3A_28 = tpu.memref_squeeze %dma_start3A_27 : memref<1x512xf32, #tpu.memory_space<hbm>> -> memref<512xf32, #tpu.memory_space<hbm>>
      %dma_start3A_29 = arith.constant 0 : i32
      %dma_start3A_30 = tpu.memref_slice %arg3[%add3A, %dma_start3A_29] : memref<32x512xf32, #tpu.memory_space<hbm>> -> memref<1x512xf32, #tpu.memory_space<hbm>>
      %dma_start3A_31 = tpu.memref_squeeze %dma_start3A_30 : memref<1x512xf32, #tpu.memory_space<hbm>> -> memref<512xf32, #tpu.memory_space<hbm>>
      tpu.enqueue_dma source(%dma_start3A_31 : memref<512xf32, #tpu.memory_space<hbm>>) target(%arg12 : memref<512xf32, #tpu.memory_space<vmem>>) target_semaphore(%run_scoped3A : memref<!tpu.dma_semaphore, #tpu.memory_space<semaphore_mem>>)
      %dma_wait3A = arith.constant 0 : i32
      %dma_wait3A_32 = tpu.memref_slice %arg3[%add3A, %dma_wait3A] : memref<32x512xf32, #tpu.memory_space<hbm>> -> memref<1x512xf32, #tpu.memory_space<hbm>>
      %dma_wait3A_33 = tpu.memref_squeeze %dma_wait3A_32 : memref<1x512xf32, #tpu.memory_space<hbm>> -> memref<512xf32, #tpu.memory_space<hbm>>
      %dma_wait3A_34 = arith.constant 0 : i32
      %dma_wait3A_35 = tpu.memref_slice %arg3[%add3A, %dma_wait3A_34] : memref<32x512xf32, #tpu.memory_space<hbm>> -> memref<1x512xf32, #tpu.memory_space<hbm>>
      %dma_wait3A_36 = tpu.memref_squeeze %dma_wait3A_35 : memref<1x512xf32, #tpu.memory_space<hbm>> -> memref<512xf32, #tpu.memory_space<hbm>>
      tpu.wait_dma2 semaphore(%run_scoped3A : memref<!tpu.dma_semaphore, #tpu.memory_space<semaphore_mem>>) src(%dma_wait3A_36 : memref<512xf32, #tpu.memory_space<hbm>>) dst(%arg12 : memref<512xf32, #tpu.memory_space<vmem>>)
      tpu.yield
    }) : () -> ()
    "tpu.region"() ({
      %run_scoped3A = tpu.sem_alloc : memref<!tpu.dma_semaphore, #tpu.memory_space<semaphore_mem>>
      tpu.enqueue_dma source(%arg4 : memref<16xf32, #tpu.memory_space<hbm>>) target(%arg13 : memref<16xf32, #tpu.memory_space<vmem>>) target_semaphore(%run_scoped3A : memref<!tpu.dma_semaphore, #tpu.memory_space<semaphore_mem>>)
      tpu.wait_dma2 semaphore(%run_scoped3A : memref<!tpu.dma_semaphore, #tpu.memory_space<semaphore_mem>>) src(%arg4 : memref<16xf32, #tpu.memory_space<hbm>>) dst(%arg13 : memref<16xf32, #tpu.memory_space<vmem>>)
      tpu.yield
    }) : () -> ()
    "tpu.region"() ({
      %run_scoped3A = tpu.sem_alloc : memref<!tpu.dma_semaphore, #tpu.memory_space<semaphore_mem>>
      %dma_start3A = arith.constant 0 : i32
      %dma_start3A_27 = tpu.memref_slice %arg6[%add3A, %dma_start3A] : memref<32x512xf32, #tpu.memory_space<hbm>> -> memref<1x512xf32, #tpu.memory_space<hbm>>
      %dma_start3A_28 = tpu.memref_squeeze %dma_start3A_27 : memref<1x512xf32, #tpu.memory_space<hbm>> -> memref<512xf32, #tpu.memory_space<hbm>>
      %dma_start3A_29 = arith.constant 0 : i32
      %dma_start3A_30 = tpu.memref_slice %arg6[%add3A, %dma_start3A_29] : memref<32x512xf32, #tpu.memory_space<hbm>> -> memref<1x512xf32, #tpu.memory_space<hbm>>
      %dma_start3A_31 = tpu.memref_squeeze %dma_start3A_30 : memref<1x512xf32, #tpu.memory_space<hbm>> -> memref<512xf32, #tpu.memory_space<hbm>>
      tpu.enqueue_dma source(%dma_start3A_31 : memref<512xf32, #tpu.memory_space<hbm>>) target(%arg14 : memref<512xf32, #tpu.memory_space<vmem>>) target_semaphore(%run_scoped3A : memref<!tpu.dma_semaphore, #tpu.memory_space<semaphore_mem>>)
      %dma_wait3A = arith.constant 0 : i32
      %dma_wait3A_32 = tpu.memref_slice %arg6[%add3A, %dma_wait3A] : memref<32x512xf32, #tpu.memory_space<hbm>> -> memref<1x512xf32, #tpu.memory_space<hbm>>
      %dma_wait3A_33 = tpu.memref_squeeze %dma_wait3A_32 : memref<1x512xf32, #tpu.memory_space<hbm>> -> memref<512xf32, #tpu.memory_space<hbm>>
      %dma_wait3A_34 = arith.constant 0 : i32
      %dma_wait3A_35 = tpu.memref_slice %arg6[%add3A, %dma_wait3A_34] : memref<32x512xf32, #tpu.memory_space<hbm>> -> memref<1x512xf32, #tpu.memory_space<hbm>>
      %dma_wait3A_36 = tpu.memref_squeeze %dma_wait3A_35 : memref<1x512xf32, #tpu.memory_space<hbm>> -> memref<512xf32, #tpu.memory_space<hbm>>
      tpu.wait_dma2 semaphore(%run_scoped3A : memref<!tpu.dma_semaphore, #tpu.memory_space<semaphore_mem>>) src(%dma_wait3A_36 : memref<512xf32, #tpu.memory_space<hbm>>) dst(%arg14 : memref<512xf32, #tpu.memory_space<vmem>>)
      tpu.yield
    }) : () -> ()
    "tpu.region"() ({
      %run_scoped3A = tpu.sem_alloc : memref<!tpu.dma_semaphore, #tpu.memory_space<semaphore_mem>>
      %dma_start3A = arith.constant 0 : i32
      %dma_start3A_27 = tpu.memref_slice %arg7[%add3A, %dma_start3A] : memref<32x512xf32, #tpu.memory_space<hbm>> -> memref<1x512xf32, #tpu.memory_space<hbm>>
      %dma_start3A_28 = tpu.memref_squeeze %dma_start3A_27 : memref<1x512xf32, #tpu.memory_space<hbm>> -> memref<512xf32, #tpu.memory_space<hbm>>
      %dma_start3A_29 = arith.constant 0 : i32
      %dma_start3A_30 = tpu.memref_slice %arg7[%add3A, %dma_start3A_29] : memref<32x512xf32, #tpu.memory_space<hbm>> -> memref<1x512xf32, #tpu.memory_space<hbm>>
      %dma_start3A_31 = tpu.memref_squeeze %dma_start3A_30 : memref<1x512xf32, #tpu.memory_space<hbm>> -> memref<512xf32, #tpu.memory_space<hbm>>
      tpu.enqueue_dma source(%dma_start3A_31 : memref<512xf32, #tpu.memory_space<hbm>>) target(%arg15 : memref<512xf32, #tpu.memory_space<vmem>>) target_semaphore(%run_scoped3A : memref<!tpu.dma_semaphore, #tpu.memory_space<semaphore_mem>>)
      %dma_wait3A = arith.constant 0 : i32
      %dma_wait3A_32 = tpu.memref_slice %arg7[%add3A, %dma_wait3A] : memref<32x512xf32, #tpu.memory_space<hbm>> -> memref<1x512xf32, #tpu.memory_space<hbm>>
      %dma_wait3A_33 = tpu.memref_squeeze %dma_wait3A_32 : memref<1x512xf32, #tpu.memory_space<hbm>> -> memref<512xf32, #tpu.memory_space<hbm>>
      %dma_wait3A_34 = arith.constant 0 : i32
      %dma_wait3A_35 = tpu.memref_slice %arg7[%add3A, %dma_wait3A_34] : memref<32x512xf32, #tpu.memory_space<hbm>> -> memref<1x512xf32, #tpu.memory_space<hbm>>
      %dma_wait3A_36 = tpu.memref_squeeze %dma_wait3A_35 : memref<1x512xf32, #tpu.memory_space<hbm>> -> memref<512xf32, #tpu.memory_space<hbm>>
      tpu.wait_dma2 semaphore(%run_scoped3A : memref<!tpu.dma_semaphore, #tpu.memory_space<semaphore_mem>>) src(%dma_wait3A_36 : memref<512xf32, #tpu.memory_space<hbm>>) dst(%arg15 : memref<512xf32, #tpu.memory_space<vmem>>)
      tpu.yield
    }) : () -> ()
    "tpu.region"() ({
      %run_scoped3A = tpu.sem_alloc : memref<!tpu.dma_semaphore, #tpu.memory_space<semaphore_mem>>
      %dma_start3A = arith.constant 0 : i32
      %dma_start3A_27 = arith.constant 0 : i32
      %dma_start3A_28 = tpu.memref_slice %arg8[%add3A, %dma_start3A, %dma_start3A_27] : memref<32x16x512xf32, #tpu.memory_space<hbm>> -> memref<1x16x512xf32, #tpu.memory_space<hbm>>
      %dma_start3A_29 = tpu.memref_squeeze %dma_start3A_28 : memref<1x16x512xf32, #tpu.memory_space<hbm>> -> memref<16x512xf32, #tpu.memory_space<hbm>>
      %dma_start3A_30 = arith.constant 0 : i32
      %dma_start3A_31 = arith.constant 0 : i32
      %dma_start3A_32 = tpu.memref_slice %arg8[%add3A, %dma_start3A_30, %dma_start3A_31] : memref<32x16x512xf32, #tpu.memory_space<hbm>> -> memref<1x16x512xf32, #tpu.memory_space<hbm>>
      %dma_start3A_33 = tpu.memref_squeeze %dma_start3A_32 : memref<1x16x512xf32, #tpu.memory_space<hbm>> -> memref<16x512xf32, #tpu.memory_space<hbm>>
      tpu.enqueue_dma source(%dma_start3A_33 : memref<16x512xf32, #tpu.memory_space<hbm>>) target(%arg17 : memref<16x512xf32, #tpu.memory_space<vmem>>) target_semaphore(%run_scoped3A : memref<!tpu.dma_semaphore, #tpu.memory_space<semaphore_mem>>)
      %dma_wait3A = arith.constant 0 : i32
      %dma_wait3A_34 = arith.constant 0 : i32
      %dma_wait3A_35 = tpu.memref_slice %arg8[%add3A, %dma_wait3A, %dma_wait3A_34] : memref<32x16x512xf32, #tpu.memory_space<hbm>> -> memref<1x16x512xf32, #tpu.memory_space<hbm>>
      %dma_wait3A_36 = tpu.memref_squeeze %dma_wait3A_35 : memref<1x16x512xf32, #tpu.memory_space<hbm>> -> memref<16x512xf32, #tpu.memory_space<hbm>>
      %dma_wait3A_37 = arith.constant 0 : i32
      %dma_wait3A_38 = arith.constant 0 : i32
      %dma_wait3A_39 = tpu.memref_slice %arg8[%add3A, %dma_wait3A_37, %dma_wait3A_38] : memref<32x16x512xf32, #tpu.memory_space<hbm>> -> memref<1x16x512xf32, #tpu.memory_space<hbm>>
      %dma_wait3A_40 = tpu.memref_squeeze %dma_wait3A_39 : memref<1x16x512xf32, #tpu.memory_space<hbm>> -> memref<16x512xf32, #tpu.memory_space<hbm>>
      tpu.wait_dma2 semaphore(%run_scoped3A : memref<!tpu.dma_semaphore, #tpu.memory_space<semaphore_mem>>) src(%dma_wait3A_40 : memref<16x512xf32, #tpu.memory_space<hbm>>) dst(%arg17 : memref<16x512xf32, #tpu.memory_space<vmem>>)
      tpu.yield
    }) : () -> ()
    "tpu.region"() ({
      %run_scoped3A = tpu.sem_alloc : memref<!tpu.dma_semaphore, #tpu.memory_space<semaphore_mem>>
      %dma_start3A = arith.constant 0 : i32
      %dma_start3A_27 = arith.constant 0 : i32
      %dma_start3A_28 = tpu.memref_slice %arg9[%add3A, %dma_start3A, %dma_start3A_27] : memref<32x32x512xf32, #tpu.memory_space<hbm>> -> memref<1x32x512xf32, #tpu.memory_space<hbm>>
      %dma_start3A_29 = tpu.memref_squeeze %dma_start3A_28 : memref<1x32x512xf32, #tpu.memory_space<hbm>> -> memref<32x512xf32, #tpu.memory_space<hbm>>
      %dma_start3A_30 = arith.constant 0 : i32
      %dma_start3A_31 = arith.constant 0 : i32
      %dma_start3A_32 = tpu.memref_slice %arg9[%add3A, %dma_start3A_30, %dma_start3A_31] : memref<32x32x512xf32, #tpu.memory_space<hbm>> -> memref<1x32x512xf32, #tpu.memory_space<hbm>>
      %dma_start3A_33 = tpu.memref_squeeze %dma_start3A_32 : memref<1x32x512xf32, #tpu.memory_space<hbm>> -> memref<32x512xf32, #tpu.memory_space<hbm>>
      tpu.enqueue_dma source(%dma_start3A_33 : memref<32x512xf32, #tpu.memory_space<hbm>>) target(%arg19 : memref<32x512xf32, #tpu.memory_space<vmem>>) target_semaphore(%run_scoped3A : memref<!tpu.dma_semaphore, #tpu.memory_space<semaphore_mem>>)
      %dma_wait3A = arith.constant 0 : i32
      %dma_wait3A_34 = arith.constant 0 : i32
      %dma_wait3A_35 = tpu.memref_slice %arg9[%add3A, %dma_wait3A, %dma_wait3A_34] : memref<32x32x512xf32, #tpu.memory_space<hbm>> -> memref<1x32x512xf32, #tpu.memory_space<hbm>>
      %dma_wait3A_36 = tpu.memref_squeeze %dma_wait3A_35 : memref<1x32x512xf32, #tpu.memory_space<hbm>> -> memref<32x512xf32, #tpu.memory_space<hbm>>
      %dma_wait3A_37 = arith.constant 0 : i32
      %dma_wait3A_38 = arith.constant 0 : i32
      %dma_wait3A_39 = tpu.memref_slice %arg9[%add3A, %dma_wait3A_37, %dma_wait3A_38] : memref<32x32x512xf32, #tpu.memory_space<hbm>> -> memref<1x32x512xf32, #tpu.memory_space<hbm>>
      %dma_wait3A_40 = tpu.memref_squeeze %dma_wait3A_39 : memref<1x32x512xf32, #tpu.memory_space<hbm>> -> memref<32x512xf32, #tpu.memory_space<hbm>>
      tpu.wait_dma2 semaphore(%run_scoped3A : memref<!tpu.dma_semaphore, #tpu.memory_space<semaphore_mem>>) src(%dma_wait3A_40 : memref<32x512xf32, #tpu.memory_space<hbm>>) dst(%arg19 : memref<32x512xf32, #tpu.memory_space<vmem>>)
      tpu.yield
    }) : () -> ()
    %scan3A_12 = arith.constant 0 : i32
    %scan3A_13 = arith.constant 0 : i32
    %scan3A_14 = arith.constant 16 : i32
    %scan3A_15 = arith.addi %scan3A_13, %scan3A_14 : i32
    %scan3A_16 = arith.constant 1 : i32
    scf.for %scan3A_27 = %scan3A_13 to %scan3A_15 step %scan3A_16  : i32 {
      %dma_wait3A = arith.constant 0 : i32
      %dma_wait3A_28 = arith.constant 0 : i32
      %dma_wait3A_29 = tpu.memref_slice %arg18[%dma_wait3A, %dma_wait3A_28] : memref<16x512xf32, #tpu.memory_space<vmem>> -> memref<1x512xf32, #tpu.memory_space<vmem>>
      %dma_wait3A_30 = tpu.memref_squeeze %dma_wait3A_29 : memref<1x512xf32, #tpu.memory_space<vmem>> -> memref<512xf32, #tpu.memory_space<vmem>>
      %dma_wait3A_31 = arith.constant 0 : i32
      %dma_wait3A_32 = tpu.memref_slice %arg5[%dma_wait3A_31] : memref<16001024xf32, #tpu.memory_space<hbm>> -> memref<512xf32, #tpu.memory_space<hbm>>
      %dma_wait3A_33 = arith.constant 0 : i32
      %dma_wait3A_34 = tpu.memref_slice %arg18[%dma_wait3A, %dma_wait3A_33] : memref<16x512xf32, #tpu.memory_space<vmem>> -> memref<1x512xf32, #tpu.memory_space<vmem>>
      %dma_wait3A_35 = tpu.memref_squeeze %dma_wait3A_34 : memref<1x512xf32, #tpu.memory_space<vmem>> -> memref<512xf32, #tpu.memory_space<vmem>>
      %dma_wait3A_36 = arith.constant 0 : i32
      %dma_wait3A_37 = tpu.memref_slice %arg5[%dma_wait3A_36] : memref<16001024xf32, #tpu.memory_space<hbm>> -> memref<512xf32, #tpu.memory_space<hbm>>
      tpu.wait_dma2 semaphore(%arg21 : memref<!tpu.dma_semaphore, #tpu.memory_space<semaphore_mem>>) src(%dma_wait3A_37 : memref<512xf32, #tpu.memory_space<hbm>>) dst(%dma_wait3A_35 : memref<512xf32, #tpu.memory_space<vmem>>)
    }
    %scan3A_17 = arith.constant 16 : i32
    %get3A = arith.constant 0 : index
    %get3A_18 = tpu.vector_load %arg13[%get3A] {strides = array<i32>} : memref<16xf32, #tpu.memory_space<vmem>>, vector<16xf32>,
    %broadcast_in_dim3A = arith.constant 0.000000e+00 : f32
    %broadcast_in_dim3A_19 = vector.broadcast %broadcast_in_dim3A : f32 to vector<16xf32>
    %scan3A_20 = arith.constant 0 : i32
    %scan3A_21 = arith.constant 32 : i32
    %scan3A_22 = arith.addi %scan3A_20, %scan3A_21 : i32
    %scan3A_23 = arith.constant 1 : i32
    %scan3A_24 = scf.for %scan3A_27 = %scan3A_20 to %scan3A_22 step %scan3A_23 iter_args(%scan3A_28 = %broadcast_in_dim3A_19) -> (vector<16xf32>)  : i32 {
      %mul3A_29 = arith.constant 16 : i32
      %mul3A_30 = arith.muli %scan3A_27, %mul3A_29 : i32
      %get3A_31 = arith.constant 0 : i32
      %get3A_32 = arith.index_cast %get3A_31 : i32 to index
      %get3A_33 = arith.index_cast %mul3A_30 : i32 to index
      %get3A_34 = tpu.vector_load %arg17[%get3A_32, %get3A_33] {strides = array<i32>} : memref<16x512xf32, #tpu.memory_space<vmem>>, vector<16xf32>,
      %get3A_35 = arith.constant 0 : i32
      %get3A_36 = arith.index_cast %get3A_35 : i32 to index
      %get3A_37 = arith.index_cast %mul3A_30 : i32 to index
      %get3A_38 = tpu.vector_load %arg19[%get3A_36, %get3A_37] {strides = array<i32>} : memref<32x512xf32, #tpu.memory_space<vmem>>, vector<16xf32>,
      %mul3A_39 = arith.mulf %get3A_34, %get3A_38 : vector<16xf32>
      %get3A_40 = arith.constant 1 : i32
      %get3A_41 = arith.index_cast %get3A_40 : i32 to index
      %get3A_42 = arith.index_cast %mul3A_30 : i32 to index
      %get3A_43 = tpu.vector_load %arg17[%get3A_41, %get3A_42] {strides = array<i32>} : memref<16x512xf32, #tpu.memory_space<vmem>>, vector<16xf32>,
      %get3A_44 = arith.constant 1 : i32
      %get3A_45 = arith.index_cast %get3A_44 : i32 to index
      %get3A_46 = arith.index_cast %mul3A_30 : i32 to index
      %get3A_47 = tpu.vector_load %arg19[%get3A_45, %get3A_46] {strides = array<i32>} : memref<32x512xf32, #tpu.memory_space<vmem>>, vector<16xf32>,
      %mul3A_48 = arith.mulf %get3A_43, %get3A_47 : vector<16xf32>
      %add3A_49 = arith.addf %mul3A_39, %mul3A_48 : vector<16xf32>
      %get3A_50 = arith.constant 2 : i32
      %get3A_51 = arith.index_cast %get3A_50 : i32 to index
      %get3A_52 = arith.index_cast %mul3A_30 : i32 to index
      %get3A_53 = tpu.vector_load %arg17[%get3A_51, %get3A_52] {strides = array<i32>} : memref<16x512xf32, #tpu.memory_space<vmem>>, vector<16xf32>,
      %get3A_54 = arith.constant 2 : i32
      %get3A_55 = arith.index_cast %get3A_54 : i32 to index
      %get3A_56 = arith.index_cast %mul3A_30 : i32 to index
      %get3A_57 = tpu.vector_load %arg19[%get3A_55, %get3A_56] {strides = array<i32>} : memref<32x512xf32, #tpu.memory_space<vmem>>, vector<16xf32>,
      %mul3A_58 = arith.mulf %get3A_53, %get3A_57 : vector<16xf32>
      %add3A_59 = arith.addf %add3A_49, %mul3A_58 : vector<16xf32>
      %get3A_60 = arith.constant 3 : i32
      %get3A_61 = arith.index_cast %get3A_60 : i32 to index
      %get3A_62 = arith.index_cast %mul3A_30 : i32 to index
      %get3A_63 = tpu.vector_load %arg17[%get3A_61, %get3A_62] {strides = array<i32>} : memref<16x512xf32, #tpu.memory_space<vmem>>, vector<16xf32>,
      %get3A_64 = arith.constant 3 : i32
      %get3A_65 = arith.index_cast %get3A_64 : i32 to index
      %get3A_66 = arith.index_cast %mul3A_30 : i32 to index
      %get3A_67 = tpu.vector_load %arg19[%get3A_65, %get3A_66] {strides = array<i32>} : memref<32x512xf32, #tpu.memory_space<vmem>>, vector<16xf32>,
      %mul3A_68 = arith.mulf %get3A_63, %get3A_67 : vector<16xf32>
      %add3A_69 = arith.addf %add3A_59, %mul3A_68 : vector<16xf32>
      %get3A_70 = arith.constant 4 : i32
      %get3A_71 = arith.index_cast %get3A_70 : i32 to index
      %get3A_72 = arith.index_cast %mul3A_30 : i32 to index
      %get3A_73 = tpu.vector_load %arg17[%get3A_71, %get3A_72] {strides = array<i32>} : memref<16x512xf32, #tpu.memory_space<vmem>>, vector<16xf32>,
      %get3A_74 = arith.constant 4 : i32
      %get3A_75 = arith.index_cast %get3A_74 : i32 to index
      %get3A_76 = arith.index_cast %mul3A_30 : i32 to index
      %get3A_77 = tpu.vector_load %arg19[%get3A_75, %get3A_76] {strides = array<i32>} : memref<32x512xf32, #tpu.memory_space<vmem>>, vector<16xf32>,
      %mul3A_78 = arith.mulf %get3A_73, %get3A_77 : vector<16xf32>
      %add3A_79 = arith.addf %add3A_69, %mul3A_78 : vector<16xf32>
      %get3A_80 = arith.constant 5 : i32
      %get3A_81 = arith.index_cast %get3A_80 : i32 to index
      %get3A_82 = arith.index_cast %mul3A_30 : i32 to index
      %get3A_83 = tpu.vector_load %arg17[%get3A_81, %get3A_82] {strides = array<i32>} : memref<16x512xf32, #tpu.memory_space<vmem>>, vector<16xf32>,
      %get3A_84 = arith.constant 5 : i32
      %get3A_85 = arith.index_cast %get3A_84 : i32 to index
      %get3A_86 = arith.index_cast %mul3A_30 : i32 to index
      %get3A_87 = tpu.vector_load %arg19[%get3A_85, %get3A_86] {strides = array<i32>} : memref<32x512xf32, #tpu.memory_space<vmem>>, vector<16xf32>,
      %mul3A_88 = arith.mulf %get3A_83, %get3A_87 : vector<16xf32>
      %add3A_89 = arith.addf %add3A_79, %mul3A_88 : vector<16xf32>
      %get3A_90 = arith.constant 6 : i32
      %get3A_91 = arith.index_cast %get3A_90 : i32 to index
      %get3A_92 = arith.index_cast %mul3A_30 : i32 to index
      %get3A_93 = tpu.vector_load %arg17[%get3A_91, %get3A_92] {strides = array<i32>} : memref<16x512xf32, #tpu.memory_space<vmem>>, vector<16xf32>,
      %get3A_94 = arith.constant 6 : i32
      %get3A_95 = arith.index_cast %get3A_94 : i32 to index
      %get3A_96 = arith.index_cast %mul3A_30 : i32 to index
      %get3A_97 = tpu.vector_load %arg19[%get3A_95, %get3A_96] {strides = array<i32>} : memref<32x512xf32, #tpu.memory_space<vmem>>, vector<16xf32>,
      %mul3A_98 = arith.mulf %get3A_93, %get3A_97 : vector<16xf32>
      %add3A_99 = arith.addf %add3A_89, %mul3A_98 : vector<16xf32>
      %get3A_100 = arith.constant 7 : i32
      %get3A_101 = arith.index_cast %get3A_100 : i32 to index
      %get3A_102 = arith.index_cast %mul3A_30 : i32 to index
      %get3A_103 = tpu.vector_load %arg17[%get3A_101, %get3A_102] {strides = array<i32>} : memref<16x512xf32, #tpu.memory_space<vmem>>, vector<16xf32>,
      %get3A_104 = arith.constant 7 : i32
      %get3A_105 = arith.index_cast %get3A_104 : i32 to index
      %get3A_106 = arith.index_cast %mul3A_30 : i32 to index
      %get3A_107 = tpu.vector_load %arg19[%get3A_105, %get3A_106] {strides = array<i32>} : memref<32x512xf32, #tpu.memory_space<vmem>>, vector<16xf32>,
      %mul3A_108 = arith.mulf %get3A_103, %get3A_107 : vector<16xf32>
      %add3A_109 = arith.addf %add3A_99, %mul3A_108 : vector<16xf32>
      %get3A_110 = arith.constant 8 : i32
      %get3A_111 = arith.index_cast %get3A_110 : i32 to index
      %get3A_112 = arith.index_cast %mul3A_30 : i32 to index
      %get3A_113 = tpu.vector_load %arg17[%get3A_111, %get3A_112] {strides = array<i32>} : memref<16x512xf32, #tpu.memory_space<vmem>>, vector<16xf32>,
      %get3A_114 = arith.constant 8 : i32
      %get3A_115 = arith.index_cast %get3A_114 : i32 to index
      %get3A_116 = arith.index_cast %mul3A_30 : i32 to index
      %get3A_117 = tpu.vector_load %arg19[%get3A_115, %get3A_116] {strides = array<i32>} : memref<32x512xf32, #tpu.memory_space<vmem>>, vector<16xf32>,
      %mul3A_118 = arith.mulf %get3A_113, %get3A_117 : vector<16xf32>
      %add3A_119 = arith.addf %add3A_109, %mul3A_118 : vector<16xf32>
      %get3A_120 = arith.constant 9 : i32
      %get3A_121 = arith.index_cast %get3A_120 : i32 to index
      %get3A_122 = arith.index_cast %mul3A_30 : i32 to index
      %get3A_123 = tpu.vector_load %arg17[%get3A_121, %get3A_122] {strides = array<i32>} : memref<16x512xf32, #tpu.memory_space<vmem>>, vector<16xf32>,
      %get3A_124 = arith.constant 9 : i32
      %get3A_125 = arith.index_cast %get3A_124 : i32 to index
      %get3A_126 = arith.index_cast %mul3A_30 : i32 to index
      %get3A_127 = tpu.vector_load %arg19[%get3A_125, %get3A_126] {strides = array<i32>} : memref<32x512xf32, #tpu.memory_space<vmem>>, vector<16xf32>,
      %mul3A_128 = arith.mulf %get3A_123, %get3A_127 : vector<16xf32>
      %add3A_129 = arith.addf %add3A_119, %mul3A_128 : vector<16xf32>
      %get3A_130 = arith.constant 10 : i32
      %get3A_131 = arith.index_cast %get3A_130 : i32 to index
      %get3A_132 = arith.index_cast %mul3A_30 : i32 to index
      %get3A_133 = tpu.vector_load %arg17[%get3A_131, %get3A_132] {strides = array<i32>} : memref<16x512xf32, #tpu.memory_space<vmem>>, vector<16xf32>,
      %get3A_134 = arith.constant 10 : i32
      %get3A_135 = arith.index_cast %get3A_134 : i32 to index
      %get3A_136 = arith.index_cast %mul3A_30 : i32 to index
      %get3A_137 = tpu.vector_load %arg19[%get3A_135, %get3A_136] {strides = array<i32>} : memref<32x512xf32, #tpu.memory_space<vmem>>, vector<16xf32>,
      %mul3A_138 = arith.mulf %get3A_133, %get3A_137 : vector<16xf32>
      %add3A_139 = arith.addf %add3A_129, %mul3A_138 : vector<16xf32>
      %get3A_140 = arith.constant 11 : i32
      %get3A_141 = arith.index_cast %get3A_140 : i32 to index
      %get3A_142 = arith.index_cast %mul3A_30 : i32 to index
      %get3A_143 = tpu.vector_load %arg17[%get3A_141, %get3A_142] {strides = array<i32>} : memref<16x512xf32, #tpu.memory_space<vmem>>, vector<16xf32>,
      %get3A_144 = arith.constant 11 : i32
      %get3A_145 = arith.index_cast %get3A_144 : i32 to index
      %get3A_146 = arith.index_cast %mul3A_30 : i32 to index
      %get3A_147 = tpu.vector_load %arg19[%get3A_145, %get3A_146] {strides = array<i32>} : memref<32x512xf32, #tpu.memory_space<vmem>>, vector<16xf32>,
      %mul3A_148 = arith.mulf %get3A_143, %get3A_147 : vector<16xf32>
      %add3A_149 = arith.addf %add3A_139, %mul3A_148 : vector<16xf32>
      %get3A_150 = arith.constant 12 : i32
      %get3A_151 = arith.index_cast %get3A_150 : i32 to index
      %get3A_152 = arith.index_cast %mul3A_30 : i32 to index
      %get3A_153 = tpu.vector_load %arg17[%get3A_151, %get3A_152] {strides = array<i32>} : memref<16x512xf32, #tpu.memory_space<vmem>>, vector<16xf32>,
      %get3A_154 = arith.constant 12 : i32
      %get3A_155 = arith.index_cast %get3A_154 : i32 to index
      %get3A_156 = arith.index_cast %mul3A_30 : i32 to index
      %get3A_157 = tpu.vector_load %arg19[%get3A_155, %get3A_156] {strides = array<i32>} : memref<32x512xf32, #tpu.memory_space<vmem>>, vector<16xf32>,
      %mul3A_158 = arith.mulf %get3A_153, %get3A_157 : vector<16xf32>
      %add3A_159 = arith.addf %add3A_149, %mul3A_158 : vector<16xf32>
      %get3A_160 = arith.constant 13 : i32
      %get3A_161 = arith.index_cast %get3A_160 : i32 to index
      %get3A_162 = arith.index_cast %mul3A_30 : i32 to index
      %get3A_163 = tpu.vector_load %arg17[%get3A_161, %get3A_162] {strides = array<i32>} : memref<16x512xf32, #tpu.memory_space<vmem>>, vector<16xf32>,
      %get3A_164 = arith.constant 13 : i32
      %get3A_165 = arith.index_cast %get3A_164 : i32 to index
      %get3A_166 = arith.index_cast %mul3A_30 : i32 to index
      %get3A_167 = tpu.vector_load %arg19[%get3A_165, %get3A_166] {strides = array<i32>} : memref<32x512xf32, #tpu.memory_space<vmem>>, vector<16xf32>,
      %mul3A_168 = arith.mulf %get3A_163, %get3A_167 : vector<16xf32>
      %add3A_169 = arith.addf %add3A_159, %mul3A_168 : vector<16xf32>
      %get3A_170 = arith.constant 14 : i32
      %get3A_171 = arith.index_cast %get3A_170 : i32 to index
      %get3A_172 = arith.index_cast %mul3A_30 : i32 to index
      %get3A_173 = tpu.vector_load %arg17[%get3A_171, %get3A_172] {strides = array<i32>} : memref<16x512xf32, #tpu.memory_space<vmem>>, vector<16xf32>,
      %get3A_174 = arith.constant 14 : i32
      %get3A_175 = arith.index_cast %get3A_174 : i32 to index
      %get3A_176 = arith.index_cast %mul3A_30 : i32 to index
      %get3A_177 = tpu.vector_load %arg19[%get3A_175, %get3A_176] {strides = array<i32>} : memref<32x512xf32, #tpu.memory_space<vmem>>, vector<16xf32>,
      %mul3A_178 = arith.mulf %get3A_173, %get3A_177 : vector<16xf32>
      %add3A_179 = arith.addf %add3A_169, %mul3A_178 : vector<16xf32>
      %get3A_180 = arith.constant 15 : i32
      %get3A_181 = arith.index_cast %get3A_180 : i32 to index
      %get3A_182 = arith.index_cast %mul3A_30 : i32 to index
      %get3A_183 = tpu.vector_load %arg17[%get3A_181, %get3A_182] {strides = array<i32>} : memref<16x512xf32, #tpu.memory_space<vmem>>, vector<16xf32>,
      %get3A_184 = arith.constant 15 : i32
      %get3A_185 = arith.index_cast %get3A_184 : i32 to index
      %get3A_186 = arith.index_cast %mul3A_30 : i32 to index
      %get3A_187 = tpu.vector_load %arg19[%get3A_185, %get3A_186] {strides = array<i32>} : memref<32x512xf32, #tpu.memory_space<vmem>>, vector<16xf32>,
      %mul3A_188 = arith.mulf %get3A_183, %get3A_187 : vector<16xf32>
      %add3A_189 = arith.addf %add3A_179, %mul3A_188 : vector<16xf32>
      %get3A_190 = arith.constant 0 : i32
      %get3A_191 = arith.index_cast %get3A_190 : i32 to index
      %get3A_192 = arith.index_cast %mul3A_30 : i32 to index
      %get3A_193 = tpu.vector_load %arg18[%get3A_191, %get3A_192] {strides = array<i32>} : memref<16x512xf32, #tpu.memory_space<vmem>>, vector<16xf32>,
      %get3A_194 = arith.constant 16 : i32
      %get3A_195 = arith.index_cast %get3A_194 : i32 to index
      %get3A_196 = arith.index_cast %mul3A_30 : i32 to index
      %get3A_197 = tpu.vector_load %arg19[%get3A_195, %get3A_196] {strides = array<i32>} : memref<32x512xf32, #tpu.memory_space<vmem>>, vector<16xf32>,
      %mul3A_198 = arith.mulf %get3A_193, %get3A_197 : vector<16xf32>
      %add3A_199 = arith.addf %add3A_189, %mul3A_198 : vector<16xf32>
      %get3A_200 = arith.constant 1 : i32
      %get3A_201 = arith.index_cast %get3A_200 : i32 to index
      %get3A_202 = arith.index_cast %mul3A_30 : i32 to index
      %get3A_203 = tpu.vector_load %arg18[%get3A_201, %get3A_202] {strides = array<i32>} : memref<16x512xf32, #tpu.memory_space<vmem>>, vector<16xf32>,
      %get3A_204 = arith.constant 17 : i32
      %get3A_205 = arith.index_cast %get3A_204 : i32 to index
      %get3A_206 = arith.index_cast %mul3A_30 : i32 to index
      %get3A_207 = tpu.vector_load %arg19[%get3A_205, %get3A_206] {strides = array<i32>} : memref<32x512xf32, #tpu.memory_space<vmem>>, vector<16xf32>,
      %mul3A_208 = arith.mulf %get3A_203, %get3A_207 : vector<16xf32>
      %add3A_209 = arith.addf %add3A_199, %mul3A_208 : vector<16xf32>
      %get3A_210 = arith.constant 2 : i32
      %get3A_211 = arith.index_cast %get3A_210 : i32 to index
      %get3A_212 = arith.index_cast %mul3A_30 : i32 to index
      %get3A_213 = tpu.vector_load %arg18[%get3A_211, %get3A_212] {strides = array<i32>} : memref<16x512xf32, #tpu.memory_space<vmem>>, vector<16xf32>,
      %get3A_214 = arith.constant 18 : i32
      %get3A_215 = arith.index_cast %get3A_214 : i32 to index
      %get3A_216 = arith.index_cast %mul3A_30 : i32 to index
      %get3A_217 = tpu.vector_load %arg19[%get3A_215, %get3A_216] {strides = array<i32>} : memref<32x512xf32, #tpu.memory_space<vmem>>, vector<16xf32>,
      %mul3A_218 = arith.mulf %get3A_213, %get3A_217 : vector<16xf32>
      %add3A_219 = arith.addf %add3A_209, %mul3A_218 : vector<16xf32>
      %get3A_220 = arith.constant 3 : i32
      %get3A_221 = arith.index_cast %get3A_220 : i32 to index
      %get3A_222 = arith.index_cast %mul3A_30 : i32 to index
      %get3A_223 = tpu.vector_load %arg18[%get3A_221, %get3A_222] {strides = array<i32>} : memref<16x512xf32, #tpu.memory_space<vmem>>, vector<16xf32>,
      %get3A_224 = arith.constant 19 : i32
      %get3A_225 = arith.index_cast %get3A_224 : i32 to index
      %get3A_226 = arith.index_cast %mul3A_30 : i32 to index
      %get3A_227 = tpu.vector_load %arg19[%get3A_225, %get3A_226] {strides = array<i32>} : memref<32x512xf32, #tpu.memory_space<vmem>>, vector<16xf32>,
      %mul3A_228 = arith.mulf %get3A_223, %get3A_227 : vector<16xf32>
      %add3A_229 = arith.addf %add3A_219, %mul3A_228 : vector<16xf32>
      %get3A_230 = arith.constant 4 : i32
      %get3A_231 = arith.index_cast %get3A_230 : i32 to index
      %get3A_232 = arith.index_cast %mul3A_30 : i32 to index
      %get3A_233 = tpu.vector_load %arg18[%get3A_231, %get3A_232] {strides = array<i32>} : memref<16x512xf32, #tpu.memory_space<vmem>>, vector<16xf32>,
      %get3A_234 = arith.constant 20 : i32
      %get3A_235 = arith.index_cast %get3A_234 : i32 to index
      %get3A_236 = arith.index_cast %mul3A_30 : i32 to index
      %get3A_237 = tpu.vector_load %arg19[%get3A_235, %get3A_236] {strides = array<i32>} : memref<32x512xf32, #tpu.memory_space<vmem>>, vector<16xf32>,
      %mul3A_238 = arith.mulf %get3A_233, %get3A_237 : vector<16xf32>
      %add3A_239 = arith.addf %add3A_229, %mul3A_238 : vector<16xf32>
      %get3A_240 = arith.constant 5 : i32
      %get3A_241 = arith.index_cast %get3A_240 : i32 to index
      %get3A_242 = arith.index_cast %mul3A_30 : i32 to index
      %get3A_243 = tpu.vector_load %arg18[%get3A_241, %get3A_242] {strides = array<i32>} : memref<16x512xf32, #tpu.memory_space<vmem>>, vector<16xf32>,
      %get3A_244 = arith.constant 21 : i32
      %get3A_245 = arith.index_cast %get3A_244 : i32 to index
      %get3A_246 = arith.index_cast %mul3A_30 : i32 to index
      %get3A_247 = tpu.vector_load %arg19[%get3A_245, %get3A_246] {strides = array<i32>} : memref<32x512xf32, #tpu.memory_space<vmem>>, vector<16xf32>,
      %mul3A_248 = arith.mulf %get3A_243, %get3A_247 : vector<16xf32>
      %add3A_249 = arith.addf %add3A_239, %mul3A_248 : vector<16xf32>
      %get3A_250 = arith.constant 6 : i32
      %get3A_251 = arith.index_cast %get3A_250 : i32 to index
      %get3A_252 = arith.index_cast %mul3A_30 : i32 to index
      %get3A_253 = tpu.vector_load %arg18[%get3A_251, %get3A_252] {strides = array<i32>} : memref<16x512xf32, #tpu.memory_space<vmem>>, vector<16xf32>,
      %get3A_254 = arith.constant 22 : i32
      %get3A_255 = arith.index_cast %get3A_254 : i32 to index
      %get3A_256 = arith.index_cast %mul3A_30 : i32 to index
      %get3A_257 = tpu.vector_load %arg19[%get3A_255, %get3A_256] {strides = array<i32>} : memref<32x512xf32, #tpu.memory_space<vmem>>, vector<16xf32>,
      %mul3A_258 = arith.mulf %get3A_253, %get3A_257 : vector<16xf32>
      %add3A_259 = arith.addf %add3A_249, %mul3A_258 : vector<16xf32>
      %get3A_260 = arith.constant 7 : i32
      %get3A_261 = arith.index_cast %get3A_260 : i32 to index
      %get3A_262 = arith.index_cast %mul3A_30 : i32 to index
      %get3A_263 = tpu.vector_load %arg18[%get3A_261, %get3A_262] {strides = array<i32>} : memref<16x512xf32, #tpu.memory_space<vmem>>, vector<16xf32>,
      %get3A_264 = arith.constant 23 : i32
      %get3A_265 = arith.index_cast %get3A_264 : i32 to index
      %get3A_266 = arith.index_cast %mul3A_30 : i32 to index
      %get3A_267 = tpu.vector_load %arg19[%get3A_265, %get3A_266] {strides = array<i32>} : memref<32x512xf32, #tpu.memory_space<vmem>>, vector<16xf32>,
      %mul3A_268 = arith.mulf %get3A_263, %get3A_267 : vector<16xf32>
      %add3A_269 = arith.addf %add3A_259, %mul3A_268 : vector<16xf32>
      %get3A_270 = arith.constant 8 : i32
      %get3A_271 = arith.index_cast %get3A_270 : i32 to index
      %get3A_272 = arith.index_cast %mul3A_30 : i32 to index
      %get3A_273 = tpu.vector_load %arg18[%get3A_271, %get3A_272] {strides = array<i32>} : memref<16x512xf32, #tpu.memory_space<vmem>>, vector<16xf32>,
      %get3A_274 = arith.constant 24 : i32
      %get3A_275 = arith.index_cast %get3A_274 : i32 to index
      %get3A_276 = arith.index_cast %mul3A_30 : i32 to index
      %get3A_277 = tpu.vector_load %arg19[%get3A_275, %get3A_276] {strides = array<i32>} : memref<32x512xf32, #tpu.memory_space<vmem>>, vector<16xf32>,
      %mul3A_278 = arith.mulf %get3A_273, %get3A_277 : vector<16xf32>
      %add3A_279 = arith.addf %add3A_269, %mul3A_278 : vector<16xf32>
      %get3A_280 = arith.constant 9 : i32
      %get3A_281 = arith.index_cast %get3A_280 : i32 to index
      %get3A_282 = arith.index_cast %mul3A_30 : i32 to index
      %get3A_283 = tpu.vector_load %arg18[%get3A_281, %get3A_282] {strides = array<i32>} : memref<16x512xf32, #tpu.memory_space<vmem>>, vector<16xf32>,
      %get3A_284 = arith.constant 25 : i32
      %get3A_285 = arith.index_cast %get3A_284 : i32 to index
      %get3A_286 = arith.index_cast %mul3A_30 : i32 to index
      %get3A_287 = tpu.vector_load %arg19[%get3A_285, %get3A_286] {strides = array<i32>} : memref<32x512xf32, #tpu.memory_space<vmem>>, vector<16xf32>,
      %mul3A_288 = arith.mulf %get3A_283, %get3A_287 : vector<16xf32>
      %add3A_289 = arith.addf %add3A_279, %mul3A_288 : vector<16xf32>
      %get3A_290 = arith.constant 10 : i32
      %get3A_291 = arith.index_cast %get3A_290 : i32 to index
      %get3A_292 = arith.index_cast %mul3A_30 : i32 to index
      %get3A_293 = tpu.vector_load %arg18[%get3A_291, %get3A_292] {strides = array<i32>} : memref<16x512xf32, #tpu.memory_space<vmem>>, vector<16xf32>,
      %get3A_294 = arith.constant 26 : i32
      %get3A_295 = arith.index_cast %get3A_294 : i32 to index
      %get3A_296 = arith.index_cast %mul3A_30 : i32 to index
      %get3A_297 = tpu.vector_load %arg19[%get3A_295, %get3A_296] {strides = array<i32>} : memref<32x512xf32, #tpu.memory_space<vmem>>, vector<16xf32>,
      %mul3A_298 = arith.mulf %get3A_293, %get3A_297 : vector<16xf32>
      %add3A_299 = arith.addf %add3A_289, %mul3A_298 : vector<16xf32>
      %get3A_300 = arith.constant 11 : i32
      %get3A_301 = arith.index_cast %get3A_300 : i32 to index
      %get3A_302 = arith.index_cast %mul3A_30 : i32 to index
      %get3A_303 = tpu.vector_load %arg18[%get3A_301, %get3A_302] {strides = array<i32>} : memref<16x512xf32, #tpu.memory_space<vmem>>, vector<16xf32>,
      %get3A_304 = arith.constant 27 : i32
      %get3A_305 = arith.index_cast %get3A_304 : i32 to index
      %get3A_306 = arith.index_cast %mul3A_30 : i32 to index
      %get3A_307 = tpu.vector_load %arg19[%get3A_305, %get3A_306] {strides = array<i32>} : memref<32x512xf32, #tpu.memory_space<vmem>>, vector<16xf32>,
      %mul3A_308 = arith.mulf %get3A_303, %get3A_307 : vector<16xf32>
      %add3A_309 = arith.addf %add3A_299, %mul3A_308 : vector<16xf32>
      %get3A_310 = arith.constant 12 : i32
      %get3A_311 = arith.index_cast %get3A_310 : i32 to index
      %get3A_312 = arith.index_cast %mul3A_30 : i32 to index
      %get3A_313 = tpu.vector_load %arg18[%get3A_311, %get3A_312] {strides = array<i32>} : memref<16x512xf32, #tpu.memory_space<vmem>>, vector<16xf32>,
      %get3A_314 = arith.constant 28 : i32
      %get3A_315 = arith.index_cast %get3A_314 : i32 to index
      %get3A_316 = arith.index_cast %mul3A_30 : i32 to index
      %get3A_317 = tpu.vector_load %arg19[%get3A_315, %get3A_316] {strides = array<i32>} : memref<32x512xf32, #tpu.memory_space<vmem>>, vector<16xf32>,
      %mul3A_318 = arith.mulf %get3A_313, %get3A_317 : vector<16xf32>
      %add3A_319 = arith.addf %add3A_309, %mul3A_318 : vector<16xf32>
      %get3A_320 = arith.constant 13 : i32
      %get3A_321 = arith.index_cast %get3A_320 : i32 to index
      %get3A_322 = arith.index_cast %mul3A_30 : i32 to index
      %get3A_323 = tpu.vector_load %arg18[%get3A_321, %get3A_322] {strides = array<i32>} : memref<16x512xf32, #tpu.memory_space<vmem>>, vector<16xf32>,
      %get3A_324 = arith.constant 29 : i32
      %get3A_325 = arith.index_cast %get3A_324 : i32 to index
      %get3A_326 = arith.index_cast %mul3A_30 : i32 to index
      %get3A_327 = tpu.vector_load %arg19[%get3A_325, %get3A_326] {strides = array<i32>} : memref<32x512xf32, #tpu.memory_space<vmem>>, vector<16xf32>,
      %mul3A_328 = arith.mulf %get3A_323, %get3A_327 : vector<16xf32>
      %add3A_329 = arith.addf %add3A_319, %mul3A_328 : vector<16xf32>
      %get3A_330 = arith.constant 14 : i32
      %get3A_331 = arith.index_cast %get3A_330 : i32 to index
      %get3A_332 = arith.index_cast %mul3A_30 : i32 to index
      %get3A_333 = tpu.vector_load %arg18[%get3A_331, %get3A_332] {strides = array<i32>} : memref<16x512xf32, #tpu.memory_space<vmem>>, vector<16xf32>,
      %get3A_334 = arith.constant 30 : i32
      %get3A_335 = arith.index_cast %get3A_334 : i32 to index
      %get3A_336 = arith.index_cast %mul3A_30 : i32 to index
      %get3A_337 = tpu.vector_load %arg19[%get3A_335, %get3A_336] {strides = array<i32>} : memref<32x512xf32, #tpu.memory_space<vmem>>, vector<16xf32>,
      %mul3A_338 = arith.mulf %get3A_333, %get3A_337 : vector<16xf32>
      %add3A_339 = arith.addf %add3A_329, %mul3A_338 : vector<16xf32>
      %get3A_340 = arith.constant 15 : i32
      %get3A_341 = arith.index_cast %get3A_340 : i32 to index
      %get3A_342 = arith.index_cast %mul3A_30 : i32 to index
      %get3A_343 = tpu.vector_load %arg18[%get3A_341, %get3A_342] {strides = array<i32>} : memref<16x512xf32, #tpu.memory_space<vmem>>, vector<16xf32>,
      %get3A_344 = arith.constant 31 : i32
      %get3A_345 = arith.index_cast %get3A_344 : i32 to index
      %get3A_346 = arith.index_cast %mul3A_30 : i32 to index
      %get3A_347 = tpu.vector_load %arg19[%get3A_345, %get3A_346] {strides = array<i32>} : memref<32x512xf32, #tpu.memory_space<vmem>>, vector<16xf32>,
      %mul3A_348 = arith.mulf %get3A_343, %get3A_347 : vector<16xf32>
      %add3A_349 = arith.addf %add3A_339, %mul3A_348 : vector<16xf32>
      %get3A_350 = arith.index_cast %mul3A_30 : i32 to index
      %get3A_351 = tpu.vector_load %arg14[%get3A_350] {strides = array<i32>} : memref<512xf32, #tpu.memory_space<vmem>>, vector<16xf32>,
      %add3A_352 = arith.addf %get3A_18, %get3A_351 : vector<16xf32>
      %get3A_353 = arith.index_cast %mul3A_30 : i32 to index
      %get3A_354 = tpu.vector_load %arg15[%get3A_353] {strides = array<i32>} : memref<512xf32, #tpu.memory_space<vmem>>, vector<16xf32>,
      %add3A_355 = arith.addf %add3A_352, %get3A_354 : vector<16xf32>
      %add3A_356 = arith.addf %add3A_355, %add3A_349 : vector<16xf32>
      %neg3A = arith.constant 0.000000e+00 : f32
      %neg3A_357 = vector.broadcast %neg3A : f32 to vector<16xf32>
      %neg3A_358 = arith.subf %neg3A_357, %add3A_356 : vector<16xf32>
      %exp3A = math.exp %neg3A_358 : vector<16xf32>
      %add3A_359 = arith.constant 1.000000e+00 : f32
      %add3A_360 = vector.broadcast %add3A_359 : f32 to vector<16xf32>
      %add3A_361 = arith.addf %add3A_360, %exp3A : vector<16xf32>
      %div3A = arith.constant 5.000000e+00 : f32
      %div3A_362 = vector.broadcast %div3A : f32 to vector<16xf32>
      %div3A_363 = arith.divf %div3A_362, %add3A_361 : vector<16xf32>
      %get3A_364 = arith.index_cast %mul3A_30 : i32 to index
      %get3A_365 = tpu.vector_load %arg12[%get3A_364] {strides = array<i32>} : memref<512xf32, #tpu.memory_space<vmem>>, vector<16xf32>,
      %sub3A = arith.subf %div3A_363, %get3A_365 : vector<16xf32>
      %mul3A_366 = arith.mulf %sub3A, %sub3A : vector<16xf32>
      %add3A_367 = arith.addf %scan3A_28, %mul3A_366 : vector<16xf32>
      scf.yield %add3A_367 : vector<16xf32>
    }
    %scan3A_25 = arith.constant 32 : i32
    %swap3A = arith.constant 0 : index
    %swap3A_26 = tpu.vector_load %arg20[%swap3A] {strides = array<i32>} : memref<16xf32, #tpu.memory_space<vmem>>, vector<16xf32>,
    tpu.vector_store %arg20[%swap3A], %scan3A_24 {strides = array<i32>} : memref<16xf32, #tpu.memory_space<vmem>>, vector<16xf32>,
    "tpu.region"() ({
      %run_scoped3A = tpu.sem_alloc : memref<!tpu.dma_semaphore, #tpu.memory_space<semaphore_mem>>
      %dma_start3A = arith.constant 0 : i32
      %dma_start3A_27 = tpu.memref_slice %arg10[%add3A, %dma_start3A] : memref<32x16xf32, #tpu.memory_space<hbm>> -> memref<1x16xf32, #tpu.memory_space<hbm>>
      %dma_start3A_28 = tpu.memref_squeeze %dma_start3A_27 : memref<1x16xf32, #tpu.memory_space<hbm>> -> memref<16xf32, #tpu.memory_space<hbm>>
      %dma_start3A_29 = arith.constant 0 : i32
      %dma_start3A_30 = tpu.memref_slice %arg10[%add3A, %dma_start3A_29] : memref<32x16xf32, #tpu.memory_space<hbm>> -> memref<1x16xf32, #tpu.memory_space<hbm>>
      %dma_start3A_31 = tpu.memref_squeeze %dma_start3A_30 : memref<1x16xf32, #tpu.memory_space<hbm>> -> memref<16xf32, #tpu.memory_space<hbm>>
      tpu.enqueue_dma source(%arg20 : memref<16xf32, #tpu.memory_space<vmem>>) target(%dma_start3A_31 : memref<16xf32, #tpu.memory_space<hbm>>) target_semaphore(%run_scoped3A : memref<!tpu.dma_semaphore, #tpu.memory_space<semaphore_mem>>)
      %dma_wait3A = arith.constant 0 : i32
      %dma_wait3A_32 = tpu.memref_slice %arg10[%add3A, %dma_wait3A] : memref<32x16xf32, #tpu.memory_space<hbm>> -> memref<1x16xf32, #tpu.memory_space<hbm>>
      %dma_wait3A_33 = tpu.memref_squeeze %dma_wait3A_32 : memref<1x16xf32, #tpu.memory_space<hbm>> -> memref<16xf32, #tpu.memory_space<hbm>>
      %dma_wait3A_34 = arith.constant 0 : i32
      %dma_wait3A_35 = tpu.memref_slice %arg10[%add3A, %dma_wait3A_34] : memref<32x16xf32, #tpu.memory_space<hbm>> -> memref<1x16xf32, #tpu.memory_space<hbm>>
      %dma_wait3A_36 = tpu.memref_squeeze %dma_wait3A_35 : memref<1x16xf32, #tpu.memory_space<hbm>> -> memref<16xf32, #tpu.memory_space<hbm>>
      tpu.wait_dma2 semaphore(%run_scoped3A : memref<!tpu.dma_semaphore, #tpu.memory_space<semaphore_mem>>) src(%arg20 : memref<16xf32, #tpu.memory_space<vmem>>) dst(%dma_wait3A_36 : memref<16xf32, #tpu.memory_space<hbm>>)
      tpu.yield
    }) : () -> ()
    return
  }
}

</mosaic_0001>

<sc_bundles>
// kernel: kernel.11.cloned.1.call-start
scs
__scs_entry_jumppad:
0x0: {  	(pc) =	sbr.rel $0x88, $3  }
0x1: {  	(tag) =	ssettag $0x0;
	lr =	simm.s32 $0x1  }
0x2: {  	[smem:$0x3F99] =	sst lr;
	_ =	strace $0xD0000000  }
0x3: {  	_ = 	snop  }
0x4: {  	_ = 	snop  }
0x5: {  	_ = 	snop  }
0x6: {  	_ = 	snop  }
0x7: {  	_ = 	snop  }
__scs_overlays_trampoline_lowered:
0x8: {  	[smem:$0x3FA8] =	sst s0  }
0x9: {  	[smem:$0x3FA9] =	sst s1  }
0xa: {  	[smem:$0x3FAA] =	sst s2  }
0xb: {  	[smem:$0x3FAB] =	sst s3  }
0xc: {  	[smem:$0x3FAC] =	sst s4  }
0xd: {  	[smem:$0x3FAD] =	sst s5  }
0xe: {  	[smem:$0x3FAE] =	sst s6  }
0xf: {  	[smem:$0x3FAF] =	sst s7  }
0x10: {  	[smem:$0x3FB0] =	sst s8  }
0x11: {  	[smem:$0x3FB1] =	sst s9;
	s0 =	simm.s32 @!p0 $0x0  }
0x12: {  	s1 =	sld [smem:$0x3F97];
	s0 =	simm.s32 @p0 $0x1  }
0x13: {  	[smem:$0x3FB2] =	sst s0;
	s0 =	simm.s32 @!p1 $0x0  }
0x14: {  	s2 =	sld [smem:$0x3F96];
	s0 =	simm.s32 @p1 $0x1  }
0x15: {  	[smem:$0x3FB3] =	sst s0;
	s0 =	simm.s32 @!p2 $0x0  }
0x16: {  	s3 =	sld [smem:$0x3FDB];
	s0 =	simm.s32 @p2 $0x1  }
0x17: {  	s4 =	simm.s32 $0x1BF5;
	[smem:$0x3FB5] =	sst s0  }
0x18: {  	s0 =	sld [smem:$0x3F98];
	_ =	swait.ge [sflag:s4], $0x0  }
0x19: {  	s7 =	sld [smem:$0x3F99]  }
0x1a: {  	s8 =	sadd.s32 $0xFFFFE003, lr  }
0x1b: {  	s9 =	sadd.s32 $0xFFFFFEF7, lr;
	s5 =	simm.s32 $0xFFFFFFFF;
	p2 =	slt.u32 s8, $0xFFFFF086  }
0x1c: {  	p1 =	slt.u32 s9, $0xF7A;
	s5 =	simm.s32 @!p2 $0x0  }
0x1d: {  	s5 =	simm.s32 @p1 $0x1;
	p0 =	seq.s32 s7, s2  }
0x1e: {  	s7 =	smul.u32 @!p0 $0xF7A, s2;
	p2 =	seq.s32 @!p0 s5, $0x0  }
0x1f: {  	s9 =	smul.u32 $0xF7A, s1;
	s8 =	simm.s32 @!p0 $0x1BF5;
	p2 =	por !p2, p0  }
0x20: {  	[sflag:s8] =	ssyncset.s32 @!p0 $0xFFFFF086;
	s6 =	sadd.s32 @!p0 s3, s7;
	s7 =	simm.s32 @!p0 $0x108  }
0x21: {  	s3 =	sadd.s32 s3, s9;
	s6 =	sadd.s32 @!p0 $0x88, s6;
	s7 =	simm.s32 @p2 $0x1082  }
0x22: {  	[simem:s7], [sflag:s8] =	dma.local @!p0 [hbm:s6], $0xF7A  }
0x23: {  	s9 =	sor.u32 $0xD0000000, s2;
	s6 =	simm.s32 $0x108;
	_ =	swait.ge @!p0 [sflag:s8], $0x0  }
0x24: {  	s3 =	sadd.s32 $0x88, s3;
	s6 =	simm.s32 @!p1 $0x1082;
	[sflag:s4] =	ssyncset.s32 $0xFFFFF086  }
0x25: {  	[simem:s6], [sflag:s4] =	dma.local [hbm:s3], $0xF7A  }
0x26: {  	[smem:$0x3F99] =	sst s1;
	(tag) =	ssettag s2;
	_ =	strace s9  }
0x27: {  	s1 =	sld [smem:$0x3FA9]  }
0x28: {  	s2 =	sld [smem:$0x3FAA]  }
0x29: {  	s4 =	sld [smem:$0x3FAC]  }
0x2a: {  	p0 =	seq.s32 s5, $0x0;
	s5 =	sld [smem:$0x3FAD]  }
0x2b: {  	s6 =	sld [smem:$0x3FAE]  }
0x2c: {  	s7 =	sld [smem:$0x3FAF]  }
0x2d: {  	s3 =	simm.s32 $0x108;
	s8 =	sld [smem:$0x3FB0]  }
0x2e: {  	s3 =	simm.s32 @!p0 $0x1082;
	s9 =	sld [smem:$0x3FB1]  }
0x2f: {  	lr =	sadd.s32 s0, s3;
	s0 =	sld [smem:$0x3FA8]  }
0x30: {  	s3 =	sld [smem:$0x3FAB]  }
0x31: {  	[smem:$0x3FB4] =	sst s10  }
0x32: {  	s10 =	sld [smem:$0x3FB2];
	_ =	sdelay $0x3  }
0x33: {  	p0 =	seq.s32 s10, $0x1;
	s10 =	sld [smem:$0x3FB4];
	_ =	sdelay $0x3  }
0x34: {  	[smem:$0x3FB4] =	sst s10  }
0x35: {  	s10 =	sld [smem:$0x3FB3];
	_ =	sdelay $0x3  }
0x36: {  	p1 =	seq.s32 s10, $0x1;
	s10 =	sld [smem:$0x3FB4];
	_ =	sdelay $0x3  }
0x37: {  	[smem:$0x3FB4] =	sst s10  }
0x38: {  	s10 =	sld [smem:$0x3FB5]  }
0x39: {  	_ = 	snop;
	(pc) =	sbr.ind lr, $3  }
0x3a: {  	_ = 	snop  }
0x3b: {  	_ = 	snop  }
0x3c: {  	p2 =	seq.s32 s10, $0x1;
	s10 =	sld [smem:$0x3FB4]  }
0x3d: {  	_ =	shalt  }
0x3e: {  	_ =	shalt  }
0x3f: {  	_ =	shalt  }
0x40: {  	_ =	shalt  }
0x41: {  	_ =	shalt  }
0x42: {  	_ =	shalt  }
0x43: {  	_ =	shalt  }
0x44: {  	_ =	shalt  }
0x45: {  	_ =	shalt  }
0x46: {  	_ =	shalt  }
0x47: {  	_ =	shalt  }
0x48: {  	_ =	shalt  }
0x49: {  	_ =	shalt  }
0x4a: {  	_ =	shalt  }
0x4b: {  	_ =	shalt  }
0x4c: {  	_ =	shalt  }
0x4d: {  	_ =	shalt  }
0x4e: {  	_ =	shalt  }
0x4f: {  	_ =	shalt  }
0x50: {  	_ =	shalt  }
0x51: {  	_ =	shalt  }
0x52: {  	_ =	shalt  }
0x53: {  	_ =	shalt  }
0x54: {  	_ =	shalt  }
0x55: {  	_ =	shalt  }
0x56: {  	_ =	shalt  }
0x57: {  	_ =	shalt  }
0x58: {  	_ =	shalt  }
0x59: {  	_ =	shalt  }
0x5a: {  	_ =	shalt  }
0x5b: {  	_ =	shalt  }
0x5c: {  	_ =	shalt  }
0x5d: {  	_ =	shalt  }
0x5e: {  	_ =	shalt  }
0x5f: {  	_ =	shalt  }
0x60: {  	_ =	shalt  }
0x61: {  	_ =	shalt  }
0x62: {  	_ =	shalt  }
0x63: {  	_ =	shalt  }
0x64: {  	_ =	shalt  }
0x65: {  	_ =	shalt  }
0x66: {  	_ =	shalt  }
0x67: {  	_ =	shalt  }
0x68: {  	_ =	shalt  }
0x69: {  	_ =	shalt  }
0x6a: {  	_ =	shalt  }
0x6b: {  	_ =	shalt  }
0x6c: {  	_ =	shalt  }
0x6d: {  	_ =	shalt  }
0x6e: {  	_ =	shalt  }
0x6f: {  	_ =	shalt  }
0x70: {  	_ =	shalt  }
0x71: {  	_ =	shalt  }
0x72: {  	_ =	shalt  }
0x73: {  	_ =	shalt  }
0x74: {  	_ =	shalt  }
0x75: {  	_ =	shalt  }
0x76: {  	_ =	shalt  }
0x77: {  	_ =	shalt  }
0x78: {  	_ =	shalt  }
0x79: {  	_ =	shalt  }
0x7a: {  	_ =	shalt  }
0x7b: {  	_ =	shalt  }
0x7c: {  	_ =	shalt  }
0x7d: {  	_ =	shalt  }
0x7e: {  	_ =	shalt  }
0x7f: {  	_ =	shalt  }
0x80: {  	_ =	shalt  }
0x81: {  	_ =	shalt  }
0x82: {  	_ =	shalt  }
0x83: {  	_ =	shalt  }
0x84: {  	_ =	shalt  }
0x85: {  	_ =	shalt  }
0x86: {  	_ =	shalt  }
0x87: {  	_ =	shalt  }
.Lfunc_end0:
.L_simem_size_0:
called_computation.2_lowered:
.L_overlay_start_0:
0x88: {  	s2 =	sld [smem:$0x3FD9]  }
0x89: {  	s3 =	sld [smem:$0x3FFE];
	_ =	sdelay $0x1  }
0x8a: {  	s1 =	srdreg.scid  }
0x8b: {  	s0 =	sand.u32 $0x1, s1  }
0x8c: {  	s17 =	sshll.u32 s0, $0xA;
	s2 =	sadd.s32 s3, s2  }
0x8d: {  	s2 =	sadd.s32 s2, s17  }
0x8e: {  	[smem:$0x3FC0] =	sst s2  }
0x8f: {  	_ = 	snop  }
0x90: {  	s2 =	sld [smem:$0x3FC9]  }
0x91: {  	s18 =	sld [smem:$0x3FC7]  }
0x92: {  	s4 =	sld [smem:$0x3FD0];
	(tm) =	ssettm $0x1  }
0x93: {  	s5 =	sld [smem:$0x3FFB];
	_ =	sdelay $0x3  }
0x94: {  	_ =	strace s5  }
0x95: {  	s5 =	sld [smem:$0x3FFC];
	_ =	sdelay $0x3  }
0x96: {  	_ =	strace s5  }
0x97: {  	s5 =	sld [smem:$0x3FFD];
	_ =	sdelay $0x3  }
0x98: {  	_ =	strace s5  }
0x99: {  	_ =	strace $0x8FFFFFFF  }
0x9a: {  	s19 =	sld [smem:$0x3FDB];
	_ =	sdelay $0x1  }
0x9b: {  	s6 =	simm.s32 $_scs_section_size  }
0x9c: {  	s7 =	simm.s32 $_size__tile_overlayer_lowered;
	s8 =	simm.s32 $_tile_overlayer_lowered  }
0x9d: {  	s22 =	simm.s32 $0x1BFF;
	s21 =	sshll.u32 s8, $0x1;
	s5 =	sadd.s32 s6, s19  }
0x9e: {  	s9 =	simm.s32 $0x0;
	s20 =	sshll.u32 s7, $0x1;
	s7 =	sadd.s32 s21, s5  }
0x9f: {  	[timem:s9], [sflag:s22] =	dma.local [hbm:s7], s20  }
0xa0: {  	_ =	swait.ge [sflag:s22], s20  }
0xa1: {  	s6 =	ssub.s32 $0x0, s20;
	[sflag:s22] =	ssyncset.done $0x0  }
0xa2: {  	[sflag:s22] =	ssyncadd.s32 s6;
	_ =	sdelay $0x1  }
0xa3: {  	s23 =	simm.s32 $0x1B8B  }
0xa4: {  	_ =	swait.ge [sflag:s23], $0x1  }
0xa5: {  	[sflag:s23] =	ssyncset.done $0x0  }
0xa6: {  	s25 =	simm.s32 $0x1B8E;
	s24 =	sld [smem:$0x3FFE];
	[sflag:s23] =	ssyncadd.s32 $0xFFFFFFFF  }
0xa7: {  	s26 =	simm.s32 $execute0_lowered;
	[smem:$0x3FD2] =	sst s25  }
0xa8: {  	s7 =	sshll.u32 s26, $0x1;
	_ =	strace $0x8000004C;
	[dreg:$0x1] =	wrdreg $0xFFFFFFFF  }
0xa9: {  	s28 =	simm.s32 $_size_execute0_lowered;
	s5 =	sadd.s32 s5, s7;
	[dreg:$0x0] =	wrdreg $0x0  }
0xaa: {  	s7 =	sshll.u32 s28, $0x1;
	[dreg:$0x2] =	wrdreg s5  }
0xab: {  	[dreg:$0x3] =	wrdreg s7  }
0xac: {  	[dreg:$0x4] =	wrdreg $0xC0  }
0xad: {  	_ =	task [dreg:s9], $0x5FFFF  }
0xae: {  	[dreg:$0x1] =	wrdreg $0xFFFFFFFF  }
0xaf: {  	[dreg:$0x0] =	wrdreg $0x60  }
0xb0: {  	[dreg:$0x2] =	wrdreg s2  }
0xb1: {  	[dreg:$0x3] =	wrdreg s18  }
0xb2: {  	[dreg:$0x4] =	wrdreg s4  }
0xb3: {  	[dreg:$0x5] =	wrdreg s24  }
0xb4: {  	[dreg:$0x6] =	wrdreg $0x9  }
0xb5: {  	_ =	task.clear_ibuf [dreg:s9], $0x7FFFF;
	_ =	strace $0x9000004C  }
0xb6: {  	s29 =	simm.s32 $0x9;
	_ =	strace $0x8000004E  }
0xb7: {  	_ =	swait.ge [sflag:s29], $0x1  }
0xb8: {  	[sflag:s29] =	ssyncadd.s32 $0xFFFFFFFF  }
0xb9: {  	_ =	strace $0x9000004E  }
0xba: {  	_ =	sfence  }
0xbb: {  	s30 =	sld [smem:$0x0];
	_ =	sdelay $0x2  }
0xbc: {  	s31 =	sshll.u32 s1, $0xD;
	s1 =	sshrl.u32 s1, $0x2  }
0xbd: {  	s3 =	sand.u32 $0x4000, s31;
	s1 =	sadd.s32 s1, s30  }
0xbe: {  	s0 =	sor.u32 s3, s0;
	s1 =	sshll.u32 s1, $0x11  }
0xbf: {  	s0 =	sor.u32 s1, s0  }
0xc0: {  	s0 =	sadd.s32 $0x8F2B, s0  }
0xc1: {  	[sflag:s0] =	ssyncadd.remote.s32 $0x1  }
0xc2: {  	_ =	sfence.sel $0xFFFF  }
0xc3: {  	[dreg:$0x0] =	wrdreg $0xFFFFFFFF;
	(pc) =	sbr.abs _section_cstart, $3  }
0xc4: {  	[dreg:$0x1] =	wrdreg $0xFFFFFFFF  }
0xc5: {  	_ =	task.clear_ibuf [dreg:s9], $0x2FFFF;
	_ =	strace $0x9FFFFFFF  }
0xc6: {  	(tm) =	ssettm $0x7FFFFFFF  }
0xc7: {  	_ =	shalt  }
tec
execute0_lowered:
.L_overlay_start_1:
0x0: {  	(tag) =	ssettag $0x1  }
0x1: {  	s0 =	rddreg [dreg:$0x0]  }
0x2: {  	s1 =	rddreg [dreg:$0x1]  }
0x3: {  	s2 =	rddreg [dreg:$0x3];
	s4 =	srdreg.scid  }
0x4: {  	s6 =	stileid.u32;
	s3 =	simm.s32 $0x0;
	s13 =	simm.s32 $0x2  }
0x5: {  	s14 =	simm.s32 $0x200;
	s20 =	simm.s32 $0x2010;
	s21 =	simm.s32 $0x6010  }
0x6: {  	s22 =	simm.s32 $0x2210;
	s23 =	simm.s32 $0x6210;
	s28 =	simm.s32 $0x6610  }
0x7: {  	s29 =	simm.s32 $0x400;
	s30 =	simm.s32 $0x410;
	s31 =	simm.s32 $0x610  }
0x8: {  	s15 =	simm.s32 $0xA810;
	s16 =	simm.s32 $0x0;
	s5 =	sand.u32 $0x1, s4  }
0x9: {  	s24 =	sshll.u32 s6, $0x1;
	[smem:$0x7FF] =	sst s3;
	s4 =	sadd.s32 $0x62CC00, s2  }
0xa: {  	s6 =	sor.u32 s5, s24;
	_ =	strace $0x8000004D;
	s5 =	ssub.s32 $0x2, s5  }
0xb: {  	s24 =	simm.s32 $0x2410;
	s7 =	sshll.u32 s6, $0x6;
	s8 =	sshll.u32 s6, $0xA  }
0xc: {  	s25 =	sshll.u32 s6, $0xB;
	s6 =	sshll.u32 s6, $0x1;
	s26 =	sshrl.u32 s5, $0x1  }
0xd: {  	s9 =	sadd.s32 s7, s2;
	s10 =	sadd.s32 s8, s2;
	s11 =	sadd.s32 s25, s2  }
0xe: {  	s2 =	sadd.s32 s6, s2;
	s12 =	ssub.s32 s5, s26;
	s5 =	sadd.s32 s0, s7  }
0xf: {  	s6 =	sadd.s32 s1, s7;
	s25 =	simm.s32 $0x6410;
	s26 =	simm.s32 $0x2610  }
0x10: {  	s0 =	simm.s32 $0x2810;
	s1 =	simm.s32 $0x6810;
	s7 =	sadd.s32 $0x62A00, s9  }
0x11: {  	s8 =	sadd.s32 $0x63200, s9;
	s9 =	sadd.s32 $0x73A00, s10;
	s10 =	sadd.s32 $0x63A00, s11  }
0x12: {  	s11 =	sadd.s32 $0xE00, s2;
	s12 =	smax.u32 s12, $0x1;
	s2 =	simm.s32 $0x1  }
.LBB2_1:
0x13: {  	[tilespmem:s3], [sflag:$0x2] =	stream.linear.gather [hbm4b:s5+s3], $0x200, $0x38;
	[tilespmem:$0xA820] =	vst v63  }
0x14: {  	_ =	swait.ge [sflag:s13], $0x200  }
0x15: {  	[sflag:s13] =	ssyncset.done $0x0  }
0x16: {  	s17 =	simm.s32 $0x0;
	[sflag:s13] =	ssyncadd.s32 $0xFFFFFE00  }
0x17: {  	v0 =	vld [tilespmem:s17+$0x0];
	_ =	sdelay $0x4  }
0x18: {  	v1 =	vshll.u32 v0, $0x3  }
0x19: {  	v0 =	vand.u32 $0x7F, v0;
	v1 =	vand.u32 $0xFFFFFC00, v1  }
0x1a: {  	v8 =	vor.u32 v0, v1  }
0x1b: {  	[tilespmem:s17+$0x810] =	vst v8;
	v0 =	vadd.s32 $0x7A1780, v8  }
0x1c: {  	v1 =	vadd.s32 $0x7A1700, v8;
	[tilespmem:s17+$0x2610] =	vst v0  }
0x1d: {  	v2 =	vadd.s32 $0x7A1680, v8;
	[tilespmem:s17+$0x2410] =	vst v1  }
0x1e: {  	v3 =	vadd.s32 $0x7A1600, v8;
	v6 =	vor.u32 $0x280, v8;
	v4 =	vadd.s32 $0x7A1580, v8;
	[tilespmem:s17+$0x2210] =	vst v2  }
0x1f: {  	v5 =	vor.u32 $0x300, v8;
	v9 =	vadd.s32 $0x7A1500, v8;
	v7 =	vor.u32 $0x380, v8;
	[tilespmem:s17+$0x2010] =	vst v3  }
0x20: {  	v1 =	vor.u32 $0x80, v8;
	v0 =	vadd.s32 $0x7A1400, v8;
	v2 =	vor.u32 $0x100, v8;
	[tilespmem:s17+$0x1E10] =	vst v4  }
0x21: {  	s18 =	simm.s32 $0x40;
	v3 =	vor.u32 $0x180, v8;
	v4 =	vor.u32 $0x200, v8;
	v8 =	vadd.s32 $0x7A1480, v8;
	[tilespmem:s17+$0x1C10] =	vst v9  }
.LBB2_2:
0x22: {  	s19 =	sshra.s32 s18, $0x2;
	p0 =	sne.s32 s18, $0x7C0;
	s18 =	sadd.s32 $0x40, s18;
	[tilespmem:s17+$0x1A10] =	vst v8  }
0x23: {  	v8 =	vld [tilespmem:s19+$0x0];
	[tilespmem:s17+$0x1210] =	vst v6  }
0x24: {  	[tilespmem:s17+$0x1610] =	vst v7  }
0x25: {  	[tilespmem:s17+$0xA10] =	vst v1  }
0x26: {  	[tilespmem:s17+$0xC10] =	vst v2  }
0x27: {  	[tilespmem:s17+$0x1410] =	vst v5  }
0x28: {  	v1 =	vshll.u32 v8, $0x3;
	v2 =	vand.u32 $0x7F, v8;
	[tilespmem:s17+$0xE10] =	vst v3  }
0x29: {  	v1 =	vand.u32 $0xFFFFFC00, v1;
	[tilespmem:s17+$0x1810] =	vst v0  }
0x2a: {  	v9 =	vor.u32 v2, v1;
	[tilespmem:s17+$0x1010] =	vst v4;
	s17 =	smov.u32 s19  }
0x2b: {  	[tilespmem:s17+$0x810] =	vst v9;
	v1 =	vor.u32 $0x80, v9;
	v0 =	vadd.s32 $0x7A1400, v9;
	v3 =	vadd.s32 $0x7A1780, v9  }
0x2c: {  	v2 =	vor.u32 $0x100, v9;
	v6 =	vor.u32 $0x280, v9;
	v4 =	vadd.s32 $0x7A1700, v9;
	[tilespmem:s17+$0x2610] =	vst v3  }
.Ltmp0:
0x2d: {  	v5 =	vor.u32 $0x300, v9;
	v8 =	vadd.s32 $0x7A1680, v9;
	v3 =	vor.u32 $0x180, v9;
	[tilespmem:s17+$0x2410] =	vst v4;
	(pc) =	sbr.rel @p0 .LBB2_2-.Ltmp0, $4  }
0x2e: {  	v7 =	vor.u32 $0x380, v9;
	v10 =	vadd.s32 $0x7A1600, v9;
	v4 =	vor.u32 $0x200, v9;
	[tilespmem:s17+$0x2210] =	vst v8  }
0x2f: {  	v11 =	vadd.s32 $0x7A1580, v9;
	v8 =	vadd.s32 $0x7A1480, v9;
	[tilespmem:s17+$0x2010] =	vst v10  }
0x30: {  	v9 =	vadd.s32 $0x7A1500, v9;
	[tilespmem:s17+$0x1E10] =	vst v11  }
0x31: {  	[tilespmem:s17+$0x1C10] =	vst v9  }
0x32: {  	[tilespmem:s17+$0x1A10] =	vst v8  }
0x33: {  	[tilespmem:s17+$0x1210] =	vst v6  }
0x34: {  	[tilespmem:s17+$0x1610] =	vst v7  }
0x35: {  	[tilespmem:s17+$0xA10] =	vst v1  }
0x36: {  	[tilespmem:s17+$0xC10] =	vst v2  }
0x37: {  	[tilespmem:s17+$0x1410] =	vst v5  }
0x38: {  	[tilespmem:s17+$0xE10] =	vst v3  }
0x39: {  	[tilespmem:s17+$0x1810] =	vst v0  }
0x3a: {  	[tilespmem:s17+$0x1010] =	vst v4;
	s19 =	simm.s32 $0x810;
	s18 =	simm.s32 $0x4810  }
0x3b: {  	[tilespmem:s18], [sflag:$0x1] =	stream.indirect.gather [hbm4b:s4+s14], $0x1, s19, s14, $0xb8;
	[tilespmem:$0xA820] =	vst v63  }
0x3c: {  	s18 =	simm.s32 $0xA10;
	s19 =	simm.s32 $0x4A10  }
0x3d: {  	[tilespmem:s19], [sflag:$0x1] =	stream.indirect.gather [hbm4b:s4+s14], $0x1, s18, s14, $0xb8;
	[tilespmem:$0xA820] =	vst v63  }
0x3e: {  	s18 =	simm.s32 $0xC10;
	s19 =	simm.s32 $0x4C10  }
0x3f: {  	[tilespmem:s19], [sflag:$0x1] =	stream.indirect.gather [hbm4b:s4+s14], $0x1, s18, s14, $0xb8;
	[tilespmem:$0xA820] =	vst v63  }
0x40: {  	s18 =	simm.s32 $0xE10;
	s19 =	simm.s32 $0x4E10  }
0x41: {  	[tilespmem:s19], [sflag:$0x1] =	stream.indirect.gather [hbm4b:s4+s14], $0x1, s18, s14, $0xb8;
	[tilespmem:$0xA820] =	vst v63  }
0x42: {  	s18 =	simm.s32 $0x1010;
	s19 =	simm.s32 $0x5010  }
0x43: {  	[tilespmem:s19], [sflag:$0x1] =	stream.indirect.gather [hbm4b:s4+s14], $0x1, s18, s14, $0xb8;
	[tilespmem:$0xA820] =	vst v63  }
0x44: {  	s18 =	simm.s32 $0x1210;
	s19 =	simm.s32 $0x5210  }
0x45: {  	[tilespmem:s19], [sflag:$0x1] =	stream.indirect.gather [hbm4b:s4+s14], $0x1, s18, s14, $0xb8;
	[tilespmem:$0xA820] =	vst v63  }
0x46: {  	s18 =	simm.s32 $0x1410;
	s19 =	simm.s32 $0x5410  }
0x47: {  	[tilespmem:s19], [sflag:$0x1] =	stream.indirect.gather [hbm4b:s4+s14], $0x1, s18, s14, $0xb8;
	[tilespmem:$0xA820] =	vst v63  }
0x48: {  	s18 =	simm.s32 $0x1610;
	s19 =	simm.s32 $0x5610  }
0x49: {  	[tilespmem:s19], [sflag:$0x1] =	stream.indirect.gather [hbm4b:s4+s14], $0x1, s18, s14, $0xb8;
	[tilespmem:$0xA820] =	vst v63  }
0x4a: {  	s18 =	simm.s32 $0x1810;
	s19 =	simm.s32 $0x5810  }
0x4b: {  	[tilespmem:s19], [sflag:$0x1] =	stream.indirect.gather [hbm4b:s4+s14], $0x1, s18, s14, $0xb8;
	[tilespmem:$0xA820] =	vst v63  }
0x4c: {  	s18 =	simm.s32 $0x1A10;
	s19 =	simm.s32 $0x5A10  }
0x4d: {  	[tilespmem:s19], [sflag:$0x1] =	stream.indirect.gather [hbm4b:s4+s14], $0x1, s18, s14, $0xb8;
	[tilespmem:$0xA820] =	vst v63  }
0x4e: {  	s18 =	simm.s32 $0x1C10;
	s19 =	simm.s32 $0x5C10  }
0x4f: {  	[tilespmem:s19], [sflag:$0x1] =	stream.indirect.gather [hbm4b:s4+s14], $0x1, s18, s14, $0xb8;
	[tilespmem:$0xA820] =	vst v63  }
0x50: {  	s18 =	simm.s32 $0x1E10;
	s19 =	simm.s32 $0x5E10  }
0x51: {  	[tilespmem:s19], [sflag:$0x1] =	stream.indirect.gather [hbm4b:s4+s14], $0x1, s18, s14, $0xb8;
	[tilespmem:$0xA820] =	vst v63  }
0x52: {  	_ = 	snop  }
0x53: {  	[tilespmem:s21], [sflag:$0x1] =	stream.indirect.gather [hbm4b:s4+s14], $0x1, s20, s14, $0xb8;
	[tilespmem:$0xA820] =	vst v63  }
0x54: {  	_ = 	snop  }
0x55: {  	[tilespmem:s23], [sflag:$0x1] =	stream.indirect.gather [hbm4b:s4+s14], $0x1, s22, s14, $0xb8;
	[tilespmem:$0xA820] =	vst v63  }
0x56: {  	_ = 	snop  }
0x57: {  	[tilespmem:s25], [sflag:$0x1] =	stream.indirect.gather [hbm4b:s4+s14], $0x1, s24, s14, $0xb8;
	[tilespmem:$0xA820] =	vst v63  }
0x58: {  	_ = 	snop  }
0x59: {  	[tilespmem:s28], [sflag:$0x1] =	stream.indirect.gather [hbm4b:s4+s14], $0x1, s26, s14, $0xb8;
	[tilespmem:$0xA820] =	vst v63  }
0x5a: {  	s17 =	simm.s32 $0x0  }
0x5b: {  	[tilespmem:s14], [sflag:$0x2] =	stream.linear.gather [hbm4b:s6+s17], $0x200, $0x38;
	[tilespmem:$0xA820] =	vst v63  }
0x5c: {  	_ =	swait.ge [sflag:s13], $0x200  }
0x5d: {  	[sflag:s13] =	ssyncset.done $0x0  }
0x5e: {  	[sflag:s13] =	ssyncadd.s32 $0xFFFFFE00  }
0x5f: {  	s19 =	rddreg [dreg:$0x2]  }
0x60: {  	[tilespmem:s29], [sflag:$0x2] =	stream.linear.gather [hbm4b:s19+s17], $0x10, $0x38;
	[tilespmem:$0xA820] =	vst v63  }
0x61: {  	_ =	swait.ge [sflag:s13], $0x10  }
0x62: {  	[sflag:s13] =	ssyncset.done $0x0  }
0x63: {  	[sflag:s13] =	ssyncadd.s32 $0xFFFFFFF0  }
0x64: {  	[tilespmem:s30], [sflag:$0x2] =	stream.linear.gather [hbm4b:s7+s17], $0x200, $0x38;
	[tilespmem:$0xA820] =	vst v63  }
0x65: {  	_ =	swait.ge [sflag:s13], $0x200  }
0x66: {  	[sflag:s13] =	ssyncset.done $0x0  }
0x67: {  	[sflag:s13] =	ssyncadd.s32 $0xFFFFFE00  }
0x68: {  	[tilespmem:s31], [sflag:$0x2] =	stream.linear.gather [hbm4b:s8+s17], $0x200, $0x38;
	[tilespmem:$0xA820] =	vst v63  }
0x69: {  	_ =	swait.ge [sflag:s13], $0x200  }
0x6a: {  	[sflag:s13] =	ssyncset.done $0x0  }
0x6b: {  	[sflag:s13] =	ssyncadd.s32 $0xFFFFFE00  }
0x6c: {  	[tilespmem:s0], [sflag:$0x2] =	stream.linear.gather [hbm4b:s9+s17], $0x2000, $0x38;
	[tilespmem:$0xA820] =	vst v63  }
0x6d: {  	_ =	swait.ge [sflag:s13], $0x2000  }
0x6e: {  	[sflag:s13] =	ssyncset.done $0x0  }
0x6f: {  	[sflag:s13] =	ssyncadd.s32 $0xFFFFE000  }
0x70: {  	[tilespmem:s1], [sflag:$0x2] =	stream.linear.gather [hbm4b:s10+s17], $0x4000, $0x38;
	[tilespmem:$0xA820] =	vst v63  }
0x71: {  	_ =	swait.ge [sflag:s13], $0x4000  }
0x72: {  	[sflag:s13] =	ssyncset.done $0x0  }
0x73: {  	[sflag:s13] =	ssyncadd.s32 $0xFFFFC000  }
0x74: {  	_ =	swait.ge [sflag:s2], $0x200  }
0x75: {  	[sflag:s2] =	ssyncset.done $0x0  }
0x76: {  	[sflag:s2] =	ssyncadd.s32 $0xFFFFFE00  }
0x77: {  	_ =	swait.ge [sflag:s2], $0x200  }
0x78: {  	[sflag:s2] =	ssyncset.done $0x0  }
0x79: {  	[sflag:s2] =	ssyncadd.s32 $0xFFFFFE00  }
0x7a: {  	_ =	swait.ge [sflag:s2], $0x200  }
0x7b: {  	[sflag:s2] =	ssyncset.done $0x0  }
0x7c: {  	[sflag:s2] =	ssyncadd.s32 $0xFFFFFE00  }
0x7d: {  	_ =	swait.ge [sflag:s2], $0x200  }
0x7e: {  	[sflag:s2] =	ssyncset.done $0x0  }
0x7f: {  	[sflag:s2] =	ssyncadd.s32 $0xFFFFFE00  }
0x80: {  	_ =	swait.ge [sflag:s2], $0x200  }
0x81: {  	[sflag:s2] =	ssyncset.done $0x0  }
0x82: {  	[sflag:s2] =	ssyncadd.s32 $0xFFFFFE00  }
0x83: {  	_ =	swait.ge [sflag:s2], $0x200  }
0x84: {  	[sflag:s2] =	ssyncset.done $0x0  }
0x85: {  	[sflag:s2] =	ssyncadd.s32 $0xFFFFFE00  }
0x86: {  	_ =	swait.ge [sflag:s2], $0x200  }
0x87: {  	[sflag:s2] =	ssyncset.done $0x0  }
0x88: {  	[sflag:s2] =	ssyncadd.s32 $0xFFFFFE00  }
0x89: {  	_ =	swait.ge [sflag:s2], $0x200  }
0x8a: {  	[sflag:s2] =	ssyncset.done $0x0  }
0x8b: {  	[sflag:s2] =	ssyncadd.s32 $0xFFFFFE00  }
0x8c: {  	_ =	swait.ge [sflag:s2], $0x200  }
0x8d: {  	[sflag:s2] =	ssyncset.done $0x0  }
0x8e: {  	[sflag:s2] =	ssyncadd.s32 $0xFFFFFE00  }
0x8f: {  	_ =	swait.ge [sflag:s2], $0x200  }
0x90: {  	[sflag:s2] =	ssyncset.done $0x0  }
0x91: {  	[sflag:s2] =	ssyncadd.s32 $0xFFFFFE00  }
0x92: {  	_ =	swait.ge [sflag:s2], $0x200  }
0x93: {  	[sflag:s2] =	ssyncset.done $0x0  }
0x94: {  	[sflag:s2] =	ssyncadd.s32 $0xFFFFFE00  }
0x95: {  	_ =	swait.ge [sflag:s2], $0x200  }
0x96: {  	[sflag:s2] =	ssyncset.done $0x0  }
0x97: {  	[sflag:s2] =	ssyncadd.s32 $0xFFFFFE00  }
0x98: {  	_ =	swait.ge [sflag:s2], $0x200  }
0x99: {  	[sflag:s2] =	ssyncset.done $0x0  }
0x9a: {  	[sflag:s2] =	ssyncadd.s32 $0xFFFFFE00  }
0x9b: {  	_ =	swait.ge [sflag:s2], $0x200  }
0x9c: {  	[sflag:s2] =	ssyncset.done $0x0  }
0x9d: {  	[sflag:s2] =	ssyncadd.s32 $0xFFFFFE00  }
0x9e: {  	_ =	swait.ge [sflag:s2], $0x200  }
0x9f: {  	[sflag:s2] =	ssyncset.done $0x0  }
0xa0: {  	[sflag:s2] =	ssyncadd.s32 $0xFFFFFE00  }
0xa1: {  	_ =	swait.ge [sflag:s2], $0x200  }
0xa2: {  	[sflag:s2] =	ssyncset.done $0x0  }
0xa3: {  	[sflag:s2] =	ssyncadd.s32 $0xFFFFFE00  }
0xa4: {  	s19 =	simm.s32 $0x0;
	v0 =	vld [tilespmem:$0x400]  }
0xa5: {  	v3 =	vld [tilespmem:s19+$0x6610]  }
0xa6: {  	v1 =	vld [tilespmem:s19+$0x2810]  }
0xa7: {  	v2 =	vld [tilespmem:s19+$0x6810]  }
0xa8: {  	v4 =	vld [tilespmem:s19+$0x2A10]  }
0xa9: {  	v5 =	vld [tilespmem:s19+$0x6A10]  }
0xaa: {  	v6 =	vld [tilespmem:s19+$0x2C10]  }
0xab: {  	v7 =	vld [tilespmem:s19+$0x6C10]  }
0xac: {  	v8 =	vld [tilespmem:s19+$0x2E10]  }
0xad: {  	v9 =	vld [tilespmem:s19+$0x6E10]  }
0xae: {  	v10 =	vld [tilespmem:s19+$0x3010];
	v1 =	vmul.f32 v2, v1;
	v2 =	vmul.f32 v5, v4  }
0xaf: {  	v4 =	vld [tilespmem:s19+$0x7010]  }
0xb0: {  	v5 =	vld [tilespmem:s19+$0x3210];
	v1 =	vadd.f32 v2, v1;
	v2 =	vmul.f32 v7, v6  }
0xb1: {  	v6 =	vld [tilespmem:s19+$0x7210]  }
0xb2: {  	v7 =	vld [tilespmem:s19+$0x3410];
	v1 =	vadd.f32 v2, v1;
	v2 =	vmul.f32 v9, v8  }
0xb3: {  	v8 =	vld [tilespmem:s19+$0x7410]  }
0xb4: {  	v9 =	vld [tilespmem:s19+$0x3610];
	v1 =	vadd.f32 v2, v1;
	v2 =	vmul.f32 v4, v10  }
0xb5: {  	v4 =	vld [tilespmem:s19+$0x7610]  }
0xb6: {  	v10 =	vld [tilespmem:s19+$0x3810];
	v1 =	vadd.f32 v2, v1;
	v2 =	vmul.f32 v6, v5  }
0xb7: {  	v5 =	vld [tilespmem:s19+$0x7810]  }
0xb8: {  	v6 =	vld [tilespmem:s19+$0x3A10];
	v1 =	vadd.f32 v2, v1;
	v2 =	vmul.f32 v8, v7  }
0xb9: {  	v7 =	vld [tilespmem:s19+$0x7A10]  }
0xba: {  	v8 =	vld [tilespmem:s19+$0x3C10];
	v1 =	vadd.f32 v2, v1;
	v2 =	vmul.f32 v4, v9  }
0xbb: {  	v4 =	vld [tilespmem:s19+$0x7C10]  }
0xbc: {  	v9 =	vld [tilespmem:s19+$0x3E10];
	v1 =	vadd.f32 v2, v1;
	v2 =	vmul.f32 v5, v10  }
0xbd: {  	v5 =	vld [tilespmem:s19+$0x7E10]  }
0xbe: {  	v10 =	vld [tilespmem:s19+$0x4010];
	v1 =	vadd.f32 v2, v1;
	v2 =	vmul.f32 v7, v6  }
0xbf: {  	v6 =	vld [tilespmem:s19+$0x8010]  }
0xc0: {  	v7 =	vld [tilespmem:s19+$0x4210];
	v1 =	vadd.f32 v2, v1;
	v2 =	vmul.f32 v4, v8  }
0xc1: {  	v4 =	vld [tilespmem:s19+$0x8210]  }
0xc2: {  	v8 =	vld [tilespmem:s19+$0x4410];
	v1 =	vadd.f32 v2, v1;
	v2 =	vmul.f32 v5, v9  }
0xc3: {  	v5 =	vld [tilespmem:s19+$0x8410]  }
0xc4: {  	v9 =	vld [tilespmem:s19+$0x4610];
	v1 =	vadd.f32 v2, v1;
	v2 =	vmul.f32 v6, v10  }
0xc5: {  	v6 =	vld [tilespmem:s19+$0x8610]  }
0xc6: {  	v10 =	vld [tilespmem:s19+$0x4810];
	v1 =	vadd.f32 v2, v1;
	v2 =	vmul.f32 v4, v7  }
0xc7: {  	v4 =	vld [tilespmem:s19+$0x8810]  }
0xc8: {  	v7 =	vld [tilespmem:s19+$0x4A10];
	v1 =	vadd.f32 v2, v1;
	v2 =	vmul.f32 v5, v8  }
0xc9: {  	v5 =	vld [tilespmem:s19+$0x8A10]  }
0xca: {  	v8 =	vld [tilespmem:s19+$0x4C10];
	v1 =	vadd.f32 v2, v1;
	v2 =	vmul.f32 v6, v9  }
0xcb: {  	v6 =	vld [tilespmem:s19+$0x8C10]  }
0xcc: {  	v9 =	vld [tilespmem:s19+$0x4E10];
	v1 =	vadd.f32 v2, v1;
	v2 =	vmul.f32 v4, v10  }
0xcd: {  	v4 =	vld [tilespmem:s19+$0x8E10]  }
0xce: {  	v10 =	vld [tilespmem:s19+$0x5010];
	v1 =	vadd.f32 v2, v1;
	v2 =	vmul.f32 v5, v7  }
0xcf: {  	v5 =	vld [tilespmem:s19+$0x9010]  }
0xd0: {  	v7 =	vld [tilespmem:s19+$0x5210];
	v1 =	vadd.f32 v2, v1;
	v2 =	vmul.f32 v6, v8  }
0xd1: {  	v6 =	vld [tilespmem:s19+$0x9210]  }
0xd2: {  	v8 =	vld [tilespmem:s19+$0x5410];
	v1 =	vadd.f32 v2, v1;
	v2 =	vmul.f32 v4, v9  }
0xd3: {  	v4 =	vld [tilespmem:s19+$0x9410]  }
0xd4: {  	v9 =	vld [tilespmem:s19+$0x5610];
	v1 =	vadd.f32 v2, v1;
	v2 =	vmul.f32 v5, v10  }
0xd5: {  	v5 =	vld [tilespmem:s19+$0x9610]  }
0xd6: {  	v10 =	vld [tilespmem:s19+$0x5810];
	v1 =	vadd.f32 v2, v1;
	v2 =	vmul.f32 v6, v7  }
0xd7: {  	v6 =	vld [tilespmem:s19+$0x9810]  }
0xd8: {  	v7 =	vld [tilespmem:s19+$0x5A10];
	v1 =	vadd.f32 v2, v1;
	v2 =	vmul.f32 v4, v8  }
0xd9: {  	v4 =	vld [tilespmem:s19+$0x9A10]  }
0xda: {  	v8 =	vld [tilespmem:s19+$0x5C10];
	v1 =	vadd.f32 v2, v1;
	v2 =	vmul.f32 v5, v9  }
0xdb: {  	v5 =	vld [tilespmem:s19+$0x9C10]  }
0xdc: {  	v9 =	vld [tilespmem:s19+$0x5E10];
	v1 =	vadd.f32 v2, v1;
	v2 =	vmul.f32 v6, v10  }
0xdd: {  	v6 =	vld [tilespmem:s19+$0x9E10]  }
0xde: {  	v10 =	vld [tilespmem:s19+$0x6010];
	v1 =	vadd.f32 v2, v1;
	v2 =	vmul.f32 v4, v7  }
0xdf: {  	v4 =	vld [tilespmem:s19+$0xA010]  }
0xe0: {  	v7 =	vld [tilespmem:s19+$0x6210];
	v1 =	vadd.f32 v2, v1;
	v2 =	vmul.f32 v5, v8  }
0xe1: {  	v5 =	vld [tilespmem:s19+$0xA210]  }
0xe2: {  	v8 =	vld [tilespmem:s19+$0x6410];
	v1 =	vadd.f32 v2, v1;
	v2 =	vmul.f32 v6, v9  }
0xe3: {  	v6 =	vld [tilespmem:s19+$0xA410]  }
0xe4: {  	v11 =	vld [tilespmem:s19+$0xA610];
	v4 =	vmul.f32 v4, v10;
	v1 =	vadd.f32 v2, v1  }
0xe5: {  	s17 =	simm.s32 $0x10;
	v10 =	vld [tilespmem:s19+$0x410]  }
0xe6: {  	v9 =	vld [tilespmem:s17+$0x6810];
	v7 =	vmul.f32 v5, v7;
	v1 =	vadd.f32 v4, v1  }
0xe7: {  	v5 =	vld [tilespmem:s19+$0x610]  }
0xe8: {  	v4 =	vld [tilespmem:s17+$0x6610];
	v6 =	vmul.f32 v6, v8;
	v7 =	vadd.f32 v7, v1  }
0xe9: {  	v2 =	vld [tilespmem:s19+$0x200]  }
0xea: {  	v3 =	vmul.f32 v11, v3;
	v8 =	vld [tilespmem:s17+$0x2810];
	v6 =	vadd.f32 v6, v7;
	v7 =	vadd.f32 v10, v0  }
0xeb: {  	s18 =	simm.s32 $0x80;
	v1 =	vimm.f32 $0.0e+00;
	v10 =	vld [tilespmem:s17+$0x2A10]  }
.LBB2_4:
0xec: {  	p0 =	sne.s32 s18, $0x7C0;
	v11 =	vld [tilespmem:s17+$0x6A10];
	v6 =	vadd.f32 v3, v6;
	v5 =	vadd.f32 v5, v7  }
0xed: {  	v7 =	vld [tilespmem:s17+$0x2C10];
	v3 =	vmov v4  }
0xee: {  	v4 =	vld [tilespmem:s17+$0x6C10];
	v5 =	vadd.f32 v5, v6  }
0xef: {  	v6 =	vld [tilespmem:s17+$0x2E10]  }
0xf0: {  	v12 =	vld [tilespmem:s17+$0x6E10];
	v5 =	vsub.f32 $0.0e+00, v5  }
0xf1: {  	v8 =	vmul.f32 v9, v8;
	v9 =	vmul.f32 v11, v10;
	v10 =	vld [tilespmem:s17+$0x3010]  }
0xf2: {  	v11 =	vld [tilespmem:s17+$0x7010];
	v5 =	vmul.f32 $1.442695020e+00, v5  }
0xf3: {  	v8 =	vadd.f32 v9, v8;
	v4 =	vmul.f32 v4, v7;
	v7 =	vld [tilespmem:s17+$0x3210]  }
0xf4: {  	v9 =	vld [tilespmem:s17+$0x7210];
	(erf) = vpow2.f32 v5  }
0xf5: {  	v4 =	vadd.f32 v4, v8;
	v5 =	vmul.f32 v12, v6;
	v6 =	vld [tilespmem:s17+$0x3410]  }
0xf6: {  	v8 =	vld [tilespmem:s17+$0x7410]  }
0xf7: {  	v4 =	vadd.f32 v5, v4;
	v5 =	vmul.f32 v11, v10;
	v10 =	vld [tilespmem:s17+$0x3610]  }
0xf8: {  	v11 =	vld [tilespmem:s17+$0x7610]  }
0xf9: {  	v4 =	vadd.f32 v5, v4;
	v5 =	vmul.f32 v9, v7;
	v7 =	vld [tilespmem:s17+$0x3810]  }
0xfa: {  	v9 =	vld [tilespmem:s17+$0x7810]  }
0xfb: {  	v4 =	vadd.f32 v5, v4;
	v5 =	vmul.f32 v8, v6;
	v6 =	vld [tilespmem:s17+$0x3A10]  }
0xfc: {  	v8 =	vld [tilespmem:s17+$0x7A10]  }
0xfd: {  	v4 =	vadd.f32 v5, v4;
	v5 =	vmul.f32 v11, v10;
	v10 =	vld [tilespmem:s17+$0x3C10];
	v11 =	vpop (erf)  }
0xfe: {  	v12 =	vld [tilespmem:s17+$0x7C10];
	v11 =	vadd.f32 $1.000000000e+00, v11  }
0xff: {  	v4 =	vadd.f32 v5, v4;
	v5 =	vmul.f32 v9, v7;
	v7 =	vld [tilespmem:s17+$0x3E10]  }
0x100: {  	v9 =	vld [tilespmem:s17+$0x7E10];
	(erf) = vrcp.f32 v11  }
0x101: {  	v4 =	vadd.f32 v5, v4;
	v5 =	vmul.f32 v8, v6;
	v6 =	vld [tilespmem:s17+$0x4010]  }
0x102: {  	v8 =	vld [tilespmem:s17+$0x8010]  }
0x103: {  	v4 =	vadd.f32 v5, v4;
	v5 =	vmul.f32 v12, v10;
	v10 =	vld [tilespmem:s17+$0x4210]  }
0x104: {  	v11 =	vld [tilespmem:s17+$0x8210]  }
0x105: {  	v4 =	vadd.f32 v5, v4;
	v5 =	vmul.f32 v9, v7;
	v7 =	vld [tilespmem:s17+$0x4410]  }
0x106: {  	v9 =	vld [tilespmem:s17+$0x8410]  }
0x107: {  	v4 =	vadd.f32 v5, v4;
	v5 =	vmul.f32 v8, v6;
	v6 =	vld [tilespmem:s17+$0x4610]  }
0x108: {  	v8 =	vld [tilespmem:s17+$0x8610]  }
0x109: {  	v4 =	vadd.f32 v5, v4;
	v5 =	vmul.f32 v11, v10;
	v10 =	vld [tilespmem:s17+$0x4810];
	v11 =	vpop (erf)  }
0x10a: {  	v12 =	vld [tilespmem:s17+$0x8810];
	v11 =	vmul.f32 $5.000000000e+00, v11  }
0x10b: {  	v4 =	vadd.f32 v5, v4;
	v5 =	vmul.f32 v9, v7;
	v7 =	vld [tilespmem:s17+$0x4A10]  }
0x10c: {  	v9 =	vld [tilespmem:s17+$0x8A10];
	v2 =	vsub.f32 v11, v2  }
0x10d: {  	v4 =	vadd.f32 v5, v4;
	v5 =	vmul.f32 v8, v6;
	v6 =	vld [tilespmem:s17+$0x4C10]  }
0x10e: {  	v8 =	vld [tilespmem:s17+$0x8C10];
	v2 =	vmul.f32 v2, v2  }
0x10f: {  	v4 =	vadd.f32 v5, v4;
	v5 =	vmul.f32 v12, v10;
	v10 =	vld [tilespmem:s17+$0x4E10]  }
0x110: {  	v11 =	vld [tilespmem:s17+$0x8E10];
	v1 =	vadd.f32 v2, v1  }
0x111: {  	v2 =	vadd.f32 v5, v4;
	v4 =	vmul.f32 v9, v7;
	v5 =	vld [tilespmem:s17+$0x5010]  }
0x112: {  	v7 =	vld [tilespmem:s17+$0x9010]  }
0x113: {  	v2 =	vadd.f32 v4, v2;
	v4 =	vmul.f32 v8, v6;
	v6 =	vld [tilespmem:s17+$0x5210]  }
0x114: {  	v8 =	vld [tilespmem:s17+$0x9210]  }
0x115: {  	v2 =	vadd.f32 v4, v2;
	v4 =	vmul.f32 v11, v10;
	v9 =	vld [tilespmem:s17+$0x5410]  }
0x116: {  	v10 =	vld [tilespmem:s17+$0x9410]  }
0x117: {  	v2 =	vadd.f32 v4, v2;
	v4 =	vmul.f32 v7, v5;
	v5 =	vld [tilespmem:s17+$0x5610]  }
0x118: {  	v7 =	vld [tilespmem:s17+$0x9610]  }
0x119: {  	v2 =	vadd.f32 v4, v2;
	v4 =	vmul.f32 v8, v6;
	v6 =	vld [tilespmem:s17+$0x5810]  }
0x11a: {  	v8 =	vld [tilespmem:s17+$0x9810]  }
0x11b: {  	v2 =	vadd.f32 v4, v2;
	v4 =	vmul.f32 v10, v9;
	v9 =	vld [tilespmem:s17+$0x5A10]  }
0x11c: {  	v10 =	vld [tilespmem:s17+$0x9A10]  }
0x11d: {  	v2 =	vadd.f32 v4, v2;
	v4 =	vmul.f32 v7, v5;
	v5 =	vld [tilespmem:s17+$0x5C10]  }
0x11e: {  	v7 =	vld [tilespmem:s17+$0x9C10]  }
0x11f: {  	v2 =	vadd.f32 v4, v2;
	v4 =	vmul.f32 v8, v6;
	v6 =	vld [tilespmem:s17+$0x5E10]  }
0x120: {  	v8 =	vld [tilespmem:s17+$0x9E10]  }
0x121: {  	v2 =	vadd.f32 v4, v2;
	v4 =	vmul.f32 v10, v9;
	v9 =	vld [tilespmem:s17+$0x6010]  }
0x122: {  	v10 =	vld [tilespmem:s17+$0xA010]  }
0x123: {  	v2 =	vadd.f32 v4, v2;
	v4 =	vmul.f32 v7, v5;
	v5 =	vld [tilespmem:s17+$0x6210]  }
0x124: {  	v7 =	vld [tilespmem:s17+$0xA210]  }
0x125: {  	v2 =	vadd.f32 v4, v2;
	v4 =	vmul.f32 v8, v6;
	v6 =	vld [tilespmem:s17+$0x6410]  }
0x126: {  	v8 =	vld [tilespmem:s17+$0xA410]  }
0x127: {  	v2 =	vadd.f32 v4, v2;
	v4 =	vmul.f32 v10, v9;
	v10 =	vld [tilespmem:s17+$0xA610]  }
0x128: {  	v11 =	vld [tilespmem:s17+$0x410]  }
0x129: {  	v9 =	vadd.f32 v4, v2;
	v7 =	vmul.f32 v7, v5;
	v2 =	vld [tilespmem:s17+$0x200]  }
.Ltmp1:
0x12a: {  	v5 =	vld [tilespmem:s17+$0x610];
	s17 =	sshra.s32 s18, $0x2;
	(pc) =	sbr.rel @p0 .LBB2_4-.Ltmp1, $4  }
0x12b: {  	v4 =	vld [tilespmem:s17+$0x6610];
	v7 =	vadd.f32 v7, v9;
	v6 =	vmul.f32 v8, v6  }
0x12c: {  	v8 =	vld [tilespmem:s17+$0x2810]  }
0x12d: {  	v3 =	vmul.f32 v10, v3;
	v9 =	vld [tilespmem:s17+$0x6810];
	v6 =	vadd.f32 v6, v7;
	v7 =	vadd.f32 v11, v0  }
0x12e: {  	s18 =	sadd.s32 $0x40, s18;
	v10 =	vld [tilespmem:s17+$0x2A10]  }
0x12f: {  	v11 =	vld [tilespmem:s17+$0x6A10]  }
0x130: {  	v12 =	vld [tilespmem:s17+$0x2C10]  }
0x131: {  	v13 =	vld [tilespmem:s17+$0x6C10]  }
0x132: {  	v14 =	vld [tilespmem:s17+$0x2E10]  }
0x133: {  	v15 =	vld [tilespmem:s17+$0x6E10]  }
0x134: {  	v18 =	vld [tilespmem:s17+$0x3010];
	v8 =	vmul.f32 v9, v8;
	v17 =	vmul.f32 v11, v10  }
0x135: {  	v19 =	vld [tilespmem:s17+$0x7010]  }
0x136: {  	v21 =	vld [tilespmem:s17+$0x3210];
	v20 =	vmul.f32 v13, v12;
	v8 =	vadd.f32 v17, v8  }
0x137: {  	v22 =	vld [tilespmem:s17+$0x7210]  }
0x138: {  	v24 =	vld [tilespmem:s17+$0x3410];
	v23 =	vmul.f32 v15, v14;
	v8 =	vadd.f32 v20, v8  }
0x139: {  	v25 =	vld [tilespmem:s17+$0x7410]  }
0x13a: {  	v27 =	vld [tilespmem:s17+$0x3610];
	v26 =	vmul.f32 v19, v18;
	v8 =	vadd.f32 v23, v8  }
0x13b: {  	v28 =	vld [tilespmem:s17+$0x7610]  }
0x13c: {  	v30 =	vld [tilespmem:s17+$0x3810];
	v29 =	vmul.f32 v22, v21;
	v8 =	vadd.f32 v26, v8  }
0x13d: {  	v31 =	vld [tilespmem:s17+$0x7810]  }
0x13e: {  	v33 =	vld [tilespmem:s17+$0x3A10];
	v32 =	vmul.f32 v25, v24;
	v8 =	vadd.f32 v29, v8  }
0x13f: {  	v34 =	vld [tilespmem:s17+$0x7A10]  }
0x140: {  	v36 =	vld [tilespmem:s17+$0x3C10];
	v35 =	vmul.f32 v28, v27;
	v8 =	vadd.f32 v32, v8  }
0x141: {  	v37 =	vld [tilespmem:s17+$0x7C10]  }
0x142: {  	v39 =	vld [tilespmem:s17+$0x3E10];
	v38 =	vmul.f32 v31, v30;
	v8 =	vadd.f32 v35, v8  }
0x143: {  	v40 =	vld [tilespmem:s17+$0x7E10]  }
0x144: {  	v42 =	vld [tilespmem:s17+$0x4010];
	v41 =	vmul.f32 v34, v33;
	v8 =	vadd.f32 v38, v8  }
0x145: {  	v43 =	vld [tilespmem:s17+$0x8010]  }
0x146: {  	v45 =	vld [tilespmem:s17+$0x4210];
	v44 =	vmul.f32 v37, v36;
	v8 =	vadd.f32 v41, v8  }
0x147: {  	v46 =	vld [tilespmem:s17+$0x8210]  }
0x148: {  	v48 =	vld [tilespmem:s17+$0x4410];
	v47 =	vmul.f32 v40, v39;
	v8 =	vadd.f32 v44, v8  }
0x149: {  	v49 =	vld [tilespmem:s17+$0x8410]  }
0x14a: {  	v51 =	vld [tilespmem:s17+$0x4610];
	v50 =	vmul.f32 v43, v42;
	v8 =	vadd.f32 v47, v8  }
0x14b: {  	v52 =	vld [tilespmem:s17+$0x8610]  }
0x14c: {  	v54 =	vld [tilespmem:s17+$0x4810];
	v53 =	vmul.f32 v46, v45;
	v8 =	vadd.f32 v50, v8  }
0x14d: {  	v55 =	vld [tilespmem:s17+$0x8810]  }
0x14e: {  	v57 =	vld [tilespmem:s17+$0x4A10];
	v56 =	vmul.f32 v49, v48;
	v8 =	vadd.f32 v53, v8  }
0x14f: {  	v58 =	vld [tilespmem:s17+$0x8A10]  }
0x150: {  	v60 =	vld [tilespmem:s17+$0x4C10];
	v59 =	vmul.f32 v52, v51;
	v8 =	vadd.f32 v56, v8  }
0x151: {  	v61 =	vld [tilespmem:s17+$0x8C10]  }
0x152: {  	v63 =	vld [tilespmem:s17+$0x4E10];
	v62 =	vmul.f32 v55, v54;
	v8 =	vadd.f32 v59, v8  }
0x153: {  	v18 =	vld [tilespmem:s17+$0x8E10]  }
0x154: {  	v19 =	vmul.f32 v58, v57;
	v21 =	vld [tilespmem:s17+$0x9010];
	v8 =	vadd.f32 v62, v8  }
0x155: {  	v20 =	vld [tilespmem:s17+$0x5010]  }
0x156: {  	v22 =	vmul.f32 v61, v60;
	v24 =	vld [tilespmem:s17+$0x9210];
	v8 =	vadd.f32 v19, v8  }
0x157: {  	v23 =	vld [tilespmem:s17+$0x5210]  }
0x158: {  	v27 =	vld [tilespmem:s17+$0x9410];
	v25 =	vmul.f32 v18, v63;
	v8 =	vadd.f32 v22, v8  }
0x159: {  	v26 =	vld [tilespmem:s17+$0x5410]  }
0x15a: {  	v30 =	vld [tilespmem:s17+$0x9610];
	v28 =	vmul.f32 v21, v20;
	v8 =	vadd.f32 v25, v8  }
0x15b: {  	v29 =	vld [tilespmem:s17+$0x5610]  }
0x15c: {  	v33 =	vld [tilespmem:s17+$0x9810];
	v31 =	vmul.f32 v24, v23;
	v8 =	vadd.f32 v28, v8  }
0x15d: {  	v32 =	vld [tilespmem:s17+$0x5810]  }
0x15e: {  	v36 =	vld [tilespmem:s17+$0x9A10];
	v34 =	vmul.f32 v27, v26;
	v8 =	vadd.f32 v31, v8  }
0x15f: {  	v35 =	vld [tilespmem:s17+$0x5A10]  }
0x160: {  	v39 =	vld [tilespmem:s17+$0x9C10];
	v37 =	vmul.f32 v30, v29;
	v8 =	vadd.f32 v34, v8  }
0x161: {  	v38 =	vld [tilespmem:s17+$0x5C10]  }
0x162: {  	v42 =	vld [tilespmem:s17+$0x9E10];
	v40 =	vmul.f32 v33, v32;
	v8 =	vadd.f32 v37, v8  }
0x163: {  	v41 =	vld [tilespmem:s17+$0x5E10]  }
0x164: {  	v45 =	vld [tilespmem:s17+$0xA010];
	v43 =	vmul.f32 v36, v35;
	v8 =	vadd.f32 v40, v8  }
0x165: {  	v3 =	vadd.f32 v3, v6;
	v5 =	vadd.f32 v5, v7;
	v44 =	vld [tilespmem:s17+$0x6010]  }
0x166: {  	v48 =	vld [tilespmem:s17+$0x6210];
	v47 =	vmul.f32 v39, v38;
	v46 =	vadd.f32 v43, v8  }
0x167: {  	v3 =	vadd.f32 v5, v3;
	v49 =	vld [tilespmem:s17+$0xA210]  }
0x168: {  	v51 =	vld [tilespmem:s17+$0x6410];
	v50 =	vmul.f32 v42, v41;
	v7 =	vadd.f32 v47, v46  }
0x169: {  	v3 =	vsub.f32 $0.0e+00, v3;
	v52 =	vld [tilespmem:s17+$0xA410]  }
0x16a: {  	v54 =	vld [tilespmem:s17+$0x410];
	v6 =	vmul.f32 v45, v44;
	v7 =	vadd.f32 v50, v7  }
0x16b: {  	v3 =	vmul.f32 $1.442695020e+00, v3;
	v53 =	vld [tilespmem:s17+$0xA610]  }
0x16c: {  	v5 =	vmul.f32 v49, v48;
	v6 =	vadd.f32 v6, v7  }
0x16d: {  	v55 =	vld [tilespmem:s17+$0x610];
	(erf) = vpow2.f32 v3  }
0x16e: {  	v56 =	vmul.f32 v52, v51;
	v5 =	vadd.f32 v5, v6;
	_ =	sdelay $0x1  }
0x16f: {  	v0 =	vadd.f32 v54, v0;
	v4 =	vmul.f32 v53, v4;
	v5 =	vadd.f32 v56, v5;
	_ =	sdelay $0x1  }
0x170: {  	v0 =	vadd.f32 v55, v0;
	v4 =	vadd.f32 v4, v5;
	_ =	sdelay $0x1  }
0x171: {  	v0 =	vadd.f32 v0, v4;
	_ =	sdelay $0x1  }
0x172: {  	v57 =	vpop (erf);
	v0 =	vsub.f32 $0.0e+00, v0  }
0x173: {  	v3 =	vadd.f32 $1.000000000e+00, v57  }
0x174: {  	v0 =	vmul.f32 $1.442695020e+00, v0  }
0x175: {  	(erf) = vrcp.f32 v3  }
0x176: {  	(erf) = vpow2.f32 v0;
	_ =	sdelay $0x7  }
0x177: {  	v58 =	vpop (erf)  }
0x178: {  	v59 =	vpop (erf)  }
0x179: {  	v3 =	vadd.f32 $1.000000000e+00, v59;
	_ =	sdelay $0x1  }
0x17a: {  	(erf) = vrcp.f32 v3;
	_ =	sdelay $0x6  }
0x17b: {  	v60 =	vld [tilespmem:s17+$0x200]  }
0x17c: {  	v0 =	vmul.f32 $5.000000000e+00, v58  }
0x17d: {  	v61 =	vpop (erf)  }
0x17e: {  	v0 =	vsub.f32 v0, v2;
	v62 =	vmul.f32 $5.000000000e+00, v61;
	_ =	sdelay $0x1  }
0x17f: {  	v0 =	vmul.f32 v0, v0;
	v2 =	vsub.f32 v62, v60;
	_ =	sdelay $0x1  }
0x180: {  	v0 =	vadd.f32 v0, v1;
	v63 =	vmul.f32 v2, v2;
	_ =	sdelay $0x1  }
0x181: {  	s16 =	sadd.s32 $0x1, s16;
	v0 =	vadd.f32 v63, v0  }
0x182: {  	p0 =	sne.s32 s16, s12  }
.Ltmp2:
0x183: {  	[tilespmem:$0xA810] =	vst v0;
	(pc) =	sbr.rel @p0 .LBB2_1-.Ltmp2, $4  }
0x184: {  	[hbm4b:s11+s3] =	stream.linear.scatter [tilespmem:s15], [sflag:$0x2], $0x10, $0x38;
	[tilespmem:$0xA820] =	vst v63  }
0x185: {  	_ =	swait.ge [sflag:s13], $0x10  }
0x186: {  	[sflag:s13] =	ssyncset.done $0x0  }
0x187: {  	[sflag:s13] =	ssyncadd.s32 $0xFFFFFFF0  }
0x188: {  	_ =	sfence.sel $0x180000  }
0x189: {  	[bflag:$0x0] =	sbarrier.arrive $0xFFFF  }
0x18a: {  	_ =	strace $0x9000004D  }
0x18b: {  	s0 =	stileid.u32;
	[bflag:$0x2] =	sbarrier.arrive $0xFFFF  }
0x18c: {  	p0 =	sne.s32 s0, $0x0;
	s0 =	rddreg [dreg:$0x4]  }
0x18d: {  	s0 =	sadd.s32 @!p0 $0x100000, s0  }
0x18e: {  	[sflag:s0] =	ssyncadd.tile.s32 @!p0 $0x1;
	_ =	shalt  }
.Lfunc_end2:
_tile_overlayer_lowered:
.L_overlay_start_2:
0x18f: {  	(tag) =	ssettag $0x2  }
0x190: {  	s0 =	rddreg [dreg:$0x0];
	s2 =	stileid.u32  }
0x191: {  	s1 =	rddreg [dreg:$0x1];
	p0 =	sne.s32 s2, $0x0  }
0x192: {  	s3 =	rddreg [dreg:$0x2];
	[bflag:$0x3] =	sbarrier.arrive $0xFFFF;
	s2 =	simm.s32 @!p0 $0x1C02  }
0x193: {  	[timem:s3], [sflag:s2] =	dma.local @!p0 [hbm:s0], s1  }
0x194: {  	s0 =	simm.s32 @!p0 $0x2  }
0x195: {  	_ =	swait.ge @!p0 [sflag:s0], s1  }
0x196: {  	s1 =	ssub.s32 @!p0 $0x0, s1;
	[sflag:s0] =	ssyncset.done @!p0 $0x0  }
0x197: {  	[sflag:s0] =	ssyncadd.s32 @!p0 s1  }
0x198: {  	[bflag:$0x3] =	sbarrier.arrive $0xFFFF  }
0x199: {  	_ =	shalt  }

// kernel: kernel.5.cloned.1.call-start
scs
__scs_entry_jumppad:
0x0: {  	(pc) =	sbr.rel $0x88, $3  }
0x1: {  	(tag) =	ssettag $0x0;
	lr =	simm.s32 $0x1  }
0x2: {  	[smem:$0x3F99] =	sst lr;
	_ =	strace $0xD0000000  }
0x3: {  	_ = 	snop  }
0x4: {  	_ = 	snop  }
0x5: {  	_ = 	snop  }
0x6: {  	_ = 	snop  }
0x7: {  	_ = 	snop  }
__scs_overlays_trampoline_lowered:
0x8: {  	[smem:$0x3FA8] =	sst s0  }
0x9: {  	[smem:$0x3FA9] =	sst s1  }
0xa: {  	[smem:$0x3FAA] =	sst s2  }
0xb: {  	[smem:$0x3FAB] =	sst s3  }
0xc: {  	[smem:$0x3FAC] =	sst s4  }
0xd: {  	[smem:$0x3FAD] =	sst s5  }
0xe: {  	[smem:$0x3FAE] =	sst s6  }
0xf: {  	[smem:$0x3FAF] =	sst s7  }
0x10: {  	[smem:$0x3FB0] =	sst s8  }
0x11: {  	[smem:$0x3FB1] =	sst s9;
	s0 =	simm.s32 @!p0 $0x0  }
0x12: {  	s1 =	sld [smem:$0x3F97];
	s0 =	simm.s32 @p0 $0x1  }
0x13: {  	[smem:$0x3FB2] =	sst s0;
	s0 =	simm.s32 @!p1 $0x0  }
0x14: {  	s2 =	sld [smem:$0x3F96];
	s0 =	simm.s32 @p1 $0x1  }
0x15: {  	[smem:$0x3FB3] =	sst s0;
	s0 =	simm.s32 @!p2 $0x0  }
0x16: {  	s3 =	sld [smem:$0x3FDB];
	s0 =	simm.s32 @p2 $0x1  }
0x17: {  	s4 =	simm.s32 $0x1BF5;
	[smem:$0x3FB5] =	sst s0  }
0x18: {  	s0 =	sld [smem:$0x3F98];
	_ =	swait.ge [sflag:s4], $0x0  }
0x19: {  	s7 =	sld [smem:$0x3F99]  }
0x1a: {  	s8 =	sadd.s32 $0xFFFFE003, lr  }
0x1b: {  	s9 =	sadd.s32 $0xFFFFFEF7, lr;
	s5 =	simm.s32 $0xFFFFFFFF;
	p2 =	slt.u32 s8, $0xFFFFF086  }
0x1c: {  	p1 =	slt.u32 s9, $0xF7A;
	s5 =	simm.s32 @!p2 $0x0  }
0x1d: {  	s5 =	simm.s32 @p1 $0x1;
	p0 =	seq.s32 s7, s2  }
0x1e: {  	s7 =	smul.u32 @!p0 $0xF7A, s2;
	p2 =	seq.s32 @!p0 s5, $0x0  }
0x1f: {  	s9 =	smul.u32 $0xF7A, s1;
	s8 =	simm.s32 @!p0 $0x1BF5;
	p2 =	por !p2, p0  }
0x20: {  	[sflag:s8] =	ssyncset.s32 @!p0 $0xFFFFF086;
	s6 =	sadd.s32 @!p0 s3, s7;
	s7 =	simm.s32 @!p0 $0x108  }
0x21: {  	s3 =	sadd.s32 s3, s9;
	s6 =	sadd.s32 @!p0 $0x88, s6;
	s7 =	simm.s32 @p2 $0x1082  }
0x22: {  	[simem:s7], [sflag:s8] =	dma.local @!p0 [hbm:s6], $0xF7A  }
0x23: {  	s9 =	sor.u32 $0xD0000000, s2;
	s6 =	simm.s32 $0x108;
	_ =	swait.ge @!p0 [sflag:s8], $0x0  }
0x24: {  	s3 =	sadd.s32 $0x88, s3;
	s6 =	simm.s32 @!p1 $0x1082;
	[sflag:s4] =	ssyncset.s32 $0xFFFFF086  }
0x25: {  	[simem:s6], [sflag:s4] =	dma.local [hbm:s3], $0xF7A  }
0x26: {  	[smem:$0x3F99] =	sst s1;
	(tag) =	ssettag s2;
	_ =	strace s9  }
0x27: {  	s1 =	sld [smem:$0x3FA9]  }
0x28: {  	s2 =	sld [smem:$0x3FAA]  }
0x29: {  	s4 =	sld [smem:$0x3FAC]  }
0x2a: {  	p0 =	seq.s32 s5, $0x0;
	s5 =	sld [smem:$0x3FAD]  }
0x2b: {  	s6 =	sld [smem:$0x3FAE]  }
0x2c: {  	s7 =	sld [smem:$0x3FAF]  }
0x2d: {  	s3 =	simm.s32 $0x108;
	s8 =	sld [smem:$0x3FB0]  }
0x2e: {  	s3 =	simm.s32 @!p0 $0x1082;
	s9 =	sld [smem:$0x3FB1]  }
0x2f: {  	lr =	sadd.s32 s0, s3;
	s0 =	sld [smem:$0x3FA8]  }
0x30: {  	s3 =	sld [smem:$0x3FAB]  }
0x31: {  	[smem:$0x3FB4] =	sst s10  }
0x32: {  	s10 =	sld [smem:$0x3FB2];
	_ =	sdelay $0x3  }
0x33: {  	p0 =	seq.s32 s10, $0x1;
	s10 =	sld [smem:$0x3FB4];
	_ =	sdelay $0x3  }
0x34: {  	[smem:$0x3FB4] =	sst s10  }
0x35: {  	s10 =	sld [smem:$0x3FB3];
	_ =	sdelay $0x3  }
0x36: {  	p1 =	seq.s32 s10, $0x1;
	s10 =	sld [smem:$0x3FB4];
	_ =	sdelay $0x3  }
0x37: {  	[smem:$0x3FB4] =	sst s10  }
0x38: {  	s10 =	sld [smem:$0x3FB5]  }
0x39: {  	_ = 	snop;
	(pc) =	sbr.ind lr, $3  }
0x3a: {  	_ = 	snop  }
0x3b: {  	_ = 	snop  }
0x3c: {  	p2 =	seq.s32 s10, $0x1;
	s10 =	sld [smem:$0x3FB4]  }
0x3d: {  	_ =	shalt  }
0x3e: {  	_ =	shalt  }
0x3f: {  	_ =	shalt  }
0x40: {  	_ =	shalt  }
0x41: {  	_ =	shalt  }
0x42: {  	_ =	shalt  }
0x43: {  	_ =	shalt  }
0x44: {  	_ =	shalt  }
0x45: {  	_ =	shalt  }
0x46: {  	_ =	shalt  }
0x47: {  	_ =	shalt  }
0x48: {  	_ =	shalt  }
0x49: {  	_ =	shalt  }
0x4a: {  	_ =	shalt  }
0x4b: {  	_ =	shalt  }
0x4c: {  	_ =	shalt  }
0x4d: {  	_ =	shalt  }
0x4e: {  	_ =	shalt  }
0x4f: {  	_ =	shalt  }
0x50: {  	_ =	shalt  }
0x51: {  	_ =	shalt  }
0x52: {  	_ =	shalt  }
0x53: {  	_ =	shalt  }
0x54: {  	_ =	shalt  }
0x55: {  	_ =	shalt  }
0x56: {  	_ =	shalt  }
0x57: {  	_ =	shalt  }
0x58: {  	_ =	shalt  }
0x59: {  	_ =	shalt  }
0x5a: {  	_ =	shalt  }
0x5b: {  	_ =	shalt  }
0x5c: {  	_ =	shalt  }
0x5d: {  	_ =	shalt  }
0x5e: {  	_ =	shalt  }
0x5f: {  	_ =	shalt  }
0x60: {  	_ =	shalt  }
0x61: {  	_ =	shalt  }
0x62: {  	_ =	shalt  }
0x63: {  	_ =	shalt  }
0x64: {  	_ =	shalt  }
0x65: {  	_ =	shalt  }
0x66: {  	_ =	shalt  }
0x67: {  	_ =	shalt  }
0x68: {  	_ =	shalt  }
0x69: {  	_ =	shalt  }
0x6a: {  	_ =	shalt  }
0x6b: {  	_ =	shalt  }
0x6c: {  	_ =	shalt  }
0x6d: {  	_ =	shalt  }
0x6e: {  	_ =	shalt  }
0x6f: {  	_ =	shalt  }
0x70: {  	_ =	shalt  }
0x71: {  	_ =	shalt  }
0x72: {  	_ =	shalt  }
0x73: {  	_ =	shalt  }
0x74: {  	_ =	shalt  }
0x75: {  	_ =	shalt  }
0x76: {  	_ =	shalt  }
0x77: {  	_ =	shalt  }
0x78: {  	_ =	shalt  }
0x79: {  	_ =	shalt  }
0x7a: {  	_ =	shalt  }
0x7b: {  	_ =	shalt  }
0x7c: {  	_ =	shalt  }
0x7d: {  	_ =	shalt  }
0x7e: {  	_ =	shalt  }
0x7f: {  	_ =	shalt  }
0x80: {  	_ =	shalt  }
0x81: {  	_ =	shalt  }
0x82: {  	_ =	shalt  }
0x83: {  	_ =	shalt  }
0x84: {  	_ =	shalt  }
0x85: {  	_ =	shalt  }
0x86: {  	_ =	shalt  }
0x87: {  	_ =	shalt  }
.Lfunc_end0:
.L_simem_size_0:
called_computation_lowered:
.L_overlay_start_0:
0x88: {  	s2 =	sld [smem:$0x3FD9]  }
0x89: {  	s3 =	sld [smem:$0x3FFE];
	_ =	sdelay $0x1  }
0x8a: {  	s1 =	srdreg.scid  }
0x8b: {  	s0 =	sand.u32 $0x1, s1  }
0x8c: {  	s17 =	sshll.u32 s0, $0xA;
	s2 =	sadd.s32 s3, s2  }
0x8d: {  	s2 =	sadd.s32 s2, s17  }
0x8e: {  	[smem:$0x3FC0] =	sst s2  }
0x8f: {  	_ = 	snop  }
0x90: {  	s2 =	sld [smem:$0x3FC9]  }
0x91: {  	s18 =	sld [smem:$0x3FC8]  }
0x92: {  	s4 =	sld [smem:$0x3FC5]  }
0x93: {  	s5 =	sld [smem:$0x3FC4];
	(tm) =	ssettm $0x1  }
0x94: {  	s6 =	sld [smem:$0x3FFB];
	_ =	sdelay $0x3  }
0x95: {  	_ =	strace s6  }
0x96: {  	s6 =	sld [smem:$0x3FFC];
	_ =	sdelay $0x3  }
0x97: {  	_ =	strace s6  }
0x98: {  	s6 =	sld [smem:$0x3FFD];
	_ =	sdelay $0x3  }
0x99: {  	_ =	strace s6  }
0x9a: {  	_ =	strace $0x8FFFFFFF  }
0x9b: {  	s19 =	sld [smem:$0x3FDB];
	_ =	sdelay $0x1  }
0x9c: {  	s7 =	simm.s32 $_scs_section_size  }
0x9d: {  	s8 =	simm.s32 $_size__tile_overlayer_lowered;
	s9 =	simm.s32 $_tile_overlayer_lowered  }
0x9e: {  	s22 =	simm.s32 $0x1BFF;
	s21 =	sshll.u32 s9, $0x1;
	s6 =	sadd.s32 s7, s19  }
0x9f: {  	s10 =	simm.s32 $0x0;
	s20 =	sshll.u32 s8, $0x1;
	s8 =	sadd.s32 s21, s6  }
0xa0: {  	[timem:s10], [sflag:s22] =	dma.local [hbm:s8], s20  }
0xa1: {  	_ =	swait.ge [sflag:s22], s20  }
0xa2: {  	s7 =	ssub.s32 $0x0, s20;
	[sflag:s22] =	ssyncset.done $0x0  }
0xa3: {  	[sflag:s22] =	ssyncadd.s32 s7;
	_ =	sdelay $0x1  }
0xa4: {  	s23 =	simm.s32 $0x1B8B  }
0xa5: {  	_ =	swait.ge [sflag:s23], $0x1  }
0xa6: {  	[sflag:s23] =	ssyncset.done $0x0  }
0xa7: {  	s25 =	simm.s32 $0x1B8E;
	s24 =	sld [smem:$0x3FFE];
	[sflag:s23] =	ssyncadd.s32 $0xFFFFFFFF  }
0xa8: {  	s26 =	simm.s32 $execute0_lowered;
	[smem:$0x3FD2] =	sst s25  }
0xa9: {  	s8 =	sshll.u32 s26, $0x1;
	_ =	strace $0x80000046;
	[dreg:$0x1] =	wrdreg $0xFFFFFFFF  }
0xaa: {  	s28 =	simm.s32 $_size_execute0_lowered;
	s6 =	sadd.s32 s6, s8;
	[dreg:$0x0] =	wrdreg $0x0  }
0xab: {  	s8 =	sshll.u32 s28, $0x1;
	[dreg:$0x2] =	wrdreg s6  }
0xac: {  	[dreg:$0x3] =	wrdreg s8  }
0xad: {  	[dreg:$0x4] =	wrdreg $0xC0  }
0xae: {  	_ =	task [dreg:s10], $0x5FFFF  }
0xaf: {  	[dreg:$0x1] =	wrdreg $0xFFFFFFFF  }
0xb0: {  	[dreg:$0x0] =	wrdreg $0x60  }
0xb1: {  	[dreg:$0x2] =	wrdreg s2  }
0xb2: {  	[dreg:$0x3] =	wrdreg s18  }
0xb3: {  	[dreg:$0x4] =	wrdreg s4  }
0xb4: {  	[dreg:$0x5] =	wrdreg s5  }
0xb5: {  	[dreg:$0x6] =	wrdreg s24  }
0xb6: {  	[dreg:$0x7] =	wrdreg $0x9  }
0xb7: {  	_ =	task.clear_ibuf [dreg:s10], $0x8FFFF;
	_ =	strace $0x90000046  }
0xb8: {  	s29 =	simm.s32 $0x9;
	_ =	strace $0x80000048  }
0xb9: {  	_ =	swait.ge [sflag:s29], $0x1  }
0xba: {  	[sflag:s29] =	ssyncadd.s32 $0xFFFFFFFF  }
0xbb: {  	_ =	strace $0x90000048  }
0xbc: {  	_ =	sfence  }
0xbd: {  	s30 =	sld [smem:$0x0];
	_ =	sdelay $0x2  }
0xbe: {  	s31 =	sshll.u32 s1, $0xD;
	s1 =	sshrl.u32 s1, $0x2  }
0xbf: {  	s3 =	sand.u32 $0x4000, s31;
	s1 =	sadd.s32 s1, s30  }
0xc0: {  	s0 =	sor.u32 s3, s0;
	s1 =	sshll.u32 s1, $0x11  }
0xc1: {  	s0 =	sor.u32 s1, s0  }
0xc2: {  	s0 =	sadd.s32 $0x8F2B, s0  }
0xc3: {  	[sflag:s0] =	ssyncadd.remote.s32 $0x1  }
0xc4: {  	_ =	sfence.sel $0xFFFF  }
0xc5: {  	[dreg:$0x0] =	wrdreg $0xFFFFFFFF;
	(pc) =	sbr.abs _section_cstart, $3  }
0xc6: {  	[dreg:$0x1] =	wrdreg $0xFFFFFFFF  }
0xc7: {  	_ =	task.clear_ibuf [dreg:s10], $0x2FFFF;
	_ =	strace $0x9FFFFFFF  }
0xc8: {  	(tm) =	ssettm $0x7FFFFFFF  }
0xc9: {  	_ =	shalt  }
tec
execute0_lowered:
.L_overlay_start_1:
0x0: {  	(tag) =	ssettag $0x1  }
0x1: {  	s6 =	rddreg [dreg:$0x0]  }
0x2: {  	s7 =	rddreg [dreg:$0x1]  }
0x3: {  	s1 =	rddreg [dreg:$0x2]  }
0x4: {  	s2 =	rddreg [dreg:$0x3]  }
0x5: {  	s8 =	rddreg [dreg:$0x4]  }
0x6: {  	s0 =	rddreg [dreg:$0x5]  }
0x7: {  	s4 =	simm.s32 $0x0;
	s5 =	srdreg.scid;
	s3 =	stileid.u32  }
0x8: {  	s14 =	simm.s32 $0x400;
	s15 =	simm.s32 $0x600;
	s16 =	simm.s32 $0x2  }
0x9: {  	s17 =	simm.s32 $0x1;
	s18 =	simm.s32 $0x4800;
	s19 =	simm.s32 $0x0  }
0xa: {  	[smem:$0x7FF] =	sst s4;
	s9 =	sand.u32 $0x1, s5;
	s10 =	sshll.u32 s3, $0x1  }
0xb: {  	s5 =	sadd.s32 $0xE00, s8;
	_ =	strace $0x80000047;
	s10 =	sor.u32 s9, s10  }
0xc: {  	s9 =	ssub.s32 $0x2, s9;
	s11 =	sshll.u32 s10, $0x6;
	s10 =	sshll.u32 s10, $0xB  }
0xd: {  	s31 =	sshrl.u32 s9, $0x1;
	s12 =	sadd.s32 s11, s8;
	s10 =	sadd.s32 s10, s8  }
0xe: {  	s13 =	ssub.s32 s9, s31;
	s6 =	sadd.s32 s6, s11;
	s7 =	sadd.s32 s7, s11  }
0xf: {  	s8 =	sadd.s32 $0x62A00, s12;
	s9 =	sadd.s32 $0x63200, s12;
	s10 =	sadd.s32 $0x63A00, s10  }
0x10: {  	s11 =	smax.u32 s13, $0x1;
	s12 =	simm.s32 $0x3;
	s13 =	simm.s32 $0x200  }
.LBB2_1:
0x11: {  	[tilespmem:s4], [sflag:$0x3] =	stream.linear.gather [hbm4b:s6+s4], $0x200, $0x38;
	[tilespmem:$0x8800] =	vst v63  }
0x12: {  	_ =	swait.ge [sflag:s12], $0x200  }
0x13: {  	[sflag:s12] =	ssyncset.done $0x0  }
0x14: {  	[sflag:s12] =	ssyncadd.s32 $0xFFFFFE00  }
0x15: {  	[tilespmem:s13], [sflag:$0x3] =	stream.linear.gather [hbm4b:s7+s4], $0x200, $0x38;
	[tilespmem:$0x8800] =	vst v63  }
0x16: {  	_ =	swait.ge [sflag:s12], $0x200  }
0x17: {  	[sflag:s12] =	ssyncset.done $0x0  }
0x18: {  	[sflag:s12] =	ssyncadd.s32 $0xFFFFFE00  }
0x19: {  	[tilespmem:s14], [sflag:$0x1] =	stream.indirect.gather [hbm4b:s1+s13], $0x1, s4, s13, $0xb8;
	[tilespmem:$0x8800] =	vst v63  }
0x1a: {  	s20 =	simm.s32 $0x0  }
0x1b: {  	[tilespmem:s15], [sflag:$0x1] =	stream.indirect.gather [hbm4b:s2+s13], $0x1, s13, s13, $0xb8;
	[tilespmem:$0x8800] =	vst v63  }
0x1c: {  	v0 =	vld [tilespmem:s20+$0x200];
	_ =	sdelay $0x4  }
0x1d: {  	v1 =	vshll.u32 v0, $0x3  }
0x1e: {  	v0 =	vand.u32 $0x7F, v0;
	v1 =	vand.u32 $0xFFFFFC00, v1  }
0x1f: {  	v7 =	vor.u32 v0, v1  }
0x20: {  	[tilespmem:s20+$0x800] =	vst v7;
	v0 =	vadd.s32 $0x24AB80, v7  }
0x21: {  	v1 =	vadd.s32 $0x24AB00, v7;
	[tilespmem:s20+$0x4600] =	vst v0  }
0x22: {  	v2 =	vor.u32 $0x80, v7;
	[tilespmem:s20+$0x4400] =	vst v1  }
0x23: {  	v3 =	vor.u32 $0x100, v7;
	[tilespmem:s20+$0xA00] =	vst v2  }
0x24: {  	v6 =	vor.u32 $0x180, v7;
	[tilespmem:s20+$0xC00] =	vst v3  }
0x25: {  	v9 =	vor.u32 $0x200, v7;
	[tilespmem:s20+$0xE00] =	vst v6  }
0x26: {  	v0 =	vadd.s32 $0x24AA80, v7;
	[tilespmem:s20+$0x1000] =	vst v9  }
0x27: {  	v1 =	vadd.s32 $0x24AA00, v7;
	[tilespmem:s20+$0x4200] =	vst v0  }
0x28: {  	v0 =	vadd.s32 $0x24A980, v7;
	[tilespmem:s20+$0x4000] =	vst v1  }
0x29: {  	v1 =	vadd.s32 $0x24A900, v7;
	[tilespmem:s20+$0x3E00] =	vst v0  }
0x2a: {  	v0 =	vadd.s32 $0x24A880, v7;
	[tilespmem:s20+$0x3C00] =	vst v1  }
0x2b: {  	v1 =	vadd.s32 $0x187380, v7;
	[tilespmem:s20+$0x3A00] =	vst v0  }
0x2c: {  	v0 =	vadd.s32 $0x187300, v7;
	[tilespmem:s20+$0x3600] =	vst v1  }
0x2d: {  	v1 =	vadd.s32 $0x187280, v7;
	[tilespmem:s20+$0x3400] =	vst v0  }
0x2e: {  	v0 =	vadd.s32 $0x187200, v7;
	[tilespmem:s20+$0x3200] =	vst v1  }
0x2f: {  	v1 =	vadd.s32 $0x187180, v7;
	[tilespmem:s20+$0x3000] =	vst v0  }
0x30: {  	v0 =	vadd.s32 $0x187100, v7;
	[tilespmem:s20+$0x2E00] =	vst v1  }
0x31: {  	v1 =	vadd.s32 $0x187080, v7;
	[tilespmem:s20+$0x2C00] =	vst v0  }
0x32: {  	v0 =	vadd.s32 $0x187000, v7;
	[tilespmem:s20+$0x2A00] =	vst v1  }
0x33: {  	v4 =	vadd.s32 $0xC3800, v7;
	v5 =	vadd.s32 $0xC3880, v7;
	v1 =	vadd.s32 $0xC3B80, v7;
	[tilespmem:s20+$0x2800] =	vst v0  }
0x34: {  	v8 =	vadd.s32 $0xC3980, v7;
	v2 =	vor.u32 $0x300, v7;
	v0 =	vadd.s32 $0xC3B00, v7;
	[tilespmem:s20+$0x2600] =	vst v1  }
0x35: {  	v3 =	vor.u32 $0x380, v7;
	v6 =	vadd.s32 $0xC3900, v7;
	v1 =	vadd.s32 $0xC3A80, v7;
	[tilespmem:s20+$0x2400] =	vst v0  }
0x36: {  	s21 =	simm.s32 $0x40;
	[tilespmem:s20+$0x2200] =	vst v1;
	v0 =	vadd.s32 $0x24A800, v7;
	v1 =	vor.u32 $0x280, v7;
	v7 =	vadd.s32 $0xC3A00, v7  }
.LBB2_2:
0x37: {  	s22 =	sshra.s32 s21, $0x2;
	p0 =	sne.s32 s21, $0x7C0;
	s21 =	sadd.s32 $0x40, s21;
	[tilespmem:s20+$0x1200] =	vst v1  }
0x38: {  	v1 =	vld [tilespmem:s22+$0x200];
	[tilespmem:s20+$0x1400] =	vst v2  }
0x39: {  	[tilespmem:s20+$0x1600] =	vst v3  }
0x3a: {  	[tilespmem:s20+$0x1800] =	vst v4  }
0x3b: {  	[tilespmem:s20+$0x1A00] =	vst v5  }
0x3c: {  	[tilespmem:s20+$0x1C00] =	vst v6  }
0x3d: {  	v2 =	vshll.u32 v1, $0x3;
	[tilespmem:s20+$0x1E00] =	vst v8  }
0x3e: {  	v1 =	vand.u32 $0x7F, v1;
	v2 =	vand.u32 $0xFFFFFC00, v2;
	[tilespmem:s20+$0x2000] =	vst v7  }
0x3f: {  	v7 =	vor.u32 v1, v2;
	[tilespmem:s20+$0x3800] =	vst v0;
	s20 =	smov.u32 s22  }
0x40: {  	[tilespmem:s20+$0x800] =	vst v7;
	v9 =	vor.u32 $0x80, v7;
	v0 =	vadd.s32 $0x24A800, v7;
	v1 =	vadd.s32 $0x24AB80, v7  }
0x41: {  	v10 =	vor.u32 $0x100, v7;
	v11 =	vadd.s32 $0xC3A80, v7;
	v2 =	vadd.s32 $0x24AB00, v7;
	[tilespmem:s20+$0x4600] =	vst v1  }
0x42: {  	v12 =	vor.u32 $0x180, v7;
	v13 =	vadd.s32 $0xC3B00, v7;
	v1 =	vadd.s32 $0x24AA80, v7;
	[tilespmem:s20+$0x4400] =	vst v2  }
0x43: {  	v14 =	vor.u32 $0x200, v7;
	v15 =	vadd.s32 $0xC3B80, v7;
	v2 =	vadd.s32 $0x24AA00, v7;
	[tilespmem:s20+$0x4200] =	vst v1  }
0x44: {  	v16 =	vadd.s32 $0x187000, v7;
	v3 =	vadd.s32 $0x24A980, v7;
	v1 =	vor.u32 $0x280, v7;
	[tilespmem:s20+$0x4000] =	vst v2  }
0x45: {  	v17 =	vadd.s32 $0x187080, v7;
	v4 =	vadd.s32 $0x24A900, v7;
	v2 =	vor.u32 $0x300, v7;
	[tilespmem:s20+$0x3E00] =	vst v3  }
0x46: {  	v18 =	vadd.s32 $0x187100, v7;
	v5 =	vadd.s32 $0x24A880, v7;
	v3 =	vor.u32 $0x380, v7;
	[tilespmem:s20+$0x3C00] =	vst v4  }
0x47: {  	v19 =	vadd.s32 $0x187180, v7;
	v6 =	vadd.s32 $0x187380, v7;
	v4 =	vadd.s32 $0xC3800, v7;
	[tilespmem:s20+$0x3A00] =	vst v5  }
0x48: {  	v20 =	vadd.s32 $0x187200, v7;
	v8 =	vadd.s32 $0x187300, v7;
	v5 =	vadd.s32 $0xC3880, v7;
	[tilespmem:s20+$0x3600] =	vst v6  }
0x49: {  	v21 =	vadd.s32 $0x187280, v7;
	v6 =	vadd.s32 $0xC3900, v7;
	[tilespmem:s20+$0x3400] =	vst v8  }
0x4a: {  	v8 =	vadd.s32 $0xC3980, v7;
	[tilespmem:s20+$0x3200] =	vst v21  }
0x4b: {  	v7 =	vadd.s32 $0xC3A00, v7;
	[tilespmem:s20+$0x3000] =	vst v20  }
0x4c: {  	[tilespmem:s20+$0x2E00] =	vst v19  }
0x4d: {  	[tilespmem:s20+$0x2C00] =	vst v18  }
0x4e: {  	[tilespmem:s20+$0x2A00] =	vst v17  }
0x4f: {  	[tilespmem:s20+$0x2800] =	vst v16  }
0x50: {  	[tilespmem:s20+$0x2600] =	vst v15  }
0x51: {  	[tilespmem:s20+$0x2400] =	vst v13  }
.Ltmp0:
0x52: {  	[tilespmem:s20+$0x2200] =	vst v11;
	(pc) =	sbr.rel @p0 .LBB2_2-.Ltmp0, $4  }
0x53: {  	[tilespmem:s20+$0xA00] =	vst v9  }
0x54: {  	[tilespmem:s20+$0xC00] =	vst v10  }
0x55: {  	[tilespmem:s20+$0xE00] =	vst v12  }
0x56: {  	[tilespmem:s20+$0x1000] =	vst v14  }
0x57: {  	[tilespmem:s20+$0x1200] =	vst v1  }
0x58: {  	[tilespmem:s20+$0x1400] =	vst v2  }
0x59: {  	[tilespmem:s20+$0x1600] =	vst v3  }
0x5a: {  	[tilespmem:s20+$0x1800] =	vst v4  }
0x5b: {  	[tilespmem:s20+$0x1A00] =	vst v5  }
0x5c: {  	[tilespmem:s20+$0x1C00] =	vst v6  }
0x5d: {  	[tilespmem:s20+$0x1E00] =	vst v8  }
0x5e: {  	[tilespmem:s20+$0x2000] =	vst v7  }
0x5f: {  	[tilespmem:s20+$0x3800] =	vst v0;
	s20 =	simm.s32 $0x800;
	s21 =	simm.s32 $0x4800;
	s22 =	simm.s32 $0x800  }
.LBB2_4:
0x60: {  	[tilespmem:s21], [sflag:$0x2] =	stream.indirect.gather [hbm4b:s5+s13], $0x1, s22, s13, $0xb8;
	[tilespmem:$0x8800] =	vst v63  }
0x61: {  	s21 =	smov.u32 s20;
	p0 =	sne.s32 s20, $0xF800  }
.Ltmp1:
0x62: {  	s20 =	sadd.s32 $0x800, s20;
	(pc) =	sbr.rel @p0 .LBB2_4-.Ltmp1, $3  }
0x63: {  	_ =	sdelay $0x1  }
0x64: {  	s22 =	sshra.s32 s21, $0x2  }
0x65: {  	s21 =	sadd.s32 $0x4800, s22;
	s22 =	sadd.s32 $0x800, s22  }
0x66: {  	[tilespmem:s21], [sflag:$0x2] =	stream.indirect.gather [hbm4b:s5+s13], $0x1, s22, s13, $0xb8;
	[tilespmem:$0x8800] =	vst v63  }
0x67: {  	_ =	swait.ge [sflag:s16], $0x200  }
0x68: {  	[sflag:s16] =	ssyncset.done $0x0  }
0x69: {  	[sflag:s16] =	ssyncadd.s32 $0xFFFFFE00  }
0x6a: {  	_ =	swait.ge [sflag:s16], $0x200  }
0x6b: {  	[sflag:s16] =	ssyncset.done $0x0  }
0x6c: {  	[sflag:s16] =	ssyncadd.s32 $0xFFFFFE00  }
0x6d: {  	_ =	swait.ge [sflag:s16], $0x200  }
0x6e: {  	[sflag:s16] =	ssyncset.done $0x0  }
0x6f: {  	[sflag:s16] =	ssyncadd.s32 $0xFFFFFE00  }
0x70: {  	_ =	swait.ge [sflag:s16], $0x200  }
0x71: {  	[sflag:s16] =	ssyncset.done $0x0  }
0x72: {  	[sflag:s16] =	ssyncadd.s32 $0xFFFFFE00  }
0x73: {  	_ =	swait.ge [sflag:s16], $0x200  }
0x74: {  	[sflag:s16] =	ssyncset.done $0x0  }
0x75: {  	[sflag:s16] =	ssyncadd.s32 $0xFFFFFE00  }
0x76: {  	_ =	swait.ge [sflag:s16], $0x200  }
0x77: {  	[sflag:s16] =	ssyncset.done $0x0  }
0x78: {  	[sflag:s16] =	ssyncadd.s32 $0xFFFFFE00  }
0x79: {  	_ =	swait.ge [sflag:s16], $0x200  }
0x7a: {  	[sflag:s16] =	ssyncset.done $0x0  }
0x7b: {  	[sflag:s16] =	ssyncadd.s32 $0xFFFFFE00  }
0x7c: {  	_ =	swait.ge [sflag:s16], $0x200  }
0x7d: {  	[sflag:s16] =	ssyncset.done $0x0  }
0x7e: {  	[sflag:s16] =	ssyncadd.s32 $0xFFFFFE00  }
0x7f: {  	_ =	swait.ge [sflag:s16], $0x200  }
0x80: {  	[sflag:s16] =	ssyncset.done $0x0  }
0x81: {  	[sflag:s16] =	ssyncadd.s32 $0xFFFFFE00  }
0x82: {  	_ =	swait.ge [sflag:s16], $0x200  }
0x83: {  	[sflag:s16] =	ssyncset.done $0x0  }
0x84: {  	[sflag:s16] =	ssyncadd.s32 $0xFFFFFE00  }
0x85: {  	_ =	swait.ge [sflag:s16], $0x200  }
0x86: {  	[sflag:s16] =	ssyncset.done $0x0  }
0x87: {  	[sflag:s16] =	ssyncadd.s32 $0xFFFFFE00  }
0x88: {  	_ =	swait.ge [sflag:s16], $0x200  }
0x89: {  	[sflag:s16] =	ssyncset.done $0x0  }
0x8a: {  	[sflag:s16] =	ssyncadd.s32 $0xFFFFFE00  }
0x8b: {  	_ =	swait.ge [sflag:s16], $0x200  }
0x8c: {  	[sflag:s16] =	ssyncset.done $0x0  }
0x8d: {  	[sflag:s16] =	ssyncadd.s32 $0xFFFFFE00  }
0x8e: {  	_ =	swait.ge [sflag:s16], $0x200  }
0x8f: {  	[sflag:s16] =	ssyncset.done $0x0  }
0x90: {  	[sflag:s16] =	ssyncadd.s32 $0xFFFFFE00  }
0x91: {  	_ =	swait.ge [sflag:s16], $0x200  }
0x92: {  	[sflag:s16] =	ssyncset.done $0x0  }
0x93: {  	[sflag:s16] =	ssyncadd.s32 $0xFFFFFE00  }
0x94: {  	_ =	swait.ge [sflag:s16], $0x200  }
0x95: {  	[sflag:s16] =	ssyncset.done $0x0  }
0x96: {  	[sflag:s16] =	ssyncadd.s32 $0xFFFFFE00  }
0x97: {  	_ =	swait.ge [sflag:s16], $0x200  }
0x98: {  	[sflag:s16] =	ssyncset.done $0x0  }
0x99: {  	[sflag:s16] =	ssyncadd.s32 $0xFFFFFE00  }
0x9a: {  	_ =	swait.ge [sflag:s16], $0x200  }
0x9b: {  	[sflag:s16] =	ssyncset.done $0x0  }
0x9c: {  	[sflag:s16] =	ssyncadd.s32 $0xFFFFFE00  }
0x9d: {  	_ =	swait.ge [sflag:s16], $0x200  }
0x9e: {  	[sflag:s16] =	ssyncset.done $0x0  }
0x9f: {  	[sflag:s16] =	ssyncadd.s32 $0xFFFFFE00  }
0xa0: {  	_ =	swait.ge [sflag:s16], $0x200  }
0xa1: {  	[sflag:s16] =	ssyncset.done $0x0  }
0xa2: {  	[sflag:s16] =	ssyncadd.s32 $0xFFFFFE00  }
0xa3: {  	_ =	swait.ge [sflag:s16], $0x200  }
0xa4: {  	[sflag:s16] =	ssyncset.done $0x0  }
0xa5: {  	[sflag:s16] =	ssyncadd.s32 $0xFFFFFE00  }
0xa6: {  	_ =	swait.ge [sflag:s16], $0x200  }
0xa7: {  	[sflag:s16] =	ssyncset.done $0x0  }
0xa8: {  	[sflag:s16] =	ssyncadd.s32 $0xFFFFFE00  }
0xa9: {  	_ =	swait.ge [sflag:s16], $0x200  }
0xaa: {  	[sflag:s16] =	ssyncset.done $0x0  }
0xab: {  	[sflag:s16] =	ssyncadd.s32 $0xFFFFFE00  }
0xac: {  	_ =	swait.ge [sflag:s16], $0x200  }
0xad: {  	[sflag:s16] =	ssyncset.done $0x0  }
0xae: {  	[sflag:s16] =	ssyncadd.s32 $0xFFFFFE00  }
0xaf: {  	_ =	swait.ge [sflag:s16], $0x200  }
0xb0: {  	[sflag:s16] =	ssyncset.done $0x0  }
0xb1: {  	[sflag:s16] =	ssyncadd.s32 $0xFFFFFE00  }
0xb2: {  	_ =	swait.ge [sflag:s16], $0x200  }
0xb3: {  	[sflag:s16] =	ssyncset.done $0x0  }
0xb4: {  	[sflag:s16] =	ssyncadd.s32 $0xFFFFFE00  }
0xb5: {  	_ =	swait.ge [sflag:s16], $0x200  }
0xb6: {  	[sflag:s16] =	ssyncset.done $0x0  }
0xb7: {  	[sflag:s16] =	ssyncadd.s32 $0xFFFFFE00  }
0xb8: {  	_ =	swait.ge [sflag:s16], $0x200  }
0xb9: {  	[sflag:s16] =	ssyncset.done $0x0  }
0xba: {  	[sflag:s16] =	ssyncadd.s32 $0xFFFFFE00  }
0xbb: {  	_ =	swait.ge [sflag:s16], $0x200  }
0xbc: {  	[sflag:s16] =	ssyncset.done $0x0  }
0xbd: {  	[sflag:s16] =	ssyncadd.s32 $0xFFFFFE00  }
0xbe: {  	_ =	swait.ge [sflag:s16], $0x200  }
0xbf: {  	[sflag:s16] =	ssyncset.done $0x0  }
0xc0: {  	[sflag:s16] =	ssyncadd.s32 $0xFFFFFE00  }
0xc1: {  	_ =	swait.ge [sflag:s16], $0x200  }
0xc2: {  	[sflag:s16] =	ssyncset.done $0x0  }
0xc3: {  	[sflag:s16] =	ssyncadd.s32 $0xFFFFFE00  }
0xc4: {  	_ =	swait.ge [sflag:s16], $0x200  }
0xc5: {  	[sflag:s16] =	ssyncset.done $0x0  }
0xc6: {  	[sflag:s16] =	ssyncadd.s32 $0xFFFFFE00  }
0xc7: {  	_ =	swait.ge [sflag:s17], $0x200  }
0xc8: {  	[sflag:s17] =	ssyncset.done $0x0  }
0xc9: {  	[sflag:s17] =	ssyncadd.s32 $0xFFFFFE00  }
0xca: {  	_ =	swait.ge [sflag:s17], $0x200  }
0xcb: {  	[sflag:s17] =	ssyncset.done $0x0  }
0xcc: {  	[sflag:s17] =	ssyncadd.s32 $0xFFFFFE00  }
0xcd: {  	[hbm4b:s8+s4] =	stream.linear.scatter [tilespmem:s14], [sflag:$0x3], $0x200, $0x38;
	[tilespmem:$0x8800] =	vst v63  }
0xce: {  	_ =	swait.ge [sflag:s12], $0x200  }
0xcf: {  	[sflag:s12] =	ssyncset.done $0x0  }
0xd0: {  	[sflag:s12] =	ssyncadd.s32 $0xFFFFFE00  }
0xd1: {  	[hbm4b:s9+s4] =	stream.linear.scatter [tilespmem:s15], [sflag:$0x3], $0x200, $0x38;
	[tilespmem:$0x8800] =	vst v63  }
0xd2: {  	s19 =	sadd.s32 $0x1, s19;
	_ =	swait.ge [sflag:s12], $0x200  }
0xd3: {  	p0 =	sne.s32 s19, s11;
	[sflag:s12] =	ssyncset.done $0x0  }
.Ltmp2:
0xd4: {  	[sflag:s12] =	ssyncadd.s32 $0xFFFFFE00;
	(pc) =	sbr.rel @p0 .LBB2_1-.Ltmp2, $4  }
0xd5: {  	[hbm4b:s10+s4] =	stream.linear.scatter [tilespmem:s18], [sflag:$0x3], $0x4000, $0x38;
	[tilespmem:$0x8800] =	vst v63  }
0xd6: {  	_ =	swait.ge [sflag:s12], $0x4000  }
0xd7: {  	[sflag:s12] =	ssyncset.done $0x0  }
0xd8: {  	[sflag:s12] =	ssyncadd.s32 $0xFFFFC000  }
0xd9: {  	_ =	sfence.sel $0x180000  }
0xda: {  	[bflag:$0x0] =	sbarrier.arrive $0xFFFF  }
0xdb: {  	p0 =	sne.s32 s3, $0x0;
	_ =	strace $0x90000047  }
0xdc: {  	s0 =	sadd.s32 @!p0 $0x100000, s0;
	[bflag:$0x2] =	sbarrier.arrive $0xFFFF  }
0xdd: {  	[sflag:s0] =	ssyncadd.tile.s32 @!p0 $0x1;
	_ =	shalt  }
.Lfunc_end2:
_tile_overlayer_lowered:
.L_overlay_start_2:
0xde: {  	(tag) =	ssettag $0x2  }
0xdf: {  	s0 =	rddreg [dreg:$0x0];
	s2 =	stileid.u32  }
0xe0: {  	s1 =	rddreg [dreg:$0x1];
	p0 =	sne.s32 s2, $0x0  }
0xe1: {  	s3 =	rddreg [dreg:$0x2];
	[bflag:$0x3] =	sbarrier.arrive $0xFFFF;
	s2 =	simm.s32 @!p0 $0x1C03  }
0xe2: {  	[timem:s3], [sflag:s2] =	dma.local @!p0 [hbm:s0], s1  }
0xe3: {  	s0 =	simm.s32 @!p0 $0x3  }
0xe4: {  	_ =	swait.ge @!p0 [sflag:s0], s1  }
0xe5: {  	s1 =	ssub.s32 @!p0 $0x0, s1;
	[sflag:s0] =	ssyncset.done @!p0 $0x0  }
0xe6: {  	[sflag:s0] =	ssyncadd.s32 @!p0 s1  }
0xe7: {  	[bflag:$0x3] =	sbarrier.arrive $0xFFFF  }
0xe8: {  	_ =	shalt  }

// kernel: kernel.8.cloned.1.call-start
scs
__scs_entry_jumppad:
0x0: {  	(pc) =	sbr.rel $0x88, $3  }
0x1: {  	(tag) =	ssettag $0x0;
	lr =	simm.s32 $0x1  }
0x2: {  	[smem:$0x3F99] =	sst lr;
	_ =	strace $0xD0000000  }
0x3: {  	_ = 	snop  }
0x4: {  	_ = 	snop  }
0x5: {  	_ = 	snop  }
0x6: {  	_ = 	snop  }
0x7: {  	_ = 	snop  }
__scs_overlays_trampoline_lowered:
0x8: {  	[smem:$0x3FA8] =	sst s0  }
0x9: {  	[smem:$0x3FA9] =	sst s1  }
0xa: {  	[smem:$0x3FAA] =	sst s2  }
0xb: {  	[smem:$0x3FAB] =	sst s3  }
0xc: {  	[smem:$0x3FAC] =	sst s4  }
0xd: {  	[smem:$0x3FAD] =	sst s5  }
0xe: {  	[smem:$0x3FAE] =	sst s6  }
0xf: {  	[smem:$0x3FAF] =	sst s7  }
0x10: {  	[smem:$0x3FB0] =	sst s8  }
0x11: {  	[smem:$0x3FB1] =	sst s9;
	s0 =	simm.s32 @!p0 $0x0  }
0x12: {  	s1 =	sld [smem:$0x3F97];
	s0 =	simm.s32 @p0 $0x1  }
0x13: {  	[smem:$0x3FB2] =	sst s0;
	s0 =	simm.s32 @!p1 $0x0  }
0x14: {  	s2 =	sld [smem:$0x3F96];
	s0 =	simm.s32 @p1 $0x1  }
0x15: {  	[smem:$0x3FB3] =	sst s0;
	s0 =	simm.s32 @!p2 $0x0  }
0x16: {  	s3 =	sld [smem:$0x3FDB];
	s0 =	simm.s32 @p2 $0x1  }
0x17: {  	s4 =	simm.s32 $0x1BF5;
	[smem:$0x3FB5] =	sst s0  }
0x18: {  	s0 =	sld [smem:$0x3F98];
	_ =	swait.ge [sflag:s4], $0x0  }
0x19: {  	s7 =	sld [smem:$0x3F99]  }
0x1a: {  	s8 =	sadd.s32 $0xFFFFE003, lr  }
0x1b: {  	s9 =	sadd.s32 $0xFFFFFEF7, lr;
	s5 =	simm.s32 $0xFFFFFFFF;
	p2 =	slt.u32 s8, $0xFFFFF086  }
0x1c: {  	p1 =	slt.u32 s9, $0xF7A;
	s5 =	simm.s32 @!p2 $0x0  }
0x1d: {  	s5 =	simm.s32 @p1 $0x1;
	p0 =	seq.s32 s7, s2  }
0x1e: {  	s7 =	smul.u32 @!p0 $0xF7A, s2;
	p2 =	seq.s32 @!p0 s5, $0x0  }
0x1f: {  	s9 =	smul.u32 $0xF7A, s1;
	s8 =	simm.s32 @!p0 $0x1BF5;
	p2 =	por !p2, p0  }
0x20: {  	[sflag:s8] =	ssyncset.s32 @!p0 $0xFFFFF086;
	s6 =	sadd.s32 @!p0 s3, s7;
	s7 =	simm.s32 @!p0 $0x108  }
0x21: {  	s3 =	sadd.s32 s3, s9;
	s6 =	sadd.s32 @!p0 $0x88, s6;
	s7 =	simm.s32 @p2 $0x1082  }
0x22: {  	[simem:s7], [sflag:s8] =	dma.local @!p0 [hbm:s6], $0xF7A  }
0x23: {  	s9 =	sor.u32 $0xD0000000, s2;
	s6 =	simm.s32 $0x108;
	_ =	swait.ge @!p0 [sflag:s8], $0x0  }
0x24: {  	s3 =	sadd.s32 $0x88, s3;
	s6 =	simm.s32 @!p1 $0x1082;
	[sflag:s4] =	ssyncset.s32 $0xFFFFF086  }
0x25: {  	[simem:s6], [sflag:s4] =	dma.local [hbm:s3], $0xF7A  }
0x26: {  	[smem:$0x3F99] =	sst s1;
	(tag) =	ssettag s2;
	_ =	strace s9  }
0x27: {  	s1 =	sld [smem:$0x3FA9]  }
0x28: {  	s2 =	sld [smem:$0x3FAA]  }
0x29: {  	s4 =	sld [smem:$0x3FAC]  }
0x2a: {  	p0 =	seq.s32 s5, $0x0;
	s5 =	sld [smem:$0x3FAD]  }
0x2b: {  	s6 =	sld [smem:$0x3FAE]  }
0x2c: {  	s7 =	sld [smem:$0x3FAF]  }
0x2d: {  	s3 =	simm.s32 $0x108;
	s8 =	sld [smem:$0x3FB0]  }
0x2e: {  	s3 =	simm.s32 @!p0 $0x1082;
	s9 =	sld [smem:$0x3FB1]  }
0x2f: {  	lr =	sadd.s32 s0, s3;
	s0 =	sld [smem:$0x3FA8]  }
0x30: {  	s3 =	sld [smem:$0x3FAB]  }
0x31: {  	[smem:$0x3FB4] =	sst s10  }
0x32: {  	s10 =	sld [smem:$0x3FB2];
	_ =	sdelay $0x3  }
0x33: {  	p0 =	seq.s32 s10, $0x1;
	s10 =	sld [smem:$0x3FB4];
	_ =	sdelay $0x3  }
0x34: {  	[smem:$0x3FB4] =	sst s10  }
0x35: {  	s10 =	sld [smem:$0x3FB3];
	_ =	sdelay $0x3  }
0x36: {  	p1 =	seq.s32 s10, $0x1;
	s10 =	sld [smem:$0x3FB4];
	_ =	sdelay $0x3  }
0x37: {  	[smem:$0x3FB4] =	sst s10  }
0x38: {  	s10 =	sld [smem:$0x3FB5]  }
0x39: {  	_ = 	snop;
	(pc) =	sbr.ind lr, $3  }
0x3a: {  	_ = 	snop  }
0x3b: {  	_ = 	snop  }
0x3c: {  	p2 =	seq.s32 s10, $0x1;
	s10 =	sld [smem:$0x3FB4]  }
0x3d: {  	_ =	shalt  }
0x3e: {  	_ =	shalt  }
0x3f: {  	_ =	shalt  }
0x40: {  	_ =	shalt  }
0x41: {  	_ =	shalt  }
0x42: {  	_ =	shalt  }
0x43: {  	_ =	shalt  }
0x44: {  	_ =	shalt  }
0x45: {  	_ =	shalt  }
0x46: {  	_ =	shalt  }
0x47: {  	_ =	shalt  }
0x48: {  	_ =	shalt  }
0x49: {  	_ =	shalt  }
0x4a: {  	_ =	shalt  }
0x4b: {  	_ =	shalt  }
0x4c: {  	_ =	shalt  }
0x4d: {  	_ =	shalt  }
0x4e: {  	_ =	shalt  }
0x4f: {  	_ =	shalt  }
0x50: {  	_ =	shalt  }
0x51: {  	_ =	shalt  }
0x52: {  	_ =	shalt  }
0x53: {  	_ =	shalt  }
0x54: {  	_ =	shalt  }
0x55: {  	_ =	shalt  }
0x56: {  	_ =	shalt  }
0x57: {  	_ =	shalt  }
0x58: {  	_ =	shalt  }
0x59: {  	_ =	shalt  }
0x5a: {  	_ =	shalt  }
0x5b: {  	_ =	shalt  }
0x5c: {  	_ =	shalt  }
0x5d: {  	_ =	shalt  }
0x5e: {  	_ =	shalt  }
0x5f: {  	_ =	shalt  }
0x60: {  	_ =	shalt  }
0x61: {  	_ =	shalt  }
0x62: {  	_ =	shalt  }
0x63: {  	_ =	shalt  }
0x64: {  	_ =	shalt  }
0x65: {  	_ =	shalt  }
0x66: {  	_ =	shalt  }
0x67: {  	_ =	shalt  }
0x68: {  	_ =	shalt  }
0x69: {  	_ =	shalt  }
0x6a: {  	_ =	shalt  }
0x6b: {  	_ =	shalt  }
0x6c: {  	_ =	shalt  }
0x6d: {  	_ =	shalt  }
0x6e: {  	_ =	shalt  }
0x6f: {  	_ =	shalt  }
0x70: {  	_ =	shalt  }
0x71: {  	_ =	shalt  }
0x72: {  	_ =	shalt  }
0x73: {  	_ =	shalt  }
0x74: {  	_ =	shalt  }
0x75: {  	_ =	shalt  }
0x76: {  	_ =	shalt  }
0x77: {  	_ =	shalt  }
0x78: {  	_ =	shalt  }
0x79: {  	_ =	shalt  }
0x7a: {  	_ =	shalt  }
0x7b: {  	_ =	shalt  }
0x7c: {  	_ =	shalt  }
0x7d: {  	_ =	shalt  }
0x7e: {  	_ =	shalt  }
0x7f: {  	_ =	shalt  }
0x80: {  	_ =	shalt  }
0x81: {  	_ =	shalt  }
0x82: {  	_ =	shalt  }
0x83: {  	_ =	shalt  }
0x84: {  	_ =	shalt  }
0x85: {  	_ =	shalt  }
0x86: {  	_ =	shalt  }
0x87: {  	_ =	shalt  }
.Lfunc_end0:
.L_simem_size_0:
called_computation.1_lowered:
.L_overlay_start_0:
0x88: {  	s2 =	sld [smem:$0x3FD9]  }
0x89: {  	s3 =	sld [smem:$0x3FFE];
	_ =	sdelay $0x1  }
0x8a: {  	s1 =	srdreg.scid  }
0x8b: {  	s0 =	sand.u32 $0x1, s1  }
0x8c: {  	s17 =	sshll.u32 s0, $0xA;
	s2 =	sadd.s32 s3, s2  }
0x8d: {  	s2 =	sadd.s32 s2, s17  }
0x8e: {  	[smem:$0x3FC0] =	sst s2  }
0x8f: {  	_ = 	snop  }
0x90: {  	s18 =	sld [smem:$0x3FC9];
	(tm) =	ssettm $0x1  }
0x91: {  	s19 =	sld [smem:$0x3FFB];
	_ =	sdelay $0x3  }
0x92: {  	_ =	strace s19  }
0x93: {  	s2 =	sld [smem:$0x3FFC];
	_ =	sdelay $0x3  }
0x94: {  	_ =	strace s2  }
0x95: {  	s2 =	sld [smem:$0x3FFD];
	_ =	sdelay $0x3  }
0x96: {  	_ =	strace s2  }
0x97: {  	_ =	strace $0x8FFFFFFF  }
0x98: {  	s20 =	sld [smem:$0x3FDB];
	_ =	sdelay $0x1  }
0x99: {  	s4 =	simm.s32 $_scs_section_size  }
0x9a: {  	s5 =	simm.s32 $_size__tile_overlayer_lowered;
	s6 =	simm.s32 $_tile_overlayer_lowered  }
0x9b: {  	s7 =	simm.s32 $0x1BFF;
	s21 =	sshll.u32 s6, $0x1;
	s4 =	sadd.s32 s4, s20  }
0x9c: {  	s22 =	simm.s32 $0x0;
	s5 =	sshll.u32 s5, $0x1;
	s6 =	sadd.s32 s21, s4  }
0x9d: {  	[timem:s22], [sflag:s7] =	dma.local [hbm:s6], s5  }
0x9e: {  	_ =	swait.ge [sflag:s7], s5  }
0x9f: {  	s5 =	ssub.s32 $0x0, s5;
	[sflag:s7] =	ssyncset.done $0x0  }
0xa0: {  	[sflag:s7] =	ssyncadd.s32 s5;
	_ =	sdelay $0x1  }
0xa1: {  	s23 =	simm.s32 $0x1B8B  }
0xa2: {  	_ =	swait.ge [sflag:s23], $0x1  }
0xa3: {  	[sflag:s23] =	ssyncset.done $0x0  }
0xa4: {  	[sflag:s23] =	ssyncadd.s32 $0xFFFFFFFF  }
0xa5: {  	s5 =	sld [smem:$0x0]  }
0xa6: {  	s6 =	sand.u32 $0xFFFFFFFE, s1  }
0xa7: {  	p0 =	sne.s32 s1, s6  }
0xa8: {  	s6 =	sshll.u32 @p0 s6, $0xE  }
0xa9: {  	s6 =	sadd.s32 @p0 $0x11B8D, s6;
	s7 =	sshll.u32 @p0 s5, $0x11  }
0xaa: {  	s6 =	sor.u32 @p0 s7, s6  }
0xab: {  	[sflag:s6] =	ssyncadd.remote.s32 @p0 $0x1;
	_ =	sdelay $0x1  }
0xac: {  	s6 =	simm.s32 @p0 $0x1B8D  }
0xad: {  	_ =	swait.eq @p0 [sflag:s6], $0x1  }
0xae: {  	[sflag:s6] =	ssyncadd.s32 @p0 $0xFFFFFFFF  }
0xaf: {  	s7 =	sshll.u32 @!p0 s1, $0xE  }
0xb0: {  	s7 =	sor.u32 @!p0 $0x4000, s7;
	s6 =	simm.s32 @!p0 $0x1B8D  }
0xb1: {  	s5 =	sshll.u32 @!p0 s5, $0x11;
	s7 =	sadd.s32 @!p0 $0x11B8D, s7;
	_ =	swait.eq @!p0 [sflag:s6], $0x1  }
0xb2: {  	s5 =	sor.u32 @!p0 s5, s7;
	[sflag:s6] =	ssyncadd.s32 @!p0 $0xFFFFFFFF  }
0xb3: {  	s25 =	simm.s32 $0x1B8E;
	s24 =	sld [smem:$0x3FFE];
	[sflag:s5] =	ssyncadd.remote.s32 @!p0 $0x1  }
0xb4: {  	s26 =	simm.s32 $execute0_lowered;
	[smem:$0x3FD2] =	sst s25  }
0xb5: {  	s6 =	sshll.u32 s26, $0x1;
	_ =	strace $0x80000049;
	[dreg:$0x1] =	wrdreg $0xFFFFFFFF  }
0xb6: {  	s28 =	simm.s32 $_size_execute0_lowered;
	s4 =	sadd.s32 s4, s6;
	[dreg:$0x0] =	wrdreg $0x0  }
0xb7: {  	s6 =	sshll.u32 s28, $0x1;
	[dreg:$0x2] =	wrdreg s4  }
0xb8: {  	[dreg:$0x3] =	wrdreg s6  }
0xb9: {  	[dreg:$0x4] =	wrdreg $0xC0  }
0xba: {  	_ =	task [dreg:s22], $0x5FFFF  }
0xbb: {  	[dreg:$0x1] =	wrdreg $0xFFFFFFFF  }
0xbc: {  	[dreg:$0x0] =	wrdreg $0x60  }
0xbd: {  	[dreg:$0x2] =	wrdreg s18  }
0xbe: {  	[dreg:$0x3] =	wrdreg s24  }
0xbf: {  	[dreg:$0x4] =	wrdreg $0xA  }
0xc0: {  	_ =	task.clear_ibuf [dreg:s22], $0x5FFFF;
	_ =	strace $0x90000049  }
0xc1: {  	s29 =	simm.s32 $0xA;
	_ =	strace $0x8000004B  }
0xc2: {  	_ =	swait.ge [sflag:s29], $0x1  }
0xc3: {  	[sflag:s29] =	ssyncadd.s32 $0xFFFFFFFF  }
0xc4: {  	_ =	strace $0x9000004B  }
0xc5: {  	_ =	sfence  }
0xc6: {  	s30 =	sld [smem:$0x0];
	_ =	sdelay $0x2  }
0xc7: {  	s31 =	sshll.u32 s1, $0xD;
	s1 =	sshrl.u32 s1, $0x2  }
0xc8: {  	s4 =	sand.u32 $0x4000, s31;
	s1 =	sadd.s32 s1, s30  }
0xc9: {  	s0 =	sor.u32 s4, s0;
	s1 =	sshll.u32 s1, $0x11  }
0xca: {  	s0 =	sor.u32 s1, s0  }
0xcb: {  	s0 =	sadd.s32 $0x8F2B, s0  }
0xcc: {  	[sflag:s0] =	ssyncadd.remote.s32 $0x1  }
0xcd: {  	_ =	sfence.sel $0xFFFF  }
0xce: {  	[dreg:$0x0] =	wrdreg $0xFFFFFFFF;
	(pc) =	sbr.abs _section_cstart, $3  }
0xcf: {  	[dreg:$0x1] =	wrdreg $0xFFFFFFFF  }
0xd0: {  	_ =	task.clear_ibuf [dreg:s22], $0x2FFFF;
	_ =	strace $0x9FFFFFFF  }
0xd1: {  	(tm) =	ssettm $0x7FFFFFFF  }
tec
execute0_lowered:
.L_overlay_start_1:
0x0: {  	(tag) =	ssettag $0x1  }
0x1: {  	s0 =	rddreg [dreg:$0x0]  }
0x2: {  	s1 =	rddreg [dreg:$0x1];
	s2 =	simm.s32 $0x0;
	s3 =	srdreg.scid  }
0x3: {  	s5 =	stileid.u32;
	s7 =	simm.s32 $0x2;
	s8 =	simm.s32 $0x200  }
0x4: {  	s9 =	simm.s32 $0x2200;
	s22 =	simm.s32 $0x1000;
	s23 =	simm.s32 $0x3000  }
0x5: {  	s24 =	simm.s32 $0x1200;
	s28 =	simm.s32 $0x3400;
	s29 =	simm.s32 $0x1600  }
0x6: {  	s30 =	simm.s32 $0x3600;
	s31 =	simm.s32 $0x1800;
	s10 =	simm.s32 $0x3A00  }
0x7: {  	s11 =	simm.s32 $0x1C00;
	s12 =	simm.s32 $0x3C00;
	s13 =	simm.s32 $0x1E00  }
0x8: {  	s14 =	simm.s32 $0x3E00;
	s15 =	simm.s32 $0x2000;
	s16 =	simm.s32 $0x4000  }
0x9: {  	s17 =	simm.s32 $0x1;
	s18 =	simm.s32 $0x0;
	[smem:$0x7FF] =	sst s2  }
0xa: {  	s4 =	sand.u32 $0x1, s3;
	s25 =	sshll.u32 s5, $0x1;
	s3 =	sadd.s32 $0x444600, s1  }
0xb: {  	_ =	strace $0x8000004A;
	s5 =	sor.u32 s4, s25;
	s4 =	ssub.s32 $0x2, s4  }
0xc: {  	s25 =	simm.s32 $0x3200;
	s6 =	sshll.u32 s5, $0xA;
	s26 =	sshrl.u32 s4, $0x1  }
0xd: {  	s5 =	sshll.u32 s5, $0x6;
	s1 =	sadd.s32 s6, s1;
	s6 =	ssub.s32 s4, s26  }
0xe: {  	s4 =	sadd.s32 s0, s5;
	s26 =	simm.s32 $0x1400;
	s0 =	simm.s32 $0x3800  }
0xf: {  	s5 =	sadd.s32 $0x73A00, s1;
	s6 =	smax.u32 s6, $0x1;
	s1 =	simm.s32 $0x1A00  }
.LBB2_1:
0x10: {  	[tilespmem:s2], [sflag:$0x2] =	stream.linear.gather [hbm4b:s4+s2], $0x200, $0x38;
	[tilespmem:$0x4200] =	vst v63  }
0x11: {  	_ =	swait.ge [sflag:s7], $0x200  }
0x12: {  	[sflag:s7] =	ssyncset.done $0x0  }
0x13: {  	s19 =	simm.s32 $0x0;
	[sflag:s7] =	ssyncadd.s32 $0xFFFFFE00  }
0x14: {  	v0 =	vld [tilespmem:s19+$0x0];
	_ =	sdelay $0x4  }
0x15: {  	v1 =	vshll.u32 v0, $0x3  }
0x16: {  	v0 =	vand.u32 $0x7F, v0;
	v1 =	vand.u32 $0xFFFFFC00, v1  }
0x17: {  	v8 =	vor.u32 v0, v1  }
0x18: {  	[tilespmem:s19+$0x200] =	vst v8;
	v0 =	vadd.s32 $0x7A1780, v8  }
0x19: {  	v1 =	vadd.s32 $0x7A1700, v8;
	[tilespmem:s19+$0x2000] =	vst v0  }
0x1a: {  	v2 =	vadd.s32 $0x7A1680, v8;
	[tilespmem:s19+$0x1E00] =	vst v1  }
0x1b: {  	v3 =	vadd.s32 $0x7A1600, v8;
	v6 =	vor.u32 $0x280, v8;
	v4 =	vadd.s32 $0x7A1580, v8;
	[tilespmem:s19+$0x1C00] =	vst v2  }
0x1c: {  	v5 =	vor.u32 $0x300, v8;
	v9 =	vadd.s32 $0x7A1500, v8;
	v7 =	vor.u32 $0x380, v8;
	[tilespmem:s19+$0x1A00] =	vst v3  }
0x1d: {  	v1 =	vor.u32 $0x80, v8;
	v0 =	vadd.s32 $0x7A1400, v8;
	v2 =	vor.u32 $0x100, v8;
	[tilespmem:s19+$0x1800] =	vst v4  }
0x1e: {  	s20 =	simm.s32 $0x40;
	v3 =	vor.u32 $0x180, v8;
	v4 =	vor.u32 $0x200, v8;
	v8 =	vadd.s32 $0x7A1480, v8;
	[tilespmem:s19+$0x1600] =	vst v9  }
.LBB2_2:
0x1f: {  	s21 =	sshra.s32 s20, $0x2;
	p0 =	sne.s32 s20, $0x7C0;
	s20 =	sadd.s32 $0x40, s20;
	[tilespmem:s19+$0x1400] =	vst v8  }
0x20: {  	v8 =	vld [tilespmem:s21+$0x0];
	[tilespmem:s19+$0xC00] =	vst v6  }
0x21: {  	[tilespmem:s19+$0x1000] =	vst v7  }
0x22: {  	[tilespmem:s19+$0x400] =	vst v1  }
0x23: {  	[tilespmem:s19+$0x600] =	vst v2  }
0x24: {  	[tilespmem:s19+$0xE00] =	vst v5  }
0x25: {  	v1 =	vshll.u32 v8, $0x3;
	v2 =	vand.u32 $0x7F, v8;
	[tilespmem:s19+$0x800] =	vst v3  }
0x26: {  	v1 =	vand.u32 $0xFFFFFC00, v1;
	[tilespmem:s19+$0x1200] =	vst v0  }
0x27: {  	v9 =	vor.u32 v2, v1;
	[tilespmem:s19+$0xA00] =	vst v4;
	s19 =	smov.u32 s21  }
0x28: {  	[tilespmem:s19+$0x200] =	vst v9;
	v1 =	vor.u32 $0x80, v9;
	v0 =	vadd.s32 $0x7A1400, v9;
	v3 =	vadd.s32 $0x7A1780, v9  }
0x29: {  	v2 =	vor.u32 $0x100, v9;
	v6 =	vor.u32 $0x280, v9;
	v4 =	vadd.s32 $0x7A1700, v9;
	[tilespmem:s19+$0x2000] =	vst v3  }
.Ltmp0:
0x2a: {  	v5 =	vor.u32 $0x300, v9;
	v8 =	vadd.s32 $0x7A1680, v9;
	v3 =	vor.u32 $0x180, v9;
	[tilespmem:s19+$0x1E00] =	vst v4;
	(pc) =	sbr.rel @p0 .LBB2_2-.Ltmp0, $4  }
0x2b: {  	v7 =	vor.u32 $0x380, v9;
	v10 =	vadd.s32 $0x7A1600, v9;
	v4 =	vor.u32 $0x200, v9;
	[tilespmem:s19+$0x1C00] =	vst v8  }
0x2c: {  	v11 =	vadd.s32 $0x7A1580, v9;
	v8 =	vadd.s32 $0x7A1480, v9;
	[tilespmem:s19+$0x1A00] =	vst v10  }
0x2d: {  	v9 =	vadd.s32 $0x7A1500, v9;
	[tilespmem:s19+$0x1800] =	vst v11  }
0x2e: {  	[tilespmem:s19+$0x1600] =	vst v9  }
0x2f: {  	[tilespmem:s19+$0x1400] =	vst v8  }
0x30: {  	[tilespmem:s19+$0xC00] =	vst v6  }
0x31: {  	[tilespmem:s19+$0x1000] =	vst v7  }
0x32: {  	[tilespmem:s19+$0x400] =	vst v1  }
0x33: {  	[tilespmem:s19+$0x600] =	vst v2  }
0x34: {  	[tilespmem:s19+$0xE00] =	vst v5  }
0x35: {  	[tilespmem:s19+$0x800] =	vst v3  }
0x36: {  	[tilespmem:s19+$0x1200] =	vst v0  }
0x37: {  	[tilespmem:s19+$0xA00] =	vst v4  }
0x38: {  	[tilespmem:s9], [sflag:$0x1] =	stream.indirect.gather [hbm4b:s3+s8], $0x1, s8, s8, $0xb8;
	[tilespmem:$0x4200] =	vst v63  }
0x39: {  	s21 =	simm.s32 $0x400;
	s20 =	simm.s32 $0x2400  }
0x3a: {  	[tilespmem:s20], [sflag:$0x1] =	stream.indirect.gather [hbm4b:s3+s8], $0x1, s21, s8, $0xb8;
	[tilespmem:$0x4200] =	vst v63  }
0x3b: {  	s20 =	simm.s32 $0x600;
	s21 =	simm.s32 $0x2600  }
0x3c: {  	[tilespmem:s21], [sflag:$0x1] =	stream.indirect.gather [hbm4b:s3+s8], $0x1, s20, s8, $0xb8;
	[tilespmem:$0x4200] =	vst v63  }
0x3d: {  	s20 =	simm.s32 $0x800;
	s21 =	simm.s32 $0x2800  }
0x3e: {  	[tilespmem:s21], [sflag:$0x1] =	stream.indirect.gather [hbm4b:s3+s8], $0x1, s20, s8, $0xb8;
	[tilespmem:$0x4200] =	vst v63  }
0x3f: {  	s20 =	simm.s32 $0xA00;
	s21 =	simm.s32 $0x2A00  }
0x40: {  	[tilespmem:s21], [sflag:$0x1] =	stream.indirect.gather [hbm4b:s3+s8], $0x1, s20, s8, $0xb8;
	[tilespmem:$0x4200] =	vst v63  }
0x41: {  	s20 =	simm.s32 $0xC00;
	s21 =	simm.s32 $0x2C00  }
0x42: {  	[tilespmem:s21], [sflag:$0x1] =	stream.indirect.gather [hbm4b:s3+s8], $0x1, s20, s8, $0xb8;
	[tilespmem:$0x4200] =	vst v63  }
0x43: {  	s20 =	simm.s32 $0xE00;
	s21 =	simm.s32 $0x2E00  }
0x44: {  	[tilespmem:s21], [sflag:$0x1] =	stream.indirect.gather [hbm4b:s3+s8], $0x1, s20, s8, $0xb8;
	[tilespmem:$0x4200] =	vst v63  }
0x45: {  	_ = 	snop  }
0x46: {  	[tilespmem:s23], [sflag:$0x1] =	stream.indirect.gather [hbm4b:s3+s8], $0x1, s22, s8, $0xb8;
	[tilespmem:$0x4200] =	vst v63  }
0x47: {  	_ = 	snop  }
0x48: {  	[tilespmem:s25], [sflag:$0x1] =	stream.indirect.gather [hbm4b:s3+s8], $0x1, s24, s8, $0xb8;
	[tilespmem:$0x4200] =	vst v63  }
0x49: {  	_ = 	snop  }
0x4a: {  	[tilespmem:s28], [sflag:$0x1] =	stream.indirect.gather [hbm4b:s3+s8], $0x1, s26, s8, $0xb8;
	[tilespmem:$0x4200] =	vst v63  }
0x4b: {  	_ = 	snop  }
0x4c: {  	[tilespmem:s30], [sflag:$0x1] =	stream.indirect.gather [hbm4b:s3+s8], $0x1, s29, s8, $0xb8;
	[tilespmem:$0x4200] =	vst v63  }
0x4d: {  	_ = 	snop  }
0x4e: {  	[tilespmem:s0], [sflag:$0x1] =	stream.indirect.gather [hbm4b:s3+s8], $0x1, s31, s8, $0xb8;
	[tilespmem:$0x4200] =	vst v63  }
0x4f: {  	_ = 	snop  }
0x50: {  	[tilespmem:s10], [sflag:$0x1] =	stream.indirect.gather [hbm4b:s3+s8], $0x1, s1, s8, $0xb8;
	[tilespmem:$0x4200] =	vst v63  }
0x51: {  	_ = 	snop  }
0x52: {  	[tilespmem:s12], [sflag:$0x1] =	stream.indirect.gather [hbm4b:s3+s8], $0x1, s11, s8, $0xb8;
	[tilespmem:$0x4200] =	vst v63  }
0x53: {  	_ = 	snop  }
0x54: {  	[tilespmem:s14], [sflag:$0x1] =	stream.indirect.gather [hbm4b:s3+s8], $0x1, s13, s8, $0xb8;
	[tilespmem:$0x4200] =	vst v63  }
0x55: {  	_ = 	snop  }
0x56: {  	[tilespmem:s16], [sflag:$0x1] =	stream.indirect.gather [hbm4b:s3+s8], $0x1, s15, s8, $0xb8;
	[tilespmem:$0x4200] =	vst v63  }
0x57: {  	_ =	swait.ge [sflag:s17], $0x200  }
0x58: {  	[sflag:s17] =	ssyncset.done $0x0  }
0x59: {  	[sflag:s17] =	ssyncadd.s32 $0xFFFFFE00  }
0x5a: {  	_ =	swait.ge [sflag:s17], $0x200  }
0x5b: {  	[sflag:s17] =	ssyncset.done $0x0  }
0x5c: {  	[sflag:s17] =	ssyncadd.s32 $0xFFFFFE00  }
0x5d: {  	_ =	swait.ge [sflag:s17], $0x200  }
0x5e: {  	[sflag:s17] =	ssyncset.done $0x0  }
0x5f: {  	[sflag:s17] =	ssyncadd.s32 $0xFFFFFE00  }
0x60: {  	_ =	swait.ge [sflag:s17], $0x200  }
0x61: {  	[sflag:s17] =	ssyncset.done $0x0  }
0x62: {  	[sflag:s17] =	ssyncadd.s32 $0xFFFFFE00  }
0x63: {  	_ =	swait.ge [sflag:s17], $0x200  }
0x64: {  	[sflag:s17] =	ssyncset.done $0x0  }
0x65: {  	[sflag:s17] =	ssyncadd.s32 $0xFFFFFE00  }
0x66: {  	_ =	swait.ge [sflag:s17], $0x200  }
0x67: {  	[sflag:s17] =	ssyncset.done $0x0  }
0x68: {  	[sflag:s17] =	ssyncadd.s32 $0xFFFFFE00  }
0x69: {  	_ =	swait.ge [sflag:s17], $0x200  }
0x6a: {  	[sflag:s17] =	ssyncset.done $0x0  }
0x6b: {  	[sflag:s17] =	ssyncadd.s32 $0xFFFFFE00  }
0x6c: {  	_ =	swait.ge [sflag:s17], $0x200  }
0x6d: {  	[sflag:s17] =	ssyncset.done $0x0  }
0x6e: {  	[sflag:s17] =	ssyncadd.s32 $0xFFFFFE00  }
0x6f: {  	_ =	swait.ge [sflag:s17], $0x200  }
0x70: {  	[sflag:s17] =	ssyncset.done $0x0  }
0x71: {  	[sflag:s17] =	ssyncadd.s32 $0xFFFFFE00  }
0x72: {  	_ =	swait.ge [sflag:s17], $0x200  }
0x73: {  	[sflag:s17] =	ssyncset.done $0x0  }
0x74: {  	[sflag:s17] =	ssyncadd.s32 $0xFFFFFE00  }
0x75: {  	_ =	swait.ge [sflag:s17], $0x200  }
0x76: {  	[sflag:s17] =	ssyncset.done $0x0  }
0x77: {  	[sflag:s17] =	ssyncadd.s32 $0xFFFFFE00  }
0x78: {  	_ =	swait.ge [sflag:s17], $0x200  }
0x79: {  	[sflag:s17] =	ssyncset.done $0x0  }
0x7a: {  	[sflag:s17] =	ssyncadd.s32 $0xFFFFFE00  }
0x7b: {  	_ =	swait.ge [sflag:s17], $0x200  }
0x7c: {  	[sflag:s17] =	ssyncset.done $0x0  }
0x7d: {  	[sflag:s17] =	ssyncadd.s32 $0xFFFFFE00  }
0x7e: {  	_ =	swait.ge [sflag:s17], $0x200  }
0x7f: {  	[sflag:s17] =	ssyncset.done $0x0  }
0x80: {  	[sflag:s17] =	ssyncadd.s32 $0xFFFFFE00  }
0x81: {  	_ =	swait.ge [sflag:s17], $0x200  }
0x82: {  	[sflag:s17] =	ssyncset.done $0x0  }
0x83: {  	[sflag:s17] =	ssyncadd.s32 $0xFFFFFE00  }
0x84: {  	s18 =	sadd.s32 $0x1, s18;
	_ =	swait.ge [sflag:s17], $0x200  }
0x85: {  	p0 =	sne.s32 s18, s6;
	[sflag:s17] =	ssyncset.done $0x0  }
.Ltmp1:
0x86: {  	[sflag:s17] =	ssyncadd.s32 $0xFFFFFE00;
	(pc) =	sbr.rel @p0 .LBB2_1-.Ltmp1, $4  }
0x87: {  	[hbm4b:s5+s2] =	stream.linear.scatter [tilespmem:s9], [sflag:$0x2], $0x2000, $0x38;
	[tilespmem:$0x4200] =	vst v63  }
0x88: {  	_ =	swait.ge [sflag:s7], $0x2000  }
0x89: {  	[sflag:s7] =	ssyncset.done $0x0  }
0x8a: {  	[sflag:s7] =	ssyncadd.s32 $0xFFFFE000  }
0x8b: {  	_ =	sfence.sel $0x180000  }
0x8c: {  	[bflag:$0x0] =	sbarrier.arrive $0xFFFF  }
0x8d: {  	_ =	strace $0x9000004A  }
0x8e: {  	s0 =	stileid.u32;
	[bflag:$0x2] =	sbarrier.arrive $0xFFFF  }
0x8f: {  	p0 =	sne.s32 s0, $0x0;
	s0 =	rddreg [dreg:$0x2]  }
0x90: {  	s0 =	sadd.s32 @!p0 $0x100000, s0  }
0x91: {  	[sflag:s0] =	ssyncadd.tile.s32 @!p0 $0x1;
	_ =	shalt  }
.Lfunc_end2:
_tile_overlayer_lowered:
.L_overlay_start_2:
0x92: {  	(tag) =	ssettag $0x2  }
0x93: {  	s0 =	rddreg [dreg:$0x0];
	s2 =	stileid.u32  }
0x94: {  	s1 =	rddreg [dreg:$0x1];
	p0 =	sne.s32 s2, $0x0  }
0x95: {  	s3 =	rddreg [dreg:$0x2];
	[bflag:$0x3] =	sbarrier.arrive $0xFFFF;
	s2 =	simm.s32 @!p0 $0x1C02  }
0x96: {  	[timem:s3], [sflag:s2] =	dma.local @!p0 [hbm:s0], s1  }
0x97: {  	s0 =	simm.s32 @!p0 $0x2  }
0x98: {  	_ =	swait.ge @!p0 [sflag:s0], s1  }
0x99: {  	s1 =	ssub.s32 @!p0 $0x0, s1;
	[sflag:s0] =	ssyncset.done @!p0 $0x0  }
0x9a: {  	[sflag:s0] =	ssyncadd.s32 @!p0 s1  }
0x9b: {  	[bflag:$0x3] =	sbarrier.arrive $0xFFFF  }
0x9c: {  	_ =	shalt  }

</sc_bundles>
